<compile_context>
chip_gen: v7x
topology: tpu7x:2x2x1
jax: 0.10.2.dev20260603
libtpu: 0.0.44.dev20260713+nightly
codegen_flags: <defaults>
</compile_context>

<pallas_src>
import functools

import jax
import jax.numpy as jnp
from jax import lax
from jax.experimental import pallas as pl
from jax.experimental.pallas import tpu as pltpu
from jax.experimental.pallas import tpu_sc as plsc

_INV_S = 1.0 / 14.0
_BS = 256
_NSLAB = 196
_NC, _NS = 2, 16
_NW = _NC * _NS
_MAXSLAB = 7
_NCH = 16


def _sqrt16(x):
    i = plsc.bitcast(x, jnp.int32)
    i = jnp.int32(0x5F3759DF) - lax.shift_right_logical(i, 1)
    y = plsc.bitcast(i, jnp.float32)
    y = y * (1.5 - 0.5 * x * y * y)
    y = y * (1.5 - 0.5 * x * y * y)
    y = y * (1.5 - 0.5 * x * y * y)
    return x * y


def _box_body(p_hbm, t_hbm, out_hbm, pbuf, tbuf, accbuf, sem_a, sem_b):
    wid = lax.axis_index("s") * _NC + lax.axis_index("c")
    lo = (wid * _NSLAB) // _NW
    hi = ((wid + 1) * _NSLAB) // _NW
    clo = jnp.minimum(lo, _NSLAB - _MAXSLAB)
    shift = lo - clo
    _HEAD = 3
    cp_a0 = pltpu.async_copy(
        p_hbm.at[pl.ds(clo, _HEAD), pl.ds(0, _NCH)],
        pbuf.at[pl.ds(0, _HEAD)], sem_a)
    cp_a1 = pltpu.async_copy(
        t_hbm.at[pl.ds(clo, _HEAD), pl.ds(0, _NCH)],
        tbuf.at[pl.ds(0, _HEAD)], sem_a)
    cp_b0 = pltpu.async_copy(
        p_hbm.at[pl.ds(clo + _HEAD, _MAXSLAB - _HEAD), pl.ds(0, _NCH)],
        pbuf.at[pl.ds(_HEAD, _MAXSLAB - _HEAD)], sem_b)
    cp_b1 = pltpu.async_copy(
        t_hbm.at[pl.ds(clo + _HEAD, _MAXSLAB - _HEAD), pl.ds(0, _NCH)],
        tbuf.at[pl.ds(_HEAD, _MAXSLAB - _HEAD)], sem_b)

    def unit(u, acc):
        s = shift + u // 16
        off = (u % 16) * 16

        def gp(c):
            return pbuf[s, c, pl.ds(off, 16)]

        def gt(c):
            return tbuf[s, c, pl.ds(off, 16)]

        px0, py0, pw0, ph0, pc0 = gp(0), gp(1), gp(2), gp(3), gp(4)
        px1, py1, pw1, ph1, pc1 = gp(5), gp(6), gp(7), gp(8), gp(9)
        tx0, ty0, tw0, th0, tc0 = gt(0), gt(1), gt(2), gt(3), gt(4)
        tx1, ty1, tw1, th1 = gt(5), gt(6), gt(7), gt(8)

        tlx = tx0 * _INV_S - 0.5 * tw0
        trx = tx0 * _INV_S + 0.5 * tw0
        tly = ty0 * _INV_S - 0.5 * th0
        try_ = ty0 * _INV_S + 0.5 * th0
        tarea = tw0 * th0

        def iou(px, py, pw, ph):
            lx = jnp.maximum(px * _INV_S - 0.5 * pw, tlx)
            rx = jnp.minimum(px * _INV_S + 0.5 * pw, trx)
            ly = jnp.maximum(py * _INV_S - 0.5 * ph, tly)
            ry = jnp.minimum(py * _INV_S + 0.5 * ph, try_)
            inter = jnp.maximum(rx - lx, 0.0) * jnp.maximum(ry - ly, 0.0)
            return inter / (pw * ph + tarea - inter)

        iou0 = iou(px0, py0, pw0, ph0)
        iou1 = iou(px1, py1, pw1, ph1)
        r = iou1 > iou0
        max_iou = jnp.maximum(iou0, iou1)

        def sel(a, b):
            return jnp.where(r, b, a)

        pxr, pyr = sel(px0, px1), sel(py0, py1)
        pwr, phr = sel(pw0, pw1), sel(ph0, ph1)
        pcr, pco = sel(pc0, pc1), sel(pc1, pc0)
        txr, tyr = sel(tx0, tx1), sel(ty0, ty1)
        twr, thr = sel(tw0, tw1), sel(th0, th1)

        dx, dy = pxr - txr, pyr - tyr
        loc = (dx * dx + dy * dy
               + (pwr + twr - 2.0 * _sqrt16(pwr * twr))
               + (phr + thr - 2.0 * _sqrt16(phr * thr)))
        dc = pcr - max_iou
        contain = dc * dc
        notresp = pco * pco
        nooterm = pc0 * pc0 + pc1 * pc1

        coo = jnp.where(tc0 > 0.0, 1.0, 0.0)
        cell = (coo * (5.0 * loc + contain + 0.5 * notresp)
                + (1.0 - coo) * 0.5 * nooterm)
        return acc + cell

    n_head = (_HEAD - shift) * 16
    n_all = (hi - lo) * 16
    cp_a0.wait()
    cp_a1.wait()
    acc = lax.fori_loop(0, n_head, unit, jnp.zeros((16,), jnp.float32))
    cp_b0.wait()
    cp_b1.wait()
    acc = lax.fori_loop(n_head, n_all, unit, acc)
    accbuf[...] = acc * (1.0 / _BS)
    pltpu.sync_copy(accbuf, out_hbm.at[wid])


_box_loss = functools.partial(
    pl.kernel,
    mesh=plsc.VectorSubcoreMesh(core_axis_name="c", subcore_axis_name="s"),
    compiler_params=pltpu.CompilerParams(needs_layout_passes=False),
    out_type=jax.ShapeDtypeStruct((_NW, 16), jnp.float32),
    scratch_types=[
        pltpu.VMEM((_MAXSLAB, _NCH, _BS), jnp.float32),
        pltpu.VMEM((_MAXSLAB, _NCH, _BS), jnp.float32),
        pltpu.VMEM((16,), jnp.float32),
        pltpu.SemaphoreType.DMA,
        pltpu.SemaphoreType.DMA,
    ],
)(_box_body)


def _cls_body(p_ref, t_ref, out_ref):
    i = pl.program_id(0)
    coo = (t_ref[:, 4, :] > 0.0).astype(jnp.float32)
    d = p_ref[:, 10:30, :] - t_ref[:, 10:30, :]
    cls = jnp.sum(d * d, axis=1)
    part = jnp.sum(cls * coo, axis=0, keepdims=True)

    @pl.when(i == 0)
    def _():
        out_ref[...] = part

    @pl.when(i != 0)
    def _():
        out_ref[...] = out_ref[...] + part


_cls_loss = pl.pallas_call(
    _cls_body,
    grid=(7,),
    in_specs=[
        pl.BlockSpec((28, 30, _BS), lambda i: (i, 0, 0)),
        pl.BlockSpec((28, 30, _BS), lambda i: (i, 0, 0)),
    ],
    out_specs=pl.BlockSpec((1, _BS), lambda i: (0, 0)),
    out_shape=jax.ShapeDtypeStruct((1, _BS), jnp.float32),
)


def kernel(prediction, target):
    pf = prediction.transpose(1, 2, 3, 0).reshape(_NSLAB, 30, _BS)
    tf = target.transpose(1, 2, 3, 0).reshape(_NSLAB, 30, _BS)
    box_parts = _box_loss(pf, tf)
    cls_parts = _cls_loss(pf, tf)
    return jnp.sum(box_parts) + jnp.sum(cls_parts) * (1.0 / _BS)

# --- scband reference (transcript-rebuilt; emitter-appended) ---
"""Pipeline reference for scband-yololoss-57836029608363 (READ-ONLY COPY).

The authoritative reference and input builder live on the scoring server;
editing this copy changes nothing except your own understanding.
"""

import jax, jax.numpy as jnp
import numpy as np

S = 14
B = 2
C = 20
LEN_PRED = 5 * B + C
L_COORD = 5.0
L_NOOBJ = 0.5


def setup_inputs(seed: int = 0) -> dict:
    key = jax.random.key(seed)
    k1, k2, k3, k4, k5 = jax.random.split(key, 5)
    bs = 256
    # prediction kept strictly positive in [0.05, 0.95) so sqrt(w), sqrt(h) are well-defined
    prediction = jax.random.uniform(k1, (bs, S, S, LEN_PRED), minval=0.05, maxval=0.95, dtype=jnp.float32)
    target = jax.random.uniform(k2, (bs, S, S, LEN_PRED), minval=0.05, maxval=0.95, dtype=jnp.float32)
    # ~15% of grid cells contain an object (conf > 0); the rest have conf == 0
    obj = jax.random.bernoulli(k3, 0.15, (bs, S, S))
    c1 = jax.random.uniform(k4, (bs, S, S), minval=0.3, maxval=1.0, dtype=jnp.float32)
    c2 = jax.random.uniform(k5, (bs, S, S), minval=0.3, maxval=1.0, dtype=jnp.float32)
    target = target.at[..., 4].set(jnp.where(obj, c1, 0.0))
    target = target.at[..., 9].set(jnp.where(obj, c2, 0.0))
    return {"prediction": prediction, "target": target}


def _to_xyxy(b):
    # torch: [x, y, w, h] -> [x1, y1, x2, y2] with center divided by S, wh not divided
    xy1 = b[..., :2] / S - 0.5 * b[..., 2:4]
    xy2 = b[..., :2] / S + 0.5 * b[..., 2:4]
    return jnp.concatenate([xy1, xy2], axis=-1)


def _loss(prediction, target, coo_mask, noo_mask):
    N = prediction.shape[0]
    pred = prediction.reshape(-1, LEN_PRED)     # (M, LEN_PRED), M = N*S*S
    tgt = target.reshape(-1, LEN_PRED)
    coo = coo_mask.reshape(-1).astype(pred.dtype)   # (M,)
    noo = noo_mask.reshape(-1).astype(pred.dtype)
    box_pred = pred[:, :B * 5].reshape(-1, B, 5)    # (M, B, 5)
    class_pred = pred[:, B * 5:]
    box_tgt = tgt[:, :B * 5].reshape(-1, B, 5)
    class_tgt = tgt[:, B * 5:]

    # vectorized form of the per-cell python loop (B pred boxes vs 1 target box per cell)
    pred_xyxy = _to_xyxy(box_pred)              # (M, B, 4)
    tgt_xyxy = _to_xyxy(box_tgt[:, 0:1, :])     # (M, 1, 4)
    lt = jnp.maximum(pred_xyxy[..., :2], tgt_xyxy[..., :2])
    rb = jnp.minimum(pred_xyxy[..., 2:4], tgt_xyxy[..., 2:4])
    wh = jnp.maximum(rb - lt, 0.0)              # wh[wh < 0] = 0
    inter = wh[..., 0] * wh[..., 1]             # (M, B)
    area1 = (pred_xyxy[..., 2] - pred_xyxy[..., 0]) * (pred_xyxy[..., 3] - pred_xyxy[..., 1])
    area2 = (tgt_xyxy[..., 2] - tgt_xyxy[..., 0]) * (tgt_xyxy[..., 3] - tgt_xyxy[..., 1])
    iou = inter / (area1 + area2 - inter)       # (M, B)
    max_iou = jax.lax.stop_gradient(jnp.max(iou, axis=1))   # torch uses .data (detached)
    max_idx = jnp.argmax(iou, axis=1)                        # (M,)

    sel = jnp.broadcast_to(max_idx[:, None, None], (box_pred.shape[0], 1, 5))
    box_pred_resp = jnp.take_along_axis(box_pred, sel, axis=1)[:, 0, :]   # (M, 5)
    box_tgt_resp = jnp.take_along_axis(box_tgt, sel, axis=1)[:, 0, :]

    # Term1 + Term2: location loss
    loc_loss = jnp.sum(coo[:, None] * (box_pred_resp[:, :2] - box_tgt_resp[:, :2]) ** 2) + \
               jnp.sum(coo[:, None] * (jnp.sqrt(box_pred_resp[:, 2:4]) - jnp.sqrt(box_tgt_resp[:, 2:4])) ** 2)
    # Term3: contain loss (responsible box conf vs detached max IOU)
    contain_loss = jnp.sum(coo * (box_pred_resp[:, 4] - max_iou) ** 2)
    # Term4 part I: not-responsible boxes conf vs 0
    not_resp = 1.0 - jax.nn.one_hot(max_idx, B, dtype=box_pred.dtype)     # (M, B)
    not_response_loss = jnp.sum(coo[:, None] * not_resp * box_pred[..., 4] ** 2)
    # Term4 part II: no-object cells, conf channels i*5+4
    conf_idx = np.arange(B) * 5 + 4
    nooobj_loss = jnp.sum(noo[:, None] * (pred[:, conf_idx] - tgt[:, conf_idx]) ** 2)
    # Term5: class loss
    class_loss = jnp.sum(coo[:, None] * (class_pred - class_tgt) ** 2)

    loss = L_COORD * loc_loss + contain_loss + L_NOOBJ * (not_response_loss + nooobj_loss) + class_loss
    return loss / N


def reference(prediction, target):
    coo = target[..., 4] > 0
    return _loss(prediction, target, coo, ~coo)

if __name__ == "__main__":
    import jax
    _d = setup_inputs()
    print(jax.jit(kernel)(*tuple(_d.values())))

</pallas_src>

<mosaic_0001>
#map = affine_map<(d0, d1) -> (0, 0, 0)>
#map1 = affine_map<(d0, d1) -> (0, 0)>
module attributes {stable_mosaic.version = 14 : i64} {
  func.func @_box_body(%arg0: i32, %arg1: i32, %arg2: memref<196x30x256xf32, #tpu.memory_space<hbm>>, %arg3: memref<196x30x256xf32, #tpu.memory_space<hbm>>, %arg4: memref<32x16xf32, #tpu.memory_space<hbm>>, %arg5: memref<7x16x256xf32, #tpu.memory_space<vmem>>, %arg6: memref<7x16x256xf32, #tpu.memory_space<vmem>>, %arg7: memref<16xf32, #tpu.memory_space<vmem>>, %arg8: memref<!tpu.dma_semaphore, #tpu.memory_space<semaphore_mem>>, %arg9: memref<!tpu.dma_semaphore, #tpu.memory_space<semaphore_mem>>) attributes {dimension_semantics = [#tpu.dimension_semantics<core_parallel>, #tpu.dimension_semantics<subcore_parallel>], iteration_bounds = array<i64: 2, 16>, scalar_prefetch = 0 : i64, scratch_operands = 5 : i64, tpu.core_type = #tpu.core_type<sc_vector_subcore>, window_params = [{transform_indices = #map}, {transform_indices = #map}, {transform_indices = #map1}]} {
    %mul3A = arith.constant 2 : i32
    %mul3A_0 = arith.muli %arg1, %mul3A : i32
    %add3A = arith.addi %mul3A_0, %arg0 : i32
    %mul3A_1 = arith.constant 196 : i32
    %mul3A_2 = arith.muli %add3A, %mul3A_1 : i32
    %jit3A = arith.constant 32 : i32
    %div3A = arith.divsi %mul3A_2, %jit3A : i32
    %sign3A = arith.constant 0 : i32
    %sign3A_3 = arith.cmpi sgt, %mul3A_2, %sign3A : i32
    %sign3A_4 = arith.extui %sign3A_3 : i1 to i32
    %sign3A_5 = arith.constant 0 : i32
    %sign3A_6 = arith.cmpi slt, %mul3A_2, %sign3A_5 : i32
    %sign3A_7 = arith.extui %sign3A_6 : i1 to i32
    %sign3A_8 = arith.subi %sign3A_4, %sign3A_7 : i32
    %sign3A_9 = arith.constant 0 : i32
    %sign3A_10 = arith.cmpi sgt, %jit3A, %sign3A_9 : i32
    %sign3A_11 = arith.extui %sign3A_10 : i1 to i32
    %sign3A_12 = arith.constant 0 : i32
    %sign3A_13 = arith.cmpi slt, %jit3A, %sign3A_12 : i32
    %sign3A_14 = arith.extui %sign3A_13 : i1 to i32
    %sign3A_15 = arith.subi %sign3A_11, %sign3A_14 : i32
    %ne3A = arith.cmpi ne, %sign3A_8, %sign3A_15 : i32
    %rem3A = arith.remsi %mul3A_2, %jit3A : i32
    %ne3A_16 = arith.constant 0 : i32
    %ne3A_17 = arith.cmpi ne, %rem3A, %ne3A_16 : i32
    %and3A = arith.andi %ne3A, %ne3A_17 : i1
    %sub3A = arith.constant 1 : i32
    %sub3A_18 = arith.subi %div3A, %sub3A : i32
    %select_n3A = arith.select %and3A, %sub3A_18, %div3A : i32
    %add3A_19 = arith.constant 1 : i32
    %add3A_20 = arith.addi %add3A, %add3A_19 : i32
    %mul3A_21 = arith.constant 196 : i32
    %mul3A_22 = arith.muli %add3A_20, %mul3A_21 : i32
    %jit3A_23 = arith.constant 32 : i32
    %div3A_24 = arith.divsi %mul3A_22, %jit3A_23 : i32
    %sign3A_25 = arith.constant 0 : i32
    %sign3A_26 = arith.cmpi sgt, %mul3A_22, %sign3A_25 : i32
    %sign3A_27 = arith.extui %sign3A_26 : i1 to i32
    %sign3A_28 = arith.constant 0 : i32
    %sign3A_29 = arith.cmpi slt, %mul3A_22, %sign3A_28 : i32
    %sign3A_30 = arith.extui %sign3A_29 : i1 to i32
    %sign3A_31 = arith.subi %sign3A_27, %sign3A_30 : i32
    %sign3A_32 = arith.constant 0 : i32
    %sign3A_33 = arith.cmpi sgt, %jit3A_23, %sign3A_32 : i32
    %sign3A_34 = arith.extui %sign3A_33 : i1 to i32
    %sign3A_35 = arith.constant 0 : i32
    %sign3A_36 = arith.cmpi slt, %jit3A_23, %sign3A_35 : i32
    %sign3A_37 = arith.extui %sign3A_36 : i1 to i32
    %sign3A_38 = arith.subi %sign3A_34, %sign3A_37 : i32
    %ne3A_39 = arith.cmpi ne, %sign3A_31, %sign3A_38 : i32
    %rem3A_40 = arith.remsi %mul3A_22, %jit3A_23 : i32
    %ne3A_41 = arith.constant 0 : i32
    %ne3A_42 = arith.cmpi ne, %rem3A_40, %ne3A_41 : i32
    %and3A_43 = arith.andi %ne3A_39, %ne3A_42 : i1
    %sub3A_44 = arith.constant 1 : i32
    %sub3A_45 = arith.subi %div3A_24, %sub3A_44 : i32
    %select_n3A_46 = arith.select %and3A_43, %sub3A_45, %div3A_24 : i32
    %min3A = arith.constant 189 : i32
    %min3A_47 = arith.minsi %select_n3A, %min3A : i32
    %sub3A_48 = arith.subi %select_n3A, %min3A_47 : i32
    %dma_start3A = arith.constant 0 : i32
    %dma_start3A_49 = arith.constant 0 : i32
    %dma_start3A_50 = arith.constant 0 : i32
    %dma_start3A_51 = tpu.memref_slice %arg5[%dma_start3A, %dma_start3A_49, %dma_start3A_50] : memref<7x16x256xf32, #tpu.memory_space<vmem>> -> memref<3x16x256xf32, #tpu.memory_space<vmem>>
    %dma_start3A_52 = arith.constant 0 : i32
    %dma_start3A_53 = arith.constant 0 : i32
    %dma_start3A_54 = tpu.memref_slice %arg2[%min3A_47, %dma_start3A_52, %dma_start3A_53] : memref<196x30x256xf32, #tpu.memory_space<hbm>> -> memref<3x16x256xf32, #tpu.memory_space<hbm>>
    %dma_start3A_55 = arith.constant 0 : i32
    %dma_start3A_56 = arith.constant 0 : i32
    %dma_start3A_57 = arith.constant 0 : i32
    %dma_start3A_58 = tpu.memref_slice %arg5[%dma_start3A_55, %dma_start3A_56, %dma_start3A_57] : memref<7x16x256xf32, #tpu.memory_space<vmem>> -> memref<3x16x256xf32, #tpu.memory_space<vmem>>
    %dma_start3A_59 = arith.constant 0 : i32
    %dma_start3A_60 = arith.constant 0 : i32
    %dma_start3A_61 = tpu.memref_slice %arg2[%min3A_47, %dma_start3A_59, %dma_start3A_60] : memref<196x30x256xf32, #tpu.memory_space<hbm>> -> memref<3x16x256xf32, #tpu.memory_space<hbm>>
    tpu.enqueue_dma source(%dma_start3A_61 : memref<3x16x256xf32, #tpu.memory_space<hbm>>) target(%dma_start3A_58 : memref<3x16x256xf32, #tpu.memory_space<vmem>>) target_semaphore(%arg8 : memref<!tpu.dma_semaphore, #tpu.memory_space<semaphore_mem>>)
    %dma_start3A_62 = arith.constant 0 : i32
    %dma_start3A_63 = arith.constant 0 : i32
    %dma_start3A_64 = arith.constant 0 : i32
    %dma_start3A_65 = tpu.memref_slice %arg6[%dma_start3A_62, %dma_start3A_63, %dma_start3A_64] : memref<7x16x256xf32, #tpu.memory_space<vmem>> -> memref<3x16x256xf32, #tpu.memory_space<vmem>>
    %dma_start3A_66 = arith.constant 0 : i32
    %dma_start3A_67 = arith.constant 0 : i32
    %dma_start3A_68 = tpu.memref_slice %arg3[%min3A_47, %dma_start3A_66, %dma_start3A_67] : memref<196x30x256xf32, #tpu.memory_space<hbm>> -> memref<3x16x256xf32, #tpu.memory_space<hbm>>
    %dma_start3A_69 = arith.constant 0 : i32
    %dma_start3A_70 = arith.constant 0 : i32
    %dma_start3A_71 = arith.constant 0 : i32
    %dma_start3A_72 = tpu.memref_slice %arg6[%dma_start3A_69, %dma_start3A_70, %dma_start3A_71] : memref<7x16x256xf32, #tpu.memory_space<vmem>> -> memref<3x16x256xf32, #tpu.memory_space<vmem>>
    %dma_start3A_73 = arith.constant 0 : i32
    %dma_start3A_74 = arith.constant 0 : i32
    %dma_start3A_75 = tpu.memref_slice %arg3[%min3A_47, %dma_start3A_73, %dma_start3A_74] : memref<196x30x256xf32, #tpu.memory_space<hbm>> -> memref<3x16x256xf32, #tpu.memory_space<hbm>>
    tpu.enqueue_dma source(%dma_start3A_75 : memref<3x16x256xf32, #tpu.memory_space<hbm>>) target(%dma_start3A_72 : memref<3x16x256xf32, #tpu.memory_space<vmem>>) target_semaphore(%arg8 : memref<!tpu.dma_semaphore, #tpu.memory_space<semaphore_mem>>)
    %add3A_76 = arith.constant 3 : i32
    %add3A_77 = arith.addi %min3A_47, %add3A_76 : i32
    %dma_start3A_78 = arith.constant 3 : i32
    %dma_start3A_79 = arith.constant 0 : i32
    %dma_start3A_80 = arith.constant 0 : i32
    %dma_start3A_81 = tpu.memref_slice %arg5[%dma_start3A_78, %dma_start3A_79, %dma_start3A_80] : memref<7x16x256xf32, #tpu.memory_space<vmem>> -> memref<4x16x256xf32, #tpu.memory_space<vmem>>
    %dma_start3A_82 = arith.constant 0 : i32
    %dma_start3A_83 = arith.constant 0 : i32
    %dma_start3A_84 = tpu.memref_slice %arg2[%add3A_77, %dma_start3A_82, %dma_start3A_83] : memref<196x30x256xf32, #tpu.memory_space<hbm>> -> memref<4x16x256xf32, #tpu.memory_space<hbm>>
    %dma_start3A_85 = arith.constant 3 : i32
    %dma_start3A_86 = arith.constant 0 : i32
    %dma_start3A_87 = arith.constant 0 : i32
    %dma_start3A_88 = tpu.memref_slice %arg5[%dma_start3A_85, %dma_start3A_86, %dma_start3A_87] : memref<7x16x256xf32, #tpu.memory_space<vmem>> -> memref<4x16x256xf32, #tpu.memory_space<vmem>>
    %dma_start3A_89 = arith.constant 0 : i32
    %dma_start3A_90 = arith.constant 0 : i32
    %dma_start3A_91 = tpu.memref_slice %arg2[%add3A_77, %dma_start3A_89, %dma_start3A_90] : memref<196x30x256xf32, #tpu.memory_space<hbm>> -> memref<4x16x256xf32, #tpu.memory_space<hbm>>
    tpu.enqueue_dma source(%dma_start3A_91 : memref<4x16x256xf32, #tpu.memory_space<hbm>>) target(%dma_start3A_88 : memref<4x16x256xf32, #tpu.memory_space<vmem>>) target_semaphore(%arg9 : memref<!tpu.dma_semaphore, #tpu.memory_space<semaphore_mem>>)
    %add3A_92 = arith.constant 3 : i32
    %add3A_93 = arith.addi %min3A_47, %add3A_92 : i32
    %dma_start3A_94 = arith.constant 3 : i32
    %dma_start3A_95 = arith.constant 0 : i32
    %dma_start3A_96 = arith.constant 0 : i32
    %dma_start3A_97 = tpu.memref_slice %arg6[%dma_start3A_94, %dma_start3A_95, %dma_start3A_96] : memref<7x16x256xf32, #tpu.memory_space<vmem>> -> memref<4x16x256xf32, #tpu.memory_space<vmem>>
    %dma_start3A_98 = arith.constant 0 : i32
    %dma_start3A_99 = arith.constant 0 : i32
    %dma_start3A_100 = tpu.memref_slice %arg3[%add3A_93, %dma_start3A_98, %dma_start3A_99] : memref<196x30x256xf32, #tpu.memory_space<hbm>> -> memref<4x16x256xf32, #tpu.memory_space<hbm>>
    %dma_start3A_101 = arith.constant 3 : i32
    %dma_start3A_102 = arith.constant 0 : i32
    %dma_start3A_103 = arith.constant 0 : i32
    %dma_start3A_104 = tpu.memref_slice %arg6[%dma_start3A_101, %dma_start3A_102, %dma_start3A_103] : memref<7x16x256xf32, #tpu.memory_space<vmem>> -> memref<4x16x256xf32, #tpu.memory_space<vmem>>
    %dma_start3A_105 = arith.constant 0 : i32
    %dma_start3A_106 = arith.constant 0 : i32
    %dma_start3A_107 = tpu.memref_slice %arg3[%add3A_93, %dma_start3A_105, %dma_start3A_106] : memref<196x30x256xf32, #tpu.memory_space<hbm>> -> memref<4x16x256xf32, #tpu.memory_space<hbm>>
    tpu.enqueue_dma source(%dma_start3A_107 : memref<4x16x256xf32, #tpu.memory_space<hbm>>) target(%dma_start3A_104 : memref<4x16x256xf32, #tpu.memory_space<vmem>>) target_semaphore(%arg9 : memref<!tpu.dma_semaphore, #tpu.memory_space<semaphore_mem>>)
    %sub3A_108 = arith.constant 3 : i32
    %sub3A_109 = arith.subi %sub3A_108, %sub3A_48 : i32
    %mul3A_110 = arith.constant 16 : i32
    %mul3A_111 = arith.muli %sub3A_109, %mul3A_110 : i32
    %sub3A_112 = arith.subi %select_n3A_46, %select_n3A : i32
    %mul3A_113 = arith.constant 16 : i32
    %mul3A_114 = arith.muli %sub3A_112, %mul3A_113 : i32
    %dma_wait3A = arith.constant 0 : i32
    %dma_wait3A_115 = arith.constant 0 : i32
    %dma_wait3A_116 = arith.constant 0 : i32
    %dma_wait3A_117 = tpu.memref_slice %arg5[%dma_wait3A, %dma_wait3A_115, %dma_wait3A_116] : memref<7x16x256xf32, #tpu.memory_space<vmem>> -> memref<3x16x256xf32, #tpu.memory_space<vmem>>
    %dma_wait3A_118 = arith.constant 0 : i32
    %dma_wait3A_119 = arith.constant 0 : i32
    %dma_wait3A_120 = tpu.memref_slice %arg2[%min3A_47, %dma_wait3A_118, %dma_wait3A_119] : memref<196x30x256xf32, #tpu.memory_space<hbm>> -> memref<3x16x256xf32, #tpu.memory_space<hbm>>
    %dma_wait3A_121 = arith.constant 0 : i32
    %dma_wait3A_122 = arith.constant 0 : i32
    %dma_wait3A_123 = arith.constant 0 : i32
    %dma_wait3A_124 = tpu.memref_slice %arg5[%dma_wait3A_121, %dma_wait3A_122, %dma_wait3A_123] : memref<7x16x256xf32, #tpu.memory_space<vmem>> -> memref<3x16x256xf32, #tpu.memory_space<vmem>>
    %dma_wait3A_125 = arith.constant 0 : i32
    %dma_wait3A_126 = arith.constant 0 : i32
    %dma_wait3A_127 = tpu.memref_slice %arg2[%min3A_47, %dma_wait3A_125, %dma_wait3A_126] : memref<196x30x256xf32, #tpu.memory_space<hbm>> -> memref<3x16x256xf32, #tpu.memory_space<hbm>>
    tpu.wait_dma2 semaphore(%arg8 : memref<!tpu.dma_semaphore, #tpu.memory_space<semaphore_mem>>) src(%dma_wait3A_127 : memref<3x16x256xf32, #tpu.memory_space<hbm>>) dst(%dma_wait3A_124 : memref<3x16x256xf32, #tpu.memory_space<vmem>>)
    %dma_wait3A_128 = arith.constant 0 : i32
    %dma_wait3A_129 = arith.constant 0 : i32
    %dma_wait3A_130 = arith.constant 0 : i32
    %dma_wait3A_131 = tpu.memref_slice %arg6[%dma_wait3A_128, %dma_wait3A_129, %dma_wait3A_130] : memref<7x16x256xf32, #tpu.memory_space<vmem>> -> memref<3x16x256xf32, #tpu.memory_space<vmem>>
    %dma_wait3A_132 = arith.constant 0 : i32
    %dma_wait3A_133 = arith.constant 0 : i32
    %dma_wait3A_134 = tpu.memref_slice %arg3[%min3A_47, %dma_wait3A_132, %dma_wait3A_133] : memref<196x30x256xf32, #tpu.memory_space<hbm>> -> memref<3x16x256xf32, #tpu.memory_space<hbm>>
    %dma_wait3A_135 = arith.constant 0 : i32
    %dma_wait3A_136 = arith.constant 0 : i32
    %dma_wait3A_137 = arith.constant 0 : i32
    %dma_wait3A_138 = tpu.memref_slice %arg6[%dma_wait3A_135, %dma_wait3A_136, %dma_wait3A_137] : memref<7x16x256xf32, #tpu.memory_space<vmem>> -> memref<3x16x256xf32, #tpu.memory_space<vmem>>
    %dma_wait3A_139 = arith.constant 0 : i32
    %dma_wait3A_140 = arith.constant 0 : i32
    %dma_wait3A_141 = tpu.memref_slice %arg3[%min3A_47, %dma_wait3A_139, %dma_wait3A_140] : memref<196x30x256xf32, #tpu.memory_space<hbm>> -> memref<3x16x256xf32, #tpu.memory_space<hbm>>
    tpu.wait_dma2 semaphore(%arg8 : memref<!tpu.dma_semaphore, #tpu.memory_space<semaphore_mem>>) src(%dma_wait3A_141 : memref<3x16x256xf32, #tpu.memory_space<hbm>>) dst(%dma_wait3A_138 : memref<3x16x256xf32, #tpu.memory_space<vmem>>)
    %broadcast_in_dim3A = arith.constant 0.000000e+00 : f32
    %broadcast_in_dim3A_142 = vector.broadcast %broadcast_in_dim3A : f32 to vector<16xf32>
    %while3A = arith.constant 0 : i32
    %while3A_143 = arith.subi %mul3A_111, %while3A : i32
    %while3A_144 = arith.addi %while3A, %while3A_143 : i32
    %while3A_145 = arith.constant 1 : i32
    %while3A_146 = arith.divsi %while3A_143, %while3A_145 : i32
    %while3A_147 = arith.muli %while3A_146, %while3A_145 : i32
    %while3A_148 = arith.addi %while3A, %while3A_147 : i32
    %while3A_149 = arith.constant 1 : i32
    %while3A_150 = scf.for %while3A_195 = %while3A to %while3A_148 step %while3A_149 iter_args(%while3A_196 = %broadcast_in_dim3A_142) -> (vector<16xf32>)  : i32 {
      %jit3A_197 = arith.constant 16 : i32
      %div3A_198 = arith.divsi %while3A_195, %jit3A_197 : i32
      %sign3A_199 = arith.constant 0 : i32
      %sign3A_200 = arith.cmpi sgt, %while3A_195, %sign3A_199 : i32
      %sign3A_201 = arith.extui %sign3A_200 : i1 to i32
      %sign3A_202 = arith.constant 0 : i32
      %sign3A_203 = arith.cmpi slt, %while3A_195, %sign3A_202 : i32
      %sign3A_204 = arith.extui %sign3A_203 : i1 to i32
      %sign3A_205 = arith.subi %sign3A_201, %sign3A_204 : i32
      %sign3A_206 = arith.constant 0 : i32
      %sign3A_207 = arith.cmpi sgt, %jit3A_197, %sign3A_206 : i32
      %sign3A_208 = arith.extui %sign3A_207 : i1 to i32
      %sign3A_209 = arith.constant 0 : i32
      %sign3A_210 = arith.cmpi slt, %jit3A_197, %sign3A_209 : i32
      %sign3A_211 = arith.extui %sign3A_210 : i1 to i32
      %sign3A_212 = arith.subi %sign3A_208, %sign3A_211 : i32
      %ne3A_213 = arith.cmpi ne, %sign3A_205, %sign3A_212 : i32
      %rem3A_214 = arith.remsi %while3A_195, %jit3A_197 : i32
      %ne3A_215 = arith.constant 0 : i32
      %ne3A_216 = arith.cmpi ne, %rem3A_214, %ne3A_215 : i32
      %and3A_217 = arith.andi %ne3A_213, %ne3A_216 : i1
      %sub3A_218 = arith.constant 1 : i32
      %sub3A_219 = arith.subi %div3A_198, %sub3A_218 : i32
      %select_n3A_220 = arith.select %and3A_217, %sub3A_219, %div3A_198 : i32
      %add3A_221 = arith.addi %sub3A_48, %select_n3A_220 : i32
      %jit3A_222 = arith.constant 16 : i32
      %eq3A = arith.constant 0 : i32
      %eq3A_223 = arith.cmpi eq, %jit3A_222, %eq3A : i32
      %jit3A_224 = arith.constant 1 : i32
      %select_n3A_225 = arith.select %eq3A_223, %jit3A_224, %jit3A_222 : i32
      %rem3A_226 = arith.remsi %while3A_195, %select_n3A_225 : i32
      %ne3A_227 = arith.constant 0 : i32
      %ne3A_228 = arith.cmpi ne, %rem3A_226, %ne3A_227 : i32
      %lt3A = arith.constant 0 : i32
      %lt3A_229 = arith.cmpi slt, %rem3A_226, %lt3A : i32
      %lt3A_230 = arith.constant 0 : i32
      %lt3A_231 = arith.cmpi slt, %select_n3A_225, %lt3A_230 : i32
      %ne3A_232 = arith.xori %lt3A_229, %lt3A_231 : i1
      %and3A_233 = arith.andi %ne3A_232, %ne3A_228 : i1
      %add3A_234 = arith.addi %rem3A_226, %select_n3A_225 : i32
      %select_n3A_235 = arith.select %and3A_233, %add3A_234, %rem3A_226 : i32
      %mul3A_236 = arith.constant 16 : i32
      %mul3A_237 = arith.muli %select_n3A_235, %mul3A_236 : i32
      %get3A = arith.constant 0 : i32
      %get3A_238 = arith.index_cast %add3A_221 : i32 to index
      %get3A_239 = arith.index_cast %get3A : i32 to index
      %get3A_240 = arith.index_cast %mul3A_237 : i32 to index
      %get3A_241 = tpu.vector_load %arg5[%get3A_238, %get3A_239, %get3A_240] {strides = array<i32>} : memref<7x16x256xf32, #tpu.memory_space<vmem>>, vector<16xf32>,
      %get3A_242 = arith.constant 1 : i32
      %get3A_243 = arith.index_cast %add3A_221 : i32 to index
      %get3A_244 = arith.index_cast %get3A_242 : i32 to index
      %get3A_245 = arith.index_cast %mul3A_237 : i32 to index
      %get3A_246 = tpu.vector_load %arg5[%get3A_243, %get3A_244, %get3A_245] {strides = array<i32>} : memref<7x16x256xf32, #tpu.memory_space<vmem>>, vector<16xf32>,
      %get3A_247 = arith.constant 2 : i32
      %get3A_248 = arith.index_cast %add3A_221 : i32 to index
      %get3A_249 = arith.index_cast %get3A_247 : i32 to index
      %get3A_250 = arith.index_cast %mul3A_237 : i32 to index
      %get3A_251 = tpu.vector_load %arg5[%get3A_248, %get3A_249, %get3A_250] {strides = array<i32>} : memref<7x16x256xf32, #tpu.memory_space<vmem>>, vector<16xf32>,
      %get3A_252 = arith.constant 3 : i32
      %get3A_253 = arith.index_cast %add3A_221 : i32 to index
      %get3A_254 = arith.index_cast %get3A_252 : i32 to index
      %get3A_255 = arith.index_cast %mul3A_237 : i32 to index
      %get3A_256 = tpu.vector_load %arg5[%get3A_253, %get3A_254, %get3A_255] {strides = array<i32>} : memref<7x16x256xf32, #tpu.memory_space<vmem>>, vector<16xf32>,
      %get3A_257 = arith.constant 4 : i32
      %get3A_258 = arith.index_cast %add3A_221 : i32 to index
      %get3A_259 = arith.index_cast %get3A_257 : i32 to index
      %get3A_260 = arith.index_cast %mul3A_237 : i32 to index
      %get3A_261 = tpu.vector_load %arg5[%get3A_258, %get3A_259, %get3A_260] {strides = array<i32>} : memref<7x16x256xf32, #tpu.memory_space<vmem>>, vector<16xf32>,
      %get3A_262 = arith.constant 5 : i32
      %get3A_263 = arith.index_cast %add3A_221 : i32 to index
      %get3A_264 = arith.index_cast %get3A_262 : i32 to index
      %get3A_265 = arith.index_cast %mul3A_237 : i32 to index
      %get3A_266 = tpu.vector_load %arg5[%get3A_263, %get3A_264, %get3A_265] {strides = array<i32>} : memref<7x16x256xf32, #tpu.memory_space<vmem>>, vector<16xf32>,
      %get3A_267 = arith.constant 6 : i32
      %get3A_268 = arith.index_cast %add3A_221 : i32 to index
      %get3A_269 = arith.index_cast %get3A_267 : i32 to index
      %get3A_270 = arith.index_cast %mul3A_237 : i32 to index
      %get3A_271 = tpu.vector_load %arg5[%get3A_268, %get3A_269, %get3A_270] {strides = array<i32>} : memref<7x16x256xf32, #tpu.memory_space<vmem>>, vector<16xf32>,
      %get3A_272 = arith.constant 7 : i32
      %get3A_273 = arith.index_cast %add3A_221 : i32 to index
      %get3A_274 = arith.index_cast %get3A_272 : i32 to index
      %get3A_275 = arith.index_cast %mul3A_237 : i32 to index
      %get3A_276 = tpu.vector_load %arg5[%get3A_273, %get3A_274, %get3A_275] {strides = array<i32>} : memref<7x16x256xf32, #tpu.memory_space<vmem>>, vector<16xf32>,
      %get3A_277 = arith.constant 8 : i32
      %get3A_278 = arith.index_cast %add3A_221 : i32 to index
      %get3A_279 = arith.index_cast %get3A_277 : i32 to index
      %get3A_280 = arith.index_cast %mul3A_237 : i32 to index
      %get3A_281 = tpu.vector_load %arg5[%get3A_278, %get3A_279, %get3A_280] {strides = array<i32>} : memref<7x16x256xf32, #tpu.memory_space<vmem>>, vector<16xf32>,
      %get3A_282 = arith.constant 9 : i32
      %get3A_283 = arith.index_cast %add3A_221 : i32 to index
      %get3A_284 = arith.index_cast %get3A_282 : i32 to index
      %get3A_285 = arith.index_cast %mul3A_237 : i32 to index
      %get3A_286 = tpu.vector_load %arg5[%get3A_283, %get3A_284, %get3A_285] {strides = array<i32>} : memref<7x16x256xf32, #tpu.memory_space<vmem>>, vector<16xf32>,
      %get3A_287 = arith.constant 0 : i32
      %get3A_288 = arith.index_cast %add3A_221 : i32 to index
      %get3A_289 = arith.index_cast %get3A_287 : i32 to index
      %get3A_290 = arith.index_cast %mul3A_237 : i32 to index
      %get3A_291 = tpu.vector_load %arg6[%get3A_288, %get3A_289, %get3A_290] {strides = array<i32>} : memref<7x16x256xf32, #tpu.memory_space<vmem>>, vector<16xf32>,
      %get3A_292 = arith.constant 1 : i32
      %get3A_293 = arith.index_cast %add3A_221 : i32 to index
      %get3A_294 = arith.index_cast %get3A_292 : i32 to index
      %get3A_295 = arith.index_cast %mul3A_237 : i32 to index
      %get3A_296 = tpu.vector_load %arg6[%get3A_293, %get3A_294, %get3A_295] {strides = array<i32>} : memref<7x16x256xf32, #tpu.memory_space<vmem>>, vector<16xf32>,
      %get3A_297 = arith.constant 2 : i32
      %get3A_298 = arith.index_cast %add3A_221 : i32 to index
      %get3A_299 = arith.index_cast %get3A_297 : i32 to index
      %get3A_300 = arith.index_cast %mul3A_237 : i32 to index
      %get3A_301 = tpu.vector_load %arg6[%get3A_298, %get3A_299, %get3A_300] {strides = array<i32>} : memref<7x16x256xf32, #tpu.memory_space<vmem>>, vector<16xf32>,
      %get3A_302 = arith.constant 3 : i32
      %get3A_303 = arith.index_cast %add3A_221 : i32 to index
      %get3A_304 = arith.index_cast %get3A_302 : i32 to index
      %get3A_305 = arith.index_cast %mul3A_237 : i32 to index
      %get3A_306 = tpu.vector_load %arg6[%get3A_303, %get3A_304, %get3A_305] {strides = array<i32>} : memref<7x16x256xf32, #tpu.memory_space<vmem>>, vector<16xf32>,
      %get3A_307 = arith.constant 4 : i32
      %get3A_308 = arith.index_cast %add3A_221 : i32 to index
      %get3A_309 = arith.index_cast %get3A_307 : i32 to index
      %get3A_310 = arith.index_cast %mul3A_237 : i32 to index
      %get3A_311 = tpu.vector_load %arg6[%get3A_308, %get3A_309, %get3A_310] {strides = array<i32>} : memref<7x16x256xf32, #tpu.memory_space<vmem>>, vector<16xf32>,
      %get3A_312 = arith.constant 5 : i32
      %get3A_313 = arith.index_cast %add3A_221 : i32 to index
      %get3A_314 = arith.index_cast %get3A_312 : i32 to index
      %get3A_315 = arith.index_cast %mul3A_237 : i32 to index
      %get3A_316 = tpu.vector_load %arg6[%get3A_313, %get3A_314, %get3A_315] {strides = array<i32>} : memref<7x16x256xf32, #tpu.memory_space<vmem>>, vector<16xf32>,
      %get3A_317 = arith.constant 6 : i32
      %get3A_318 = arith.index_cast %add3A_221 : i32 to index
      %get3A_319 = arith.index_cast %get3A_317 : i32 to index
      %get3A_320 = arith.index_cast %mul3A_237 : i32 to index
      %get3A_321 = tpu.vector_load %arg6[%get3A_318, %get3A_319, %get3A_320] {strides = array<i32>} : memref<7x16x256xf32, #tpu.memory_space<vmem>>, vector<16xf32>,
      %get3A_322 = arith.constant 7 : i32
      %get3A_323 = arith.index_cast %add3A_221 : i32 to index
      %get3A_324 = arith.index_cast %get3A_322 : i32 to index
      %get3A_325 = arith.index_cast %mul3A_237 : i32 to index
      %get3A_326 = tpu.vector_load %arg6[%get3A_323, %get3A_324, %get3A_325] {strides = array<i32>} : memref<7x16x256xf32, #tpu.memory_space<vmem>>, vector<16xf32>,
      %get3A_327 = arith.constant 8 : i32
      %get3A_328 = arith.index_cast %add3A_221 : i32 to index
      %get3A_329 = arith.index_cast %get3A_327 : i32 to index
      %get3A_330 = arith.index_cast %mul3A_237 : i32 to index
      %get3A_331 = tpu.vector_load %arg6[%get3A_328, %get3A_329, %get3A_330] {strides = array<i32>} : memref<7x16x256xf32, #tpu.memory_space<vmem>>, vector<16xf32>,
      %mul3A_332 = arith.constant 0.0714285746 : f32
      %mul3A_333 = vector.broadcast %mul3A_332 : f32 to vector<16xf32>
      %mul3A_334 = arith.mulf %get3A_291, %mul3A_333 : vector<16xf32>
      %mul3A_335 = arith.constant 5.000000e-01 : f32
      %mul3A_336 = vector.broadcast %mul3A_335 : f32 to vector<16xf32>
      %mul3A_337 = arith.mulf %mul3A_336, %get3A_301 : vector<16xf32>
      %sub3A_338 = arith.subf %mul3A_334, %mul3A_337 : vector<16xf32>
      %mul3A_339 = arith.constant 0.0714285746 : f32
      %mul3A_340 = vector.broadcast %mul3A_339 : f32 to vector<16xf32>
      %mul3A_341 = arith.mulf %get3A_291, %mul3A_340 : vector<16xf32>
      %mul3A_342 = arith.constant 5.000000e-01 : f32
      %mul3A_343 = vector.broadcast %mul3A_342 : f32 to vector<16xf32>
      %mul3A_344 = arith.mulf %mul3A_343, %get3A_301 : vector<16xf32>
      %add3A_345 = arith.addf %mul3A_341, %mul3A_344 : vector<16xf32>
      %mul3A_346 = arith.constant 0.0714285746 : f32
      %mul3A_347 = vector.broadcast %mul3A_346 : f32 to vector<16xf32>
      %mul3A_348 = arith.mulf %get3A_296, %mul3A_347 : vector<16xf32>
      %mul3A_349 = arith.constant 5.000000e-01 : f32
      %mul3A_350 = vector.broadcast %mul3A_349 : f32 to vector<16xf32>
      %mul3A_351 = arith.mulf %mul3A_350, %get3A_306 : vector<16xf32>
      %sub3A_352 = arith.subf %mul3A_348, %mul3A_351 : vector<16xf32>
      %mul3A_353 = arith.constant 0.0714285746 : f32
      %mul3A_354 = vector.broadcast %mul3A_353 : f32 to vector<16xf32>
      %mul3A_355 = arith.mulf %get3A_296, %mul3A_354 : vector<16xf32>
      %mul3A_356 = arith.constant 5.000000e-01 : f32
      %mul3A_357 = vector.broadcast %mul3A_356 : f32 to vector<16xf32>
      %mul3A_358 = arith.mulf %mul3A_357, %get3A_306 : vector<16xf32>
      %add3A_359 = arith.addf %mul3A_355, %mul3A_358 : vector<16xf32>
      %mul3A_360 = arith.mulf %get3A_301, %get3A_306 : vector<16xf32>
      %mul3A_361 = arith.constant 0.0714285746 : f32
      %mul3A_362 = vector.broadcast %mul3A_361 : f32 to vector<16xf32>
      %mul3A_363 = arith.mulf %get3A_241, %mul3A_362 : vector<16xf32>
      %mul3A_364 = arith.constant 5.000000e-01 : f32
      %mul3A_365 = vector.broadcast %mul3A_364 : f32 to vector<16xf32>
      %mul3A_366 = arith.mulf %mul3A_365, %get3A_251 : vector<16xf32>
      %sub3A_367 = arith.subf %mul3A_363, %mul3A_366 : vector<16xf32>
      %max3A = arith.maximumf %sub3A_367, %sub3A_338 : vector<16xf32>
      %mul3A_368 = arith.constant 0.0714285746 : f32
      %mul3A_369 = vector.broadcast %mul3A_368 : f32 to vector<16xf32>
      %mul3A_370 = arith.mulf %get3A_241, %mul3A_369 : vector<16xf32>
      %mul3A_371 = arith.constant 5.000000e-01 : f32
      %mul3A_372 = vector.broadcast %mul3A_371 : f32 to vector<16xf32>
      %mul3A_373 = arith.mulf %mul3A_372, %get3A_251 : vector<16xf32>
      %add3A_374 = arith.addf %mul3A_370, %mul3A_373 : vector<16xf32>
      %min3A_375 = arith.minimumf %add3A_374, %add3A_345 : vector<16xf32>
      %mul3A_376 = arith.constant 0.0714285746 : f32
      %mul3A_377 = vector.broadcast %mul3A_376 : f32 to vector<16xf32>
      %mul3A_378 = arith.mulf %get3A_246, %mul3A_377 : vector<16xf32>
      %mul3A_379 = arith.constant 5.000000e-01 : f32
      %mul3A_380 = vector.broadcast %mul3A_379 : f32 to vector<16xf32>
      %mul3A_381 = arith.mulf %mul3A_380, %get3A_256 : vector<16xf32>
      %sub3A_382 = arith.subf %mul3A_378, %mul3A_381 : vector<16xf32>
      %max3A_383 = arith.maximumf %sub3A_382, %sub3A_352 : vector<16xf32>
      %mul3A_384 = arith.constant 0.0714285746 : f32
      %mul3A_385 = vector.broadcast %mul3A_384 : f32 to vector<16xf32>
      %mul3A_386 = arith.mulf %get3A_246, %mul3A_385 : vector<16xf32>
      %mul3A_387 = arith.constant 5.000000e-01 : f32
      %mul3A_388 = vector.broadcast %mul3A_387 : f32 to vector<16xf32>
      %mul3A_389 = arith.mulf %mul3A_388, %get3A_256 : vector<16xf32>
      %add3A_390 = arith.addf %mul3A_386, %mul3A_389 : vector<16xf32>
      %min3A_391 = arith.minimumf %add3A_390, %add3A_359 : vector<16xf32>
      %sub3A_392 = arith.subf %min3A_375, %max3A : vector<16xf32>
      %max3A_393 = arith.constant 0.000000e+00 : f32
      %max3A_394 = vector.broadcast %max3A_393 : f32 to vector<16xf32>
      %max3A_395 = arith.maximumf %sub3A_392, %max3A_394 : vector<16xf32>
      %sub3A_396 = arith.subf %min3A_391, %max3A_383 : vector<16xf32>
      %max3A_397 = arith.constant 0.000000e+00 : f32
      %max3A_398 = vector.broadcast %max3A_397 : f32 to vector<16xf32>
      %max3A_399 = arith.maximumf %sub3A_396, %max3A_398 : vector<16xf32>
      %mul3A_400 = arith.mulf %max3A_395, %max3A_399 : vector<16xf32>
      %mul3A_401 = arith.mulf %get3A_251, %get3A_256 : vector<16xf32>
      %add3A_402 = arith.addf %mul3A_401, %mul3A_360 : vector<16xf32>
      %sub3A_403 = arith.subf %add3A_402, %mul3A_400 : vector<16xf32>
      %div3A_404 = arith.divf %mul3A_400, %sub3A_403 : vector<16xf32>
      %mul3A_405 = arith.constant 0.0714285746 : f32
      %mul3A_406 = vector.broadcast %mul3A_405 : f32 to vector<16xf32>
      %mul3A_407 = arith.mulf %get3A_266, %mul3A_406 : vector<16xf32>
      %mul3A_408 = arith.constant 5.000000e-01 : f32
      %mul3A_409 = vector.broadcast %mul3A_408 : f32 to vector<16xf32>
      %mul3A_410 = arith.mulf %mul3A_409, %get3A_276 : vector<16xf32>
      %sub3A_411 = arith.subf %mul3A_407, %mul3A_410 : vector<16xf32>
      %max3A_412 = arith.maximumf %sub3A_411, %sub3A_338 : vector<16xf32>
      %mul3A_413 = arith.constant 0.0714285746 : f32
      %mul3A_414 = vector.broadcast %mul3A_413 : f32 to vector<16xf32>
      %mul3A_415 = arith.mulf %get3A_266, %mul3A_414 : vector<16xf32>
      %mul3A_416 = arith.constant 5.000000e-01 : f32
      %mul3A_417 = vector.broadcast %mul3A_416 : f32 to vector<16xf32>
      %mul3A_418 = arith.mulf %mul3A_417, %get3A_276 : vector<16xf32>
      %add3A_419 = arith.addf %mul3A_415, %mul3A_418 : vector<16xf32>
      %min3A_420 = arith.minimumf %add3A_419, %add3A_345 : vector<16xf32>
      %mul3A_421 = arith.constant 0.0714285746 : f32
      %mul3A_422 = vector.broadcast %mul3A_421 : f32 to vector<16xf32>
      %mul3A_423 = arith.mulf %get3A_271, %mul3A_422 : vector<16xf32>
      %mul3A_424 = arith.constant 5.000000e-01 : f32
      %mul3A_425 = vector.broadcast %mul3A_424 : f32 to vector<16xf32>
      %mul3A_426 = arith.mulf %mul3A_425, %get3A_281 : vector<16xf32>
      %sub3A_427 = arith.subf %mul3A_423, %mul3A_426 : vector<16xf32>
      %max3A_428 = arith.maximumf %sub3A_427, %sub3A_352 : vector<16xf32>
      %mul3A_429 = arith.constant 0.0714285746 : f32
      %mul3A_430 = vector.broadcast %mul3A_429 : f32 to vector<16xf32>
      %mul3A_431 = arith.mulf %get3A_271, %mul3A_430 : vector<16xf32>
      %mul3A_432 = arith.constant 5.000000e-01 : f32
      %mul3A_433 = vector.broadcast %mul3A_432 : f32 to vector<16xf32>
      %mul3A_434 = arith.mulf %mul3A_433, %get3A_281 : vector<16xf32>
      %add3A_435 = arith.addf %mul3A_431, %mul3A_434 : vector<16xf32>
      %min3A_436 = arith.minimumf %add3A_435, %add3A_359 : vector<16xf32>
      %sub3A_437 = arith.subf %min3A_420, %max3A_412 : vector<16xf32>
      %max3A_438 = arith.constant 0.000000e+00 : f32
      %max3A_439 = vector.broadcast %max3A_438 : f32 to vector<16xf32>
      %max3A_440 = arith.maximumf %sub3A_437, %max3A_439 : vector<16xf32>
      %sub3A_441 = arith.subf %min3A_436, %max3A_428 : vector<16xf32>
      %max3A_442 = arith.constant 0.000000e+00 : f32
      %max3A_443 = vector.broadcast %max3A_442 : f32 to vector<16xf32>
      %max3A_444 = arith.maximumf %sub3A_441, %max3A_443 : vector<16xf32>
      %mul3A_445 = arith.mulf %max3A_440, %max3A_444 : vector<16xf32>
      %mul3A_446 = arith.mulf %get3A_276, %get3A_281 : vector<16xf32>
      %add3A_447 = arith.addf %mul3A_446, %mul3A_360 : vector<16xf32>
      %sub3A_448 = arith.subf %add3A_447, %mul3A_445 : vector<16xf32>
      %div3A_449 = arith.divf %mul3A_445, %sub3A_448 : vector<16xf32>
      %gt3A = arith.cmpf ogt, %div3A_449, %div3A_404 : vector<16xf32>
      %max3A_450 = arith.maximumf %div3A_404, %div3A_449 : vector<16xf32>
      %select_n3A_451 = arith.select %gt3A, %get3A_266, %get3A_241 : vector<16xi1>, vector<16xf32>
      %select_n3A_452 = arith.select %gt3A, %get3A_271, %get3A_246 : vector<16xi1>, vector<16xf32>
      %select_n3A_453 = arith.select %gt3A, %get3A_276, %get3A_251 : vector<16xi1>, vector<16xf32>
      %select_n3A_454 = arith.select %gt3A, %get3A_281, %get3A_256 : vector<16xi1>, vector<16xf32>
      %select_n3A_455 = arith.select %gt3A, %get3A_286, %get3A_261 : vector<16xi1>, vector<16xf32>
      %select_n3A_456 = arith.select %gt3A, %get3A_261, %get3A_286 : vector<16xi1>, vector<16xf32>
      %select_n3A_457 = arith.select %gt3A, %get3A_316, %get3A_291 : vector<16xi1>, vector<16xf32>
      %select_n3A_458 = arith.select %gt3A, %get3A_321, %get3A_296 : vector<16xi1>, vector<16xf32>
      %select_n3A_459 = arith.select %gt3A, %get3A_326, %get3A_301 : vector<16xi1>, vector<16xf32>
      %select_n3A_460 = arith.select %gt3A, %get3A_331, %get3A_306 : vector<16xi1>, vector<16xf32>
      %sub3A_461 = arith.subf %select_n3A_451, %select_n3A_457 : vector<16xf32>
      %sub3A_462 = arith.subf %select_n3A_452, %select_n3A_458 : vector<16xf32>
      %mul3A_463 = arith.mulf %sub3A_461, %sub3A_461 : vector<16xf32>
      %mul3A_464 = arith.mulf %sub3A_462, %sub3A_462 : vector<16xf32>
      %add3A_465 = arith.addf %mul3A_463, %mul3A_464 : vector<16xf32>
      %add3A_466 = arith.addf %select_n3A_453, %select_n3A_459 : vector<16xf32>
      %mul3A_467 = arith.mulf %select_n3A_453, %select_n3A_459 : vector<16xf32>
      %bitcast3A = vector.bitcast %mul3A_467 : vector<16xf32> to vector<16xi32>
      %shift_right_logical3A = arith.constant 1 : i32
      %shift_right_logical3A_468 = vector.broadcast %shift_right_logical3A : i32 to vector<16xi32>
      %shift_right_logical3A_469 = arith.shrui %bitcast3A, %shift_right_logical3A_468 : vector<16xi32>
      %sub3A_470 = arith.constant 1597463007 : i32
      %sub3A_471 = vector.broadcast %sub3A_470 : i32 to vector<16xi32>
      %sub3A_472 = arith.subi %sub3A_471, %shift_right_logical3A_469 : vector<16xi32>
      %bitcast3A_473 = vector.bitcast %sub3A_472 : vector<16xi32> to vector<16xf32>
      %mul3A_474 = arith.constant 5.000000e-01 : f32
      %mul3A_475 = vector.broadcast %mul3A_474 : f32 to vector<16xf32>
      %mul3A_476 = arith.mulf %mul3A_475, %mul3A_467 : vector<16xf32>
      %mul3A_477 = arith.mulf %mul3A_476, %bitcast3A_473 : vector<16xf32>
      %mul3A_478 = arith.mulf %mul3A_477, %bitcast3A_473 : vector<16xf32>
      %sub3A_479 = arith.constant 1.500000e+00 : f32
      %sub3A_480 = vector.broadcast %sub3A_479 : f32 to vector<16xf32>
      %sub3A_481 = arith.subf %sub3A_480, %mul3A_478 : vector<16xf32>
      %mul3A_482 = arith.mulf %bitcast3A_473, %sub3A_481 : vector<16xf32>
      %mul3A_483 = arith.constant 5.000000e-01 : f32
      %mul3A_484 = vector.broadcast %mul3A_483 : f32 to vector<16xf32>
      %mul3A_485 = arith.mulf %mul3A_484, %mul3A_467 : vector<16xf32>
      %mul3A_486 = arith.mulf %mul3A_485, %mul3A_482 : vector<16xf32>
      %mul3A_487 = arith.mulf %mul3A_486, %mul3A_482 : vector<16xf32>
      %sub3A_488 = arith.constant 1.500000e+00 : f32
      %sub3A_489 = vector.broadcast %sub3A_488 : f32 to vector<16xf32>
      %sub3A_490 = arith.subf %sub3A_489, %mul3A_487 : vector<16xf32>
      %mul3A_491 = arith.mulf %mul3A_482, %sub3A_490 : vector<16xf32>
      %mul3A_492 = arith.constant 5.000000e-01 : f32
      %mul3A_493 = vector.broadcast %mul3A_492 : f32 to vector<16xf32>
      %mul3A_494 = arith.mulf %mul3A_493, %mul3A_467 : vector<16xf32>
      %mul3A_495 = arith.mulf %mul3A_494, %mul3A_491 : vector<16xf32>
      %mul3A_496 = arith.mulf %mul3A_495, %mul3A_491 : vector<16xf32>
      %sub3A_497 = arith.constant 1.500000e+00 : f32
      %sub3A_498 = vector.broadcast %sub3A_497 : f32 to vector<16xf32>
      %sub3A_499 = arith.subf %sub3A_498, %mul3A_496 : vector<16xf32>
      %mul3A_500 = arith.mulf %mul3A_491, %sub3A_499 : vector<16xf32>
      %mul3A_501 = arith.mulf %mul3A_467, %mul3A_500 : vector<16xf32>
      %mul3A_502 = arith.constant 2.000000e+00 : f32
      %mul3A_503 = vector.broadcast %mul3A_502 : f32 to vector<16xf32>
      %mul3A_504 = arith.mulf %mul3A_503, %mul3A_501 : vector<16xf32>
      %sub3A_505 = arith.subf %add3A_466, %mul3A_504 : vector<16xf32>
      %add3A_506 = arith.addf %add3A_465, %sub3A_505 : vector<16xf32>
      %add3A_507 = arith.addf %select_n3A_454, %select_n3A_460 : vector<16xf32>
      %mul3A_508 = arith.mulf %select_n3A_454, %select_n3A_460 : vector<16xf32>
      %bitcast3A_509 = vector.bitcast %mul3A_508 : vector<16xf32> to vector<16xi32>
      %shift_right_logical3A_510 = arith.constant 1 : i32
      %shift_right_logical3A_511 = vector.broadcast %shift_right_logical3A_510 : i32 to vector<16xi32>
      %shift_right_logical3A_512 = arith.shrui %bitcast3A_509, %shift_right_logical3A_511 : vector<16xi32>
      %sub3A_513 = arith.constant 1597463007 : i32
      %sub3A_514 = vector.broadcast %sub3A_513 : i32 to vector<16xi32>
      %sub3A_515 = arith.subi %sub3A_514, %shift_right_logical3A_512 : vector<16xi32>
      %bitcast3A_516 = vector.bitcast %sub3A_515 : vector<16xi32> to vector<16xf32>
      %mul3A_517 = arith.constant 5.000000e-01 : f32
      %mul3A_518 = vector.broadcast %mul3A_517 : f32 to vector<16xf32>
      %mul3A_519 = arith.mulf %mul3A_518, %mul3A_508 : vector<16xf32>
      %mul3A_520 = arith.mulf %mul3A_519, %bitcast3A_516 : vector<16xf32>
      %mul3A_521 = arith.mulf %mul3A_520, %bitcast3A_516 : vector<16xf32>
      %sub3A_522 = arith.constant 1.500000e+00 : f32
      %sub3A_523 = vector.broadcast %sub3A_522 : f32 to vector<16xf32>
      %sub3A_524 = arith.subf %sub3A_523, %mul3A_521 : vector<16xf32>
      %mul3A_525 = arith.mulf %bitcast3A_516, %sub3A_524 : vector<16xf32>
      %mul3A_526 = arith.constant 5.000000e-01 : f32
      %mul3A_527 = vector.broadcast %mul3A_526 : f32 to vector<16xf32>
      %mul3A_528 = arith.mulf %mul3A_527, %mul3A_508 : vector<16xf32>
      %mul3A_529 = arith.mulf %mul3A_528, %mul3A_525 : vector<16xf32>
      %mul3A_530 = arith.mulf %mul3A_529, %mul3A_525 : vector<16xf32>
      %sub3A_531 = arith.constant 1.500000e+00 : f32
      %sub3A_532 = vector.broadcast %sub3A_531 : f32 to vector<16xf32>
      %sub3A_533 = arith.subf %sub3A_532, %mul3A_530 : vector<16xf32>
      %mul3A_534 = arith.mulf %mul3A_525, %sub3A_533 : vector<16xf32>
      %mul3A_535 = arith.constant 5.000000e-01 : f32
      %mul3A_536 = vector.broadcast %mul3A_535 : f32 to vector<16xf32>
      %mul3A_537 = arith.mulf %mul3A_536, %mul3A_508 : vector<16xf32>
      %mul3A_538 = arith.mulf %mul3A_537, %mul3A_534 : vector<16xf32>
      %mul3A_539 = arith.mulf %mul3A_538, %mul3A_534 : vector<16xf32>
      %sub3A_540 = arith.constant 1.500000e+00 : f32
      %sub3A_541 = vector.broadcast %sub3A_540 : f32 to vector<16xf32>
      %sub3A_542 = arith.subf %sub3A_541, %mul3A_539 : vector<16xf32>
      %mul3A_543 = arith.mulf %mul3A_534, %sub3A_542 : vector<16xf32>
      %mul3A_544 = arith.mulf %mul3A_508, %mul3A_543 : vector<16xf32>
      %mul3A_545 = arith.constant 2.000000e+00 : f32
      %mul3A_546 = vector.broadcast %mul3A_545 : f32 to vector<16xf32>
      %mul3A_547 = arith.mulf %mul3A_546, %mul3A_544 : vector<16xf32>
      %sub3A_548 = arith.subf %add3A_507, %mul3A_547 : vector<16xf32>
      %add3A_549 = arith.addf %add3A_506, %sub3A_548 : vector<16xf32>
      %sub3A_550 = arith.subf %select_n3A_455, %max3A_450 : vector<16xf32>
      %mul3A_551 = arith.mulf %sub3A_550, %sub3A_550 : vector<16xf32>
      %mul3A_552 = arith.mulf %select_n3A_456, %select_n3A_456 : vector<16xf32>
      %mul3A_553 = arith.mulf %get3A_261, %get3A_261 : vector<16xf32>
      %mul3A_554 = arith.mulf %get3A_286, %get3A_286 : vector<16xf32>
      %add3A_555 = arith.addf %mul3A_553, %mul3A_554 : vector<16xf32>
      %gt3A_556 = arith.constant 0.000000e+00 : f32
      %gt3A_557 = vector.broadcast %gt3A_556 : f32 to vector<16xf32>
      %gt3A_558 = arith.cmpf ogt, %get3A_311, %gt3A_557 : vector<16xf32>
      %jit3A_559 = arith.constant 1.000000e+00 : f32
      %jit3A_560 = arith.constant 0.000000e+00 : f32
      %broadcast_in_dim3A_561 = vector.broadcast %jit3A_559 : f32 to vector<16xf32>
      %broadcast_in_dim3A_562 = vector.broadcast %jit3A_560 : f32 to vector<16xf32>
      %select_n3A_563 = arith.select %gt3A_558, %broadcast_in_dim3A_561, %broadcast_in_dim3A_562 : vector<16xi1>, vector<16xf32>
      %mul3A_564 = arith.constant 5.000000e+00 : f32
      %mul3A_565 = vector.broadcast %mul3A_564 : f32 to vector<16xf32>
      %mul3A_566 = arith.mulf %mul3A_565, %add3A_549 : vector<16xf32>
      %add3A_567 = arith.addf %mul3A_566, %mul3A_551 : vector<16xf32>
      %mul3A_568 = arith.constant 5.000000e-01 : f32
      %mul3A_569 = vector.broadcast %mul3A_568 : f32 to vector<16xf32>
      %mul3A_570 = arith.mulf %mul3A_569, %mul3A_552 : vector<16xf32>
      %add3A_571 = arith.addf %add3A_567, %mul3A_570 : vector<16xf32>
      %mul3A_572 = arith.mulf %select_n3A_563, %add3A_571 : vector<16xf32>
      %sub3A_573 = arith.constant 1.000000e+00 : f32
      %sub3A_574 = vector.broadcast %sub3A_573 : f32 to vector<16xf32>
      %sub3A_575 = arith.subf %sub3A_574, %select_n3A_563 : vector<16xf32>
      %mul3A_576 = arith.constant 5.000000e-01 : f32
      %mul3A_577 = vector.broadcast %mul3A_576 : f32 to vector<16xf32>
      %mul3A_578 = arith.mulf %sub3A_575, %mul3A_577 : vector<16xf32>
      %mul3A_579 = arith.mulf %mul3A_578, %add3A_555 : vector<16xf32>
      %add3A_580 = arith.addf %mul3A_572, %mul3A_579 : vector<16xf32>
      %add3A_581 = arith.addf %while3A_196, %add3A_580 : vector<16xf32>
      scf.yield %add3A_581 : vector<16xf32>
    }
    %while3A_151 = arith.constant 1 : i32
    %while3A_152 = scf.for %while3A_195 = %while3A_148 to %while3A_144 step %while3A_151 iter_args(%while3A_196 = %while3A_150) -> (vector<16xf32>)  : i32 {
      %jit3A_197 = arith.constant 16 : i32
      %div3A_198 = arith.divsi %while3A_195, %jit3A_197 : i32
      %sign3A_199 = arith.constant 0 : i32
      %sign3A_200 = arith.cmpi sgt, %while3A_195, %sign3A_199 : i32
      %sign3A_201 = arith.extui %sign3A_200 : i1 to i32
      %sign3A_202 = arith.constant 0 : i32
      %sign3A_203 = arith.cmpi slt, %while3A_195, %sign3A_202 : i32
      %sign3A_204 = arith.extui %sign3A_203 : i1 to i32
      %sign3A_205 = arith.subi %sign3A_201, %sign3A_204 : i32
      %sign3A_206 = arith.constant 0 : i32
      %sign3A_207 = arith.cmpi sgt, %jit3A_197, %sign3A_206 : i32
      %sign3A_208 = arith.extui %sign3A_207 : i1 to i32
      %sign3A_209 = arith.constant 0 : i32
      %sign3A_210 = arith.cmpi slt, %jit3A_197, %sign3A_209 : i32
      %sign3A_211 = arith.extui %sign3A_210 : i1 to i32
      %sign3A_212 = arith.subi %sign3A_208, %sign3A_211 : i32
      %ne3A_213 = arith.cmpi ne, %sign3A_205, %sign3A_212 : i32
      %rem3A_214 = arith.remsi %while3A_195, %jit3A_197 : i32
      %ne3A_215 = arith.constant 0 : i32
      %ne3A_216 = arith.cmpi ne, %rem3A_214, %ne3A_215 : i32
      %and3A_217 = arith.andi %ne3A_213, %ne3A_216 : i1
      %sub3A_218 = arith.constant 1 : i32
      %sub3A_219 = arith.subi %div3A_198, %sub3A_218 : i32
      %select_n3A_220 = arith.select %and3A_217, %sub3A_219, %div3A_198 : i32
      %add3A_221 = arith.addi %sub3A_48, %select_n3A_220 : i32
      %jit3A_222 = arith.constant 16 : i32
      %eq3A = arith.constant 0 : i32
      %eq3A_223 = arith.cmpi eq, %jit3A_222, %eq3A : i32
      %jit3A_224 = arith.constant 1 : i32
      %select_n3A_225 = arith.select %eq3A_223, %jit3A_224, %jit3A_222 : i32
      %rem3A_226 = arith.remsi %while3A_195, %select_n3A_225 : i32
      %ne3A_227 = arith.constant 0 : i32
      %ne3A_228 = arith.cmpi ne, %rem3A_226, %ne3A_227 : i32
      %lt3A = arith.constant 0 : i32
      %lt3A_229 = arith.cmpi slt, %rem3A_226, %lt3A : i32
      %lt3A_230 = arith.constant 0 : i32
      %lt3A_231 = arith.cmpi slt, %select_n3A_225, %lt3A_230 : i32
      %ne3A_232 = arith.xori %lt3A_229, %lt3A_231 : i1
      %and3A_233 = arith.andi %ne3A_232, %ne3A_228 : i1
      %add3A_234 = arith.addi %rem3A_226, %select_n3A_225 : i32
      %select_n3A_235 = arith.select %and3A_233, %add3A_234, %rem3A_226 : i32
      %mul3A_236 = arith.constant 16 : i32
      %mul3A_237 = arith.muli %select_n3A_235, %mul3A_236 : i32
      %get3A = arith.constant 0 : i32
      %get3A_238 = arith.index_cast %add3A_221 : i32 to index
      %get3A_239 = arith.index_cast %get3A : i32 to index
      %get3A_240 = arith.index_cast %mul3A_237 : i32 to index
      %get3A_241 = tpu.vector_load %arg5[%get3A_238, %get3A_239, %get3A_240] {strides = array<i32>} : memref<7x16x256xf32, #tpu.memory_space<vmem>>, vector<16xf32>,
      %get3A_242 = arith.constant 1 : i32
      %get3A_243 = arith.index_cast %add3A_221 : i32 to index
      %get3A_244 = arith.index_cast %get3A_242 : i32 to index
      %get3A_245 = arith.index_cast %mul3A_237 : i32 to index
      %get3A_246 = tpu.vector_load %arg5[%get3A_243, %get3A_244, %get3A_245] {strides = array<i32>} : memref<7x16x256xf32, #tpu.memory_space<vmem>>, vector<16xf32>,
      %get3A_247 = arith.constant 2 : i32
      %get3A_248 = arith.index_cast %add3A_221 : i32 to index
      %get3A_249 = arith.index_cast %get3A_247 : i32 to index
      %get3A_250 = arith.index_cast %mul3A_237 : i32 to index
      %get3A_251 = tpu.vector_load %arg5[%get3A_248, %get3A_249, %get3A_250] {strides = array<i32>} : memref<7x16x256xf32, #tpu.memory_space<vmem>>, vector<16xf32>,
      %get3A_252 = arith.constant 3 : i32
      %get3A_253 = arith.index_cast %add3A_221 : i32 to index
      %get3A_254 = arith.index_cast %get3A_252 : i32 to index
      %get3A_255 = arith.index_cast %mul3A_237 : i32 to index
      %get3A_256 = tpu.vector_load %arg5[%get3A_253, %get3A_254, %get3A_255] {strides = array<i32>} : memref<7x16x256xf32, #tpu.memory_space<vmem>>, vector<16xf32>,
      %get3A_257 = arith.constant 4 : i32
      %get3A_258 = arith.index_cast %add3A_221 : i32 to index
      %get3A_259 = arith.index_cast %get3A_257 : i32 to index
      %get3A_260 = arith.index_cast %mul3A_237 : i32 to index
      %get3A_261 = tpu.vector_load %arg5[%get3A_258, %get3A_259, %get3A_260] {strides = array<i32>} : memref<7x16x256xf32, #tpu.memory_space<vmem>>, vector<16xf32>,
      %get3A_262 = arith.constant 5 : i32
      %get3A_263 = arith.index_cast %add3A_221 : i32 to index
      %get3A_264 = arith.index_cast %get3A_262 : i32 to index
      %get3A_265 = arith.index_cast %mul3A_237 : i32 to index
      %get3A_266 = tpu.vector_load %arg5[%get3A_263, %get3A_264, %get3A_265] {strides = array<i32>} : memref<7x16x256xf32, #tpu.memory_space<vmem>>, vector<16xf32>,
      %get3A_267 = arith.constant 6 : i32
      %get3A_268 = arith.index_cast %add3A_221 : i32 to index
      %get3A_269 = arith.index_cast %get3A_267 : i32 to index
      %get3A_270 = arith.index_cast %mul3A_237 : i32 to index
      %get3A_271 = tpu.vector_load %arg5[%get3A_268, %get3A_269, %get3A_270] {strides = array<i32>} : memref<7x16x256xf32, #tpu.memory_space<vmem>>, vector<16xf32>,
      %get3A_272 = arith.constant 7 : i32
      %get3A_273 = arith.index_cast %add3A_221 : i32 to index
      %get3A_274 = arith.index_cast %get3A_272 : i32 to index
      %get3A_275 = arith.index_cast %mul3A_237 : i32 to index
      %get3A_276 = tpu.vector_load %arg5[%get3A_273, %get3A_274, %get3A_275] {strides = array<i32>} : memref<7x16x256xf32, #tpu.memory_space<vmem>>, vector<16xf32>,
      %get3A_277 = arith.constant 8 : i32
      %get3A_278 = arith.index_cast %add3A_221 : i32 to index
      %get3A_279 = arith.index_cast %get3A_277 : i32 to index
      %get3A_280 = arith.index_cast %mul3A_237 : i32 to index
      %get3A_281 = tpu.vector_load %arg5[%get3A_278, %get3A_279, %get3A_280] {strides = array<i32>} : memref<7x16x256xf32, #tpu.memory_space<vmem>>, vector<16xf32>,
      %get3A_282 = arith.constant 9 : i32
      %get3A_283 = arith.index_cast %add3A_221 : i32 to index
      %get3A_284 = arith.index_cast %get3A_282 : i32 to index
      %get3A_285 = arith.index_cast %mul3A_237 : i32 to index
      %get3A_286 = tpu.vector_load %arg5[%get3A_283, %get3A_284, %get3A_285] {strides = array<i32>} : memref<7x16x256xf32, #tpu.memory_space<vmem>>, vector<16xf32>,
      %get3A_287 = arith.constant 0 : i32
      %get3A_288 = arith.index_cast %add3A_221 : i32 to index
      %get3A_289 = arith.index_cast %get3A_287 : i32 to index
      %get3A_290 = arith.index_cast %mul3A_237 : i32 to index
      %get3A_291 = tpu.vector_load %arg6[%get3A_288, %get3A_289, %get3A_290] {strides = array<i32>} : memref<7x16x256xf32, #tpu.memory_space<vmem>>, vector<16xf32>,
      %get3A_292 = arith.constant 1 : i32
      %get3A_293 = arith.index_cast %add3A_221 : i32 to index
      %get3A_294 = arith.index_cast %get3A_292 : i32 to index
      %get3A_295 = arith.index_cast %mul3A_237 : i32 to index
      %get3A_296 = tpu.vector_load %arg6[%get3A_293, %get3A_294, %get3A_295] {strides = array<i32>} : memref<7x16x256xf32, #tpu.memory_space<vmem>>, vector<16xf32>,
      %get3A_297 = arith.constant 2 : i32
      %get3A_298 = arith.index_cast %add3A_221 : i32 to index
      %get3A_299 = arith.index_cast %get3A_297 : i32 to index
      %get3A_300 = arith.index_cast %mul3A_237 : i32 to index
      %get3A_301 = tpu.vector_load %arg6[%get3A_298, %get3A_299, %get3A_300] {strides = array<i32>} : memref<7x16x256xf32, #tpu.memory_space<vmem>>, vector<16xf32>,
      %get3A_302 = arith.constant 3 : i32
      %get3A_303 = arith.index_cast %add3A_221 : i32 to index
      %get3A_304 = arith.index_cast %get3A_302 : i32 to index
      %get3A_305 = arith.index_cast %mul3A_237 : i32 to index
      %get3A_306 = tpu.vector_load %arg6[%get3A_303, %get3A_304, %get3A_305] {strides = array<i32>} : memref<7x16x256xf32, #tpu.memory_space<vmem>>, vector<16xf32>,
      %get3A_307 = arith.constant 4 : i32
      %get3A_308 = arith.index_cast %add3A_221 : i32 to index
      %get3A_309 = arith.index_cast %get3A_307 : i32 to index
      %get3A_310 = arith.index_cast %mul3A_237 : i32 to index
      %get3A_311 = tpu.vector_load %arg6[%get3A_308, %get3A_309, %get3A_310] {strides = array<i32>} : memref<7x16x256xf32, #tpu.memory_space<vmem>>, vector<16xf32>,
      %get3A_312 = arith.constant 5 : i32
      %get3A_313 = arith.index_cast %add3A_221 : i32 to index
      %get3A_314 = arith.index_cast %get3A_312 : i32 to index
      %get3A_315 = arith.index_cast %mul3A_237 : i32 to index
      %get3A_316 = tpu.vector_load %arg6[%get3A_313, %get3A_314, %get3A_315] {strides = array<i32>} : memref<7x16x256xf32, #tpu.memory_space<vmem>>, vector<16xf32>,
      %get3A_317 = arith.constant 6 : i32
      %get3A_318 = arith.index_cast %add3A_221 : i32 to index
      %get3A_319 = arith.index_cast %get3A_317 : i32 to index
      %get3A_320 = arith.index_cast %mul3A_237 : i32 to index
      %get3A_321 = tpu.vector_load %arg6[%get3A_318, %get3A_319, %get3A_320] {strides = array<i32>} : memref<7x16x256xf32, #tpu.memory_space<vmem>>, vector<16xf32>,
      %get3A_322 = arith.constant 7 : i32
      %get3A_323 = arith.index_cast %add3A_221 : i32 to index
      %get3A_324 = arith.index_cast %get3A_322 : i32 to index
      %get3A_325 = arith.index_cast %mul3A_237 : i32 to index
      %get3A_326 = tpu.vector_load %arg6[%get3A_323, %get3A_324, %get3A_325] {strides = array<i32>} : memref<7x16x256xf32, #tpu.memory_space<vmem>>, vector<16xf32>,
      %get3A_327 = arith.constant 8 : i32
      %get3A_328 = arith.index_cast %add3A_221 : i32 to index
      %get3A_329 = arith.index_cast %get3A_327 : i32 to index
      %get3A_330 = arith.index_cast %mul3A_237 : i32 to index
      %get3A_331 = tpu.vector_load %arg6[%get3A_328, %get3A_329, %get3A_330] {strides = array<i32>} : memref<7x16x256xf32, #tpu.memory_space<vmem>>, vector<16xf32>,
      %mul3A_332 = arith.constant 0.0714285746 : f32
      %mul3A_333 = vector.broadcast %mul3A_332 : f32 to vector<16xf32>
      %mul3A_334 = arith.mulf %get3A_291, %mul3A_333 : vector<16xf32>
      %mul3A_335 = arith.constant 5.000000e-01 : f32
      %mul3A_336 = vector.broadcast %mul3A_335 : f32 to vector<16xf32>
      %mul3A_337 = arith.mulf %mul3A_336, %get3A_301 : vector<16xf32>
      %sub3A_338 = arith.subf %mul3A_334, %mul3A_337 : vector<16xf32>
      %mul3A_339 = arith.constant 0.0714285746 : f32
      %mul3A_340 = vector.broadcast %mul3A_339 : f32 to vector<16xf32>
      %mul3A_341 = arith.mulf %get3A_291, %mul3A_340 : vector<16xf32>
      %mul3A_342 = arith.constant 5.000000e-01 : f32
      %mul3A_343 = vector.broadcast %mul3A_342 : f32 to vector<16xf32>
      %mul3A_344 = arith.mulf %mul3A_343, %get3A_301 : vector<16xf32>
      %add3A_345 = arith.addf %mul3A_341, %mul3A_344 : vector<16xf32>
      %mul3A_346 = arith.constant 0.0714285746 : f32
      %mul3A_347 = vector.broadcast %mul3A_346 : f32 to vector<16xf32>
      %mul3A_348 = arith.mulf %get3A_296, %mul3A_347 : vector<16xf32>
      %mul3A_349 = arith.constant 5.000000e-01 : f32
      %mul3A_350 = vector.broadcast %mul3A_349 : f32 to vector<16xf32>
      %mul3A_351 = arith.mulf %mul3A_350, %get3A_306 : vector<16xf32>
      %sub3A_352 = arith.subf %mul3A_348, %mul3A_351 : vector<16xf32>
      %mul3A_353 = arith.constant 0.0714285746 : f32
      %mul3A_354 = vector.broadcast %mul3A_353 : f32 to vector<16xf32>
      %mul3A_355 = arith.mulf %get3A_296, %mul3A_354 : vector<16xf32>
      %mul3A_356 = arith.constant 5.000000e-01 : f32
      %mul3A_357 = vector.broadcast %mul3A_356 : f32 to vector<16xf32>
      %mul3A_358 = arith.mulf %mul3A_357, %get3A_306 : vector<16xf32>
      %add3A_359 = arith.addf %mul3A_355, %mul3A_358 : vector<16xf32>
      %mul3A_360 = arith.mulf %get3A_301, %get3A_306 : vector<16xf32>
      %mul3A_361 = arith.constant 0.0714285746 : f32
      %mul3A_362 = vector.broadcast %mul3A_361 : f32 to vector<16xf32>
      %mul3A_363 = arith.mulf %get3A_241, %mul3A_362 : vector<16xf32>
      %mul3A_364 = arith.constant 5.000000e-01 : f32
      %mul3A_365 = vector.broadcast %mul3A_364 : f32 to vector<16xf32>
      %mul3A_366 = arith.mulf %mul3A_365, %get3A_251 : vector<16xf32>
      %sub3A_367 = arith.subf %mul3A_363, %mul3A_366 : vector<16xf32>
      %max3A = arith.maximumf %sub3A_367, %sub3A_338 : vector<16xf32>
      %mul3A_368 = arith.constant 0.0714285746 : f32
      %mul3A_369 = vector.broadcast %mul3A_368 : f32 to vector<16xf32>
      %mul3A_370 = arith.mulf %get3A_241, %mul3A_369 : vector<16xf32>
      %mul3A_371 = arith.constant 5.000000e-01 : f32
      %mul3A_372 = vector.broadcast %mul3A_371 : f32 to vector<16xf32>
      %mul3A_373 = arith.mulf %mul3A_372, %get3A_251 : vector<16xf32>
      %add3A_374 = arith.addf %mul3A_370, %mul3A_373 : vector<16xf32>
      %min3A_375 = arith.minimumf %add3A_374, %add3A_345 : vector<16xf32>
      %mul3A_376 = arith.constant 0.0714285746 : f32
      %mul3A_377 = vector.broadcast %mul3A_376 : f32 to vector<16xf32>
      %mul3A_378 = arith.mulf %get3A_246, %mul3A_377 : vector<16xf32>
      %mul3A_379 = arith.constant 5.000000e-01 : f32
      %mul3A_380 = vector.broadcast %mul3A_379 : f32 to vector<16xf32>
      %mul3A_381 = arith.mulf %mul3A_380, %get3A_256 : vector<16xf32>
      %sub3A_382 = arith.subf %mul3A_378, %mul3A_381 : vector<16xf32>
      %max3A_383 = arith.maximumf %sub3A_382, %sub3A_352 : vector<16xf32>
      %mul3A_384 = arith.constant 0.0714285746 : f32
      %mul3A_385 = vector.broadcast %mul3A_384 : f32 to vector<16xf32>
      %mul3A_386 = arith.mulf %get3A_246, %mul3A_385 : vector<16xf32>
      %mul3A_387 = arith.constant 5.000000e-01 : f32
      %mul3A_388 = vector.broadcast %mul3A_387 : f32 to vector<16xf32>
      %mul3A_389 = arith.mulf %mul3A_388, %get3A_256 : vector<16xf32>
      %add3A_390 = arith.addf %mul3A_386, %mul3A_389 : vector<16xf32>
      %min3A_391 = arith.minimumf %add3A_390, %add3A_359 : vector<16xf32>
      %sub3A_392 = arith.subf %min3A_375, %max3A : vector<16xf32>
      %max3A_393 = arith.constant 0.000000e+00 : f32
      %max3A_394 = vector.broadcast %max3A_393 : f32 to vector<16xf32>
      %max3A_395 = arith.maximumf %sub3A_392, %max3A_394 : vector<16xf32>
      %sub3A_396 = arith.subf %min3A_391, %max3A_383 : vector<16xf32>
      %max3A_397 = arith.constant 0.000000e+00 : f32
      %max3A_398 = vector.broadcast %max3A_397 : f32 to vector<16xf32>
      %max3A_399 = arith.maximumf %sub3A_396, %max3A_398 : vector<16xf32>
      %mul3A_400 = arith.mulf %max3A_395, %max3A_399 : vector<16xf32>
      %mul3A_401 = arith.mulf %get3A_251, %get3A_256 : vector<16xf32>
      %add3A_402 = arith.addf %mul3A_401, %mul3A_360 : vector<16xf32>
      %sub3A_403 = arith.subf %add3A_402, %mul3A_400 : vector<16xf32>
      %div3A_404 = arith.divf %mul3A_400, %sub3A_403 : vector<16xf32>
      %mul3A_405 = arith.constant 0.0714285746 : f32
      %mul3A_406 = vector.broadcast %mul3A_405 : f32 to vector<16xf32>
      %mul3A_407 = arith.mulf %get3A_266, %mul3A_406 : vector<16xf32>
      %mul3A_408 = arith.constant 5.000000e-01 : f32
      %mul3A_409 = vector.broadcast %mul3A_408 : f32 to vector<16xf32>
      %mul3A_410 = arith.mulf %mul3A_409, %get3A_276 : vector<16xf32>
      %sub3A_411 = arith.subf %mul3A_407, %mul3A_410 : vector<16xf32>
      %max3A_412 = arith.maximumf %sub3A_411, %sub3A_338 : vector<16xf32>
      %mul3A_413 = arith.constant 0.0714285746 : f32
      %mul3A_414 = vector.broadcast %mul3A_413 : f32 to vector<16xf32>
      %mul3A_415 = arith.mulf %get3A_266, %mul3A_414 : vector<16xf32>
      %mul3A_416 = arith.constant 5.000000e-01 : f32
      %mul3A_417 = vector.broadcast %mul3A_416 : f32 to vector<16xf32>
      %mul3A_418 = arith.mulf %mul3A_417, %get3A_276 : vector<16xf32>
      %add3A_419 = arith.addf %mul3A_415, %mul3A_418 : vector<16xf32>
      %min3A_420 = arith.minimumf %add3A_419, %add3A_345 : vector<16xf32>
      %mul3A_421 = arith.constant 0.0714285746 : f32
      %mul3A_422 = vector.broadcast %mul3A_421 : f32 to vector<16xf32>
      %mul3A_423 = arith.mulf %get3A_271, %mul3A_422 : vector<16xf32>
      %mul3A_424 = arith.constant 5.000000e-01 : f32
      %mul3A_425 = vector.broadcast %mul3A_424 : f32 to vector<16xf32>
      %mul3A_426 = arith.mulf %mul3A_425, %get3A_281 : vector<16xf32>
      %sub3A_427 = arith.subf %mul3A_423, %mul3A_426 : vector<16xf32>
      %max3A_428 = arith.maximumf %sub3A_427, %sub3A_352 : vector<16xf32>
      %mul3A_429 = arith.constant 0.0714285746 : f32
      %mul3A_430 = vector.broadcast %mul3A_429 : f32 to vector<16xf32>
      %mul3A_431 = arith.mulf %get3A_271, %mul3A_430 : vector<16xf32>
      %mul3A_432 = arith.constant 5.000000e-01 : f32
      %mul3A_433 = vector.broadcast %mul3A_432 : f32 to vector<16xf32>
      %mul3A_434 = arith.mulf %mul3A_433, %get3A_281 : vector<16xf32>
      %add3A_435 = arith.addf %mul3A_431, %mul3A_434 : vector<16xf32>
      %min3A_436 = arith.minimumf %add3A_435, %add3A_359 : vector<16xf32>
      %sub3A_437 = arith.subf %min3A_420, %max3A_412 : vector<16xf32>
      %max3A_438 = arith.constant 0.000000e+00 : f32
      %max3A_439 = vector.broadcast %max3A_438 : f32 to vector<16xf32>
      %max3A_440 = arith.maximumf %sub3A_437, %max3A_439 : vector<16xf32>
      %sub3A_441 = arith.subf %min3A_436, %max3A_428 : vector<16xf32>
      %max3A_442 = arith.constant 0.000000e+00 : f32
      %max3A_443 = vector.broadcast %max3A_442 : f32 to vector<16xf32>
      %max3A_444 = arith.maximumf %sub3A_441, %max3A_443 : vector<16xf32>
      %mul3A_445 = arith.mulf %max3A_440, %max3A_444 : vector<16xf32>
      %mul3A_446 = arith.mulf %get3A_276, %get3A_281 : vector<16xf32>
      %add3A_447 = arith.addf %mul3A_446, %mul3A_360 : vector<16xf32>
      %sub3A_448 = arith.subf %add3A_447, %mul3A_445 : vector<16xf32>
      %div3A_449 = arith.divf %mul3A_445, %sub3A_448 : vector<16xf32>
      %gt3A = arith.cmpf ogt, %div3A_449, %div3A_404 : vector<16xf32>
      %max3A_450 = arith.maximumf %div3A_404, %div3A_449 : vector<16xf32>
      %select_n3A_451 = arith.select %gt3A, %get3A_266, %get3A_241 : vector<16xi1>, vector<16xf32>
      %select_n3A_452 = arith.select %gt3A, %get3A_271, %get3A_246 : vector<16xi1>, vector<16xf32>
      %select_n3A_453 = arith.select %gt3A, %get3A_276, %get3A_251 : vector<16xi1>, vector<16xf32>
      %select_n3A_454 = arith.select %gt3A, %get3A_281, %get3A_256 : vector<16xi1>, vector<16xf32>
      %select_n3A_455 = arith.select %gt3A, %get3A_286, %get3A_261 : vector<16xi1>, vector<16xf32>
      %select_n3A_456 = arith.select %gt3A, %get3A_261, %get3A_286 : vector<16xi1>, vector<16xf32>
      %select_n3A_457 = arith.select %gt3A, %get3A_316, %get3A_291 : vector<16xi1>, vector<16xf32>
      %select_n3A_458 = arith.select %gt3A, %get3A_321, %get3A_296 : vector<16xi1>, vector<16xf32>
      %select_n3A_459 = arith.select %gt3A, %get3A_326, %get3A_301 : vector<16xi1>, vector<16xf32>
      %select_n3A_460 = arith.select %gt3A, %get3A_331, %get3A_306 : vector<16xi1>, vector<16xf32>
      %sub3A_461 = arith.subf %select_n3A_451, %select_n3A_457 : vector<16xf32>
      %sub3A_462 = arith.subf %select_n3A_452, %select_n3A_458 : vector<16xf32>
      %mul3A_463 = arith.mulf %sub3A_461, %sub3A_461 : vector<16xf32>
      %mul3A_464 = arith.mulf %sub3A_462, %sub3A_462 : vector<16xf32>
      %add3A_465 = arith.addf %mul3A_463, %mul3A_464 : vector<16xf32>
      %add3A_466 = arith.addf %select_n3A_453, %select_n3A_459 : vector<16xf32>
      %mul3A_467 = arith.mulf %select_n3A_453, %select_n3A_459 : vector<16xf32>
      %bitcast3A = vector.bitcast %mul3A_467 : vector<16xf32> to vector<16xi32>
      %shift_right_logical3A = arith.constant 1 : i32
      %shift_right_logical3A_468 = vector.broadcast %shift_right_logical3A : i32 to vector<16xi32>
      %shift_right_logical3A_469 = arith.shrui %bitcast3A, %shift_right_logical3A_468 : vector<16xi32>
      %sub3A_470 = arith.constant 1597463007 : i32
      %sub3A_471 = vector.broadcast %sub3A_470 : i32 to vector<16xi32>
      %sub3A_472 = arith.subi %sub3A_471, %shift_right_logical3A_469 : vector<16xi32>
      %bitcast3A_473 = vector.bitcast %sub3A_472 : vector<16xi32> to vector<16xf32>
      %mul3A_474 = arith.constant 5.000000e-01 : f32
      %mul3A_475 = vector.broadcast %mul3A_474 : f32 to vector<16xf32>
      %mul3A_476 = arith.mulf %mul3A_475, %mul3A_467 : vector<16xf32>
      %mul3A_477 = arith.mulf %mul3A_476, %bitcast3A_473 : vector<16xf32>
      %mul3A_478 = arith.mulf %mul3A_477, %bitcast3A_473 : vector<16xf32>
      %sub3A_479 = arith.constant 1.500000e+00 : f32
      %sub3A_480 = vector.broadcast %sub3A_479 : f32 to vector<16xf32>
      %sub3A_481 = arith.subf %sub3A_480, %mul3A_478 : vector<16xf32>
      %mul3A_482 = arith.mulf %bitcast3A_473, %sub3A_481 : vector<16xf32>
      %mul3A_483 = arith.constant 5.000000e-01 : f32
      %mul3A_484 = vector.broadcast %mul3A_483 : f32 to vector<16xf32>
      %mul3A_485 = arith.mulf %mul3A_484, %mul3A_467 : vector<16xf32>
      %mul3A_486 = arith.mulf %mul3A_485, %mul3A_482 : vector<16xf32>
      %mul3A_487 = arith.mulf %mul3A_486, %mul3A_482 : vector<16xf32>
      %sub3A_488 = arith.constant 1.500000e+00 : f32
      %sub3A_489 = vector.broadcast %sub3A_488 : f32 to vector<16xf32>
      %sub3A_490 = arith.subf %sub3A_489, %mul3A_487 : vector<16xf32>
      %mul3A_491 = arith.mulf %mul3A_482, %sub3A_490 : vector<16xf32>
      %mul3A_492 = arith.constant 5.000000e-01 : f32
      %mul3A_493 = vector.broadcast %mul3A_492 : f32 to vector<16xf32>
      %mul3A_494 = arith.mulf %mul3A_493, %mul3A_467 : vector<16xf32>
      %mul3A_495 = arith.mulf %mul3A_494, %mul3A_491 : vector<16xf32>
      %mul3A_496 = arith.mulf %mul3A_495, %mul3A_491 : vector<16xf32>
      %sub3A_497 = arith.constant 1.500000e+00 : f32
      %sub3A_498 = vector.broadcast %sub3A_497 : f32 to vector<16xf32>
      %sub3A_499 = arith.subf %sub3A_498, %mul3A_496 : vector<16xf32>
      %mul3A_500 = arith.mulf %mul3A_491, %sub3A_499 : vector<16xf32>
      %mul3A_501 = arith.mulf %mul3A_467, %mul3A_500 : vector<16xf32>
      %mul3A_502 = arith.constant 2.000000e+00 : f32
      %mul3A_503 = vector.broadcast %mul3A_502 : f32 to vector<16xf32>
      %mul3A_504 = arith.mulf %mul3A_503, %mul3A_501 : vector<16xf32>
      %sub3A_505 = arith.subf %add3A_466, %mul3A_504 : vector<16xf32>
      %add3A_506 = arith.addf %add3A_465, %sub3A_505 : vector<16xf32>
      %add3A_507 = arith.addf %select_n3A_454, %select_n3A_460 : vector<16xf32>
      %mul3A_508 = arith.mulf %select_n3A_454, %select_n3A_460 : vector<16xf32>
      %bitcast3A_509 = vector.bitcast %mul3A_508 : vector<16xf32> to vector<16xi32>
      %shift_right_logical3A_510 = arith.constant 1 : i32
      %shift_right_logical3A_511 = vector.broadcast %shift_right_logical3A_510 : i32 to vector<16xi32>
      %shift_right_logical3A_512 = arith.shrui %bitcast3A_509, %shift_right_logical3A_511 : vector<16xi32>
      %sub3A_513 = arith.constant 1597463007 : i32
      %sub3A_514 = vector.broadcast %sub3A_513 : i32 to vector<16xi32>
      %sub3A_515 = arith.subi %sub3A_514, %shift_right_logical3A_512 : vector<16xi32>
      %bitcast3A_516 = vector.bitcast %sub3A_515 : vector<16xi32> to vector<16xf32>
      %mul3A_517 = arith.constant 5.000000e-01 : f32
      %mul3A_518 = vector.broadcast %mul3A_517 : f32 to vector<16xf32>
      %mul3A_519 = arith.mulf %mul3A_518, %mul3A_508 : vector<16xf32>
      %mul3A_520 = arith.mulf %mul3A_519, %bitcast3A_516 : vector<16xf32>
      %mul3A_521 = arith.mulf %mul3A_520, %bitcast3A_516 : vector<16xf32>
      %sub3A_522 = arith.constant 1.500000e+00 : f32
      %sub3A_523 = vector.broadcast %sub3A_522 : f32 to vector<16xf32>
      %sub3A_524 = arith.subf %sub3A_523, %mul3A_521 : vector<16xf32>
      %mul3A_525 = arith.mulf %bitcast3A_516, %sub3A_524 : vector<16xf32>
      %mul3A_526 = arith.constant 5.000000e-01 : f32
      %mul3A_527 = vector.broadcast %mul3A_526 : f32 to vector<16xf32>
      %mul3A_528 = arith.mulf %mul3A_527, %mul3A_508 : vector<16xf32>
      %mul3A_529 = arith.mulf %mul3A_528, %mul3A_525 : vector<16xf32>
      %mul3A_530 = arith.mulf %mul3A_529, %mul3A_525 : vector<16xf32>
      %sub3A_531 = arith.constant 1.500000e+00 : f32
      %sub3A_532 = vector.broadcast %sub3A_531 : f32 to vector<16xf32>
      %sub3A_533 = arith.subf %sub3A_532, %mul3A_530 : vector<16xf32>
      %mul3A_534 = arith.mulf %mul3A_525, %sub3A_533 : vector<16xf32>
      %mul3A_535 = arith.constant 5.000000e-01 : f32
      %mul3A_536 = vector.broadcast %mul3A_535 : f32 to vector<16xf32>
      %mul3A_537 = arith.mulf %mul3A_536, %mul3A_508 : vector<16xf32>
      %mul3A_538 = arith.mulf %mul3A_537, %mul3A_534 : vector<16xf32>
      %mul3A_539 = arith.mulf %mul3A_538, %mul3A_534 : vector<16xf32>
      %sub3A_540 = arith.constant 1.500000e+00 : f32
      %sub3A_541 = vector.broadcast %sub3A_540 : f32 to vector<16xf32>
      %sub3A_542 = arith.subf %sub3A_541, %mul3A_539 : vector<16xf32>
      %mul3A_543 = arith.mulf %mul3A_534, %sub3A_542 : vector<16xf32>
      %mul3A_544 = arith.mulf %mul3A_508, %mul3A_543 : vector<16xf32>
      %mul3A_545 = arith.constant 2.000000e+00 : f32
      %mul3A_546 = vector.broadcast %mul3A_545 : f32 to vector<16xf32>
      %mul3A_547 = arith.mulf %mul3A_546, %mul3A_544 : vector<16xf32>
      %sub3A_548 = arith.subf %add3A_507, %mul3A_547 : vector<16xf32>
      %add3A_549 = arith.addf %add3A_506, %sub3A_548 : vector<16xf32>
      %sub3A_550 = arith.subf %select_n3A_455, %max3A_450 : vector<16xf32>
      %mul3A_551 = arith.mulf %sub3A_550, %sub3A_550 : vector<16xf32>
      %mul3A_552 = arith.mulf %select_n3A_456, %select_n3A_456 : vector<16xf32>
      %mul3A_553 = arith.mulf %get3A_261, %get3A_261 : vector<16xf32>
      %mul3A_554 = arith.mulf %get3A_286, %get3A_286 : vector<16xf32>
      %add3A_555 = arith.addf %mul3A_553, %mul3A_554 : vector<16xf32>
      %gt3A_556 = arith.constant 0.000000e+00 : f32
      %gt3A_557 = vector.broadcast %gt3A_556 : f32 to vector<16xf32>
      %gt3A_558 = arith.cmpf ogt, %get3A_311, %gt3A_557 : vector<16xf32>
      %jit3A_559 = arith.constant 1.000000e+00 : f32
      %jit3A_560 = arith.constant 0.000000e+00 : f32
      %broadcast_in_dim3A_561 = vector.broadcast %jit3A_559 : f32 to vector<16xf32>
      %broadcast_in_dim3A_562 = vector.broadcast %jit3A_560 : f32 to vector<16xf32>
      %select_n3A_563 = arith.select %gt3A_558, %broadcast_in_dim3A_561, %broadcast_in_dim3A_562 : vector<16xi1>, vector<16xf32>
      %mul3A_564 = arith.constant 5.000000e+00 : f32
      %mul3A_565 = vector.broadcast %mul3A_564 : f32 to vector<16xf32>
      %mul3A_566 = arith.mulf %mul3A_565, %add3A_549 : vector<16xf32>
      %add3A_567 = arith.addf %mul3A_566, %mul3A_551 : vector<16xf32>
      %mul3A_568 = arith.constant 5.000000e-01 : f32
      %mul3A_569 = vector.broadcast %mul3A_568 : f32 to vector<16xf32>
      %mul3A_570 = arith.mulf %mul3A_569, %mul3A_552 : vector<16xf32>
      %add3A_571 = arith.addf %add3A_567, %mul3A_570 : vector<16xf32>
      %mul3A_572 = arith.mulf %select_n3A_563, %add3A_571 : vector<16xf32>
      %sub3A_573 = arith.constant 1.000000e+00 : f32
      %sub3A_574 = vector.broadcast %sub3A_573 : f32 to vector<16xf32>
      %sub3A_575 = arith.subf %sub3A_574, %select_n3A_563 : vector<16xf32>
      %mul3A_576 = arith.constant 5.000000e-01 : f32
      %mul3A_577 = vector.broadcast %mul3A_576 : f32 to vector<16xf32>
      %mul3A_578 = arith.mulf %sub3A_575, %mul3A_577 : vector<16xf32>
      %mul3A_579 = arith.mulf %mul3A_578, %add3A_555 : vector<16xf32>
      %add3A_580 = arith.addf %mul3A_572, %mul3A_579 : vector<16xf32>
      %add3A_581 = arith.addf %while3A_196, %add3A_580 : vector<16xf32>
      scf.yield %add3A_581 : vector<16xf32>
    }
    %dma_wait3A_153 = arith.constant 3 : i32
    %dma_wait3A_154 = arith.constant 0 : i32
    %dma_wait3A_155 = arith.constant 0 : i32
    %dma_wait3A_156 = tpu.memref_slice %arg5[%dma_wait3A_153, %dma_wait3A_154, %dma_wait3A_155] : memref<7x16x256xf32, #tpu.memory_space<vmem>> -> memref<4x16x256xf32, #tpu.memory_space<vmem>>
    %dma_wait3A_157 = arith.constant 0 : i32
    %dma_wait3A_158 = arith.constant 0 : i32
    %dma_wait3A_159 = tpu.memref_slice %arg2[%add3A_77, %dma_wait3A_157, %dma_wait3A_158] : memref<196x30x256xf32, #tpu.memory_space<hbm>> -> memref<4x16x256xf32, #tpu.memory_space<hbm>>
    %dma_wait3A_160 = arith.constant 3 : i32
    %dma_wait3A_161 = arith.constant 0 : i32
    %dma_wait3A_162 = arith.constant 0 : i32
    %dma_wait3A_163 = tpu.memref_slice %arg5[%dma_wait3A_160, %dma_wait3A_161, %dma_wait3A_162] : memref<7x16x256xf32, #tpu.memory_space<vmem>> -> memref<4x16x256xf32, #tpu.memory_space<vmem>>
    %dma_wait3A_164 = arith.constant 0 : i32
    %dma_wait3A_165 = arith.constant 0 : i32
    %dma_wait3A_166 = tpu.memref_slice %arg2[%add3A_77, %dma_wait3A_164, %dma_wait3A_165] : memref<196x30x256xf32, #tpu.memory_space<hbm>> -> memref<4x16x256xf32, #tpu.memory_space<hbm>>
    tpu.wait_dma2 semaphore(%arg9 : memref<!tpu.dma_semaphore, #tpu.memory_space<semaphore_mem>>) src(%dma_wait3A_166 : memref<4x16x256xf32, #tpu.memory_space<hbm>>) dst(%dma_wait3A_163 : memref<4x16x256xf32, #tpu.memory_space<vmem>>)
    %dma_wait3A_167 = arith.constant 3 : i32
    %dma_wait3A_168 = arith.constant 0 : i32
    %dma_wait3A_169 = arith.constant 0 : i32
    %dma_wait3A_170 = tpu.memref_slice %arg6[%dma_wait3A_167, %dma_wait3A_168, %dma_wait3A_169] : memref<7x16x256xf32, #tpu.memory_space<vmem>> -> memref<4x16x256xf32, #tpu.memory_space<vmem>>
    %dma_wait3A_171 = arith.constant 0 : i32
    %dma_wait3A_172 = arith.constant 0 : i32
    %dma_wait3A_173 = tpu.memref_slice %arg3[%add3A_93, %dma_wait3A_171, %dma_wait3A_172] : memref<196x30x256xf32, #tpu.memory_space<hbm>> -> memref<4x16x256xf32, #tpu.memory_space<hbm>>
    %dma_wait3A_174 = arith.constant 3 : i32
    %dma_wait3A_175 = arith.constant 0 : i32
    %dma_wait3A_176 = arith.constant 0 : i32
    %dma_wait3A_177 = tpu.memref_slice %arg6[%dma_wait3A_174, %dma_wait3A_175, %dma_wait3A_176] : memref<7x16x256xf32, #tpu.memory_space<vmem>> -> memref<4x16x256xf32, #tpu.memory_space<vmem>>
    %dma_wait3A_178 = arith.constant 0 : i32
    %dma_wait3A_179 = arith.constant 0 : i32
    %dma_wait3A_180 = tpu.memref_slice %arg3[%add3A_93, %dma_wait3A_178, %dma_wait3A_179] : memref<196x30x256xf32, #tpu.memory_space<hbm>> -> memref<4x16x256xf32, #tpu.memory_space<hbm>>
    tpu.wait_dma2 semaphore(%arg9 : memref<!tpu.dma_semaphore, #tpu.memory_space<semaphore_mem>>) src(%dma_wait3A_180 : memref<4x16x256xf32, #tpu.memory_space<hbm>>) dst(%dma_wait3A_177 : memref<4x16x256xf32, #tpu.memory_space<vmem>>)
    %while3A_181 = arith.subi %mul3A_114, %mul3A_111 : i32
    %while3A_182 = arith.addi %mul3A_111, %while3A_181 : i32
    %while3A_183 = arith.constant 1 : i32
    %while3A_184 = arith.divsi %while3A_181, %while3A_183 : i32
    %while3A_185 = arith.muli %while3A_184, %while3A_183 : i32
    %while3A_186 = arith.addi %mul3A_111, %while3A_185 : i32
    %while3A_187 = arith.constant 1 : i32
    %while3A_188 = scf.for %while3A_195 = %mul3A_111 to %while3A_186 step %while3A_187 iter_args(%while3A_196 = %while3A_152) -> (vector<16xf32>)  : i32 {
      %jit3A_197 = arith.constant 16 : i32
      %div3A_198 = arith.divsi %while3A_195, %jit3A_197 : i32
      %sign3A_199 = arith.constant 0 : i32
      %sign3A_200 = arith.cmpi sgt, %while3A_195, %sign3A_199 : i32
      %sign3A_201 = arith.extui %sign3A_200 : i1 to i32
      %sign3A_202 = arith.constant 0 : i32
      %sign3A_203 = arith.cmpi slt, %while3A_195, %sign3A_202 : i32
      %sign3A_204 = arith.extui %sign3A_203 : i1 to i32
      %sign3A_205 = arith.subi %sign3A_201, %sign3A_204 : i32
      %sign3A_206 = arith.constant 0 : i32
      %sign3A_207 = arith.cmpi sgt, %jit3A_197, %sign3A_206 : i32
      %sign3A_208 = arith.extui %sign3A_207 : i1 to i32
      %sign3A_209 = arith.constant 0 : i32
      %sign3A_210 = arith.cmpi slt, %jit3A_197, %sign3A_209 : i32
      %sign3A_211 = arith.extui %sign3A_210 : i1 to i32
      %sign3A_212 = arith.subi %sign3A_208, %sign3A_211 : i32
      %ne3A_213 = arith.cmpi ne, %sign3A_205, %sign3A_212 : i32
      %rem3A_214 = arith.remsi %while3A_195, %jit3A_197 : i32
      %ne3A_215 = arith.constant 0 : i32
      %ne3A_216 = arith.cmpi ne, %rem3A_214, %ne3A_215 : i32
      %and3A_217 = arith.andi %ne3A_213, %ne3A_216 : i1
      %sub3A_218 = arith.constant 1 : i32
      %sub3A_219 = arith.subi %div3A_198, %sub3A_218 : i32
      %select_n3A_220 = arith.select %and3A_217, %sub3A_219, %div3A_198 : i32
      %add3A_221 = arith.addi %sub3A_48, %select_n3A_220 : i32
      %jit3A_222 = arith.constant 16 : i32
      %eq3A = arith.constant 0 : i32
      %eq3A_223 = arith.cmpi eq, %jit3A_222, %eq3A : i32
      %jit3A_224 = arith.constant 1 : i32
      %select_n3A_225 = arith.select %eq3A_223, %jit3A_224, %jit3A_222 : i32
      %rem3A_226 = arith.remsi %while3A_195, %select_n3A_225 : i32
      %ne3A_227 = arith.constant 0 : i32
      %ne3A_228 = arith.cmpi ne, %rem3A_226, %ne3A_227 : i32
      %lt3A = arith.constant 0 : i32
      %lt3A_229 = arith.cmpi slt, %rem3A_226, %lt3A : i32
      %lt3A_230 = arith.constant 0 : i32
      %lt3A_231 = arith.cmpi slt, %select_n3A_225, %lt3A_230 : i32
      %ne3A_232 = arith.xori %lt3A_229, %lt3A_231 : i1
      %and3A_233 = arith.andi %ne3A_232, %ne3A_228 : i1
      %add3A_234 = arith.addi %rem3A_226, %select_n3A_225 : i32
      %select_n3A_235 = arith.select %and3A_233, %add3A_234, %rem3A_226 : i32
      %mul3A_236 = arith.constant 16 : i32
      %mul3A_237 = arith.muli %select_n3A_235, %mul3A_236 : i32
      %get3A = arith.constant 0 : i32
      %get3A_238 = arith.index_cast %add3A_221 : i32 to index
      %get3A_239 = arith.index_cast %get3A : i32 to index
      %get3A_240 = arith.index_cast %mul3A_237 : i32 to index
      %get3A_241 = tpu.vector_load %arg5[%get3A_238, %get3A_239, %get3A_240] {strides = array<i32>} : memref<7x16x256xf32, #tpu.memory_space<vmem>>, vector<16xf32>,
      %get3A_242 = arith.constant 1 : i32
      %get3A_243 = arith.index_cast %add3A_221 : i32 to index
      %get3A_244 = arith.index_cast %get3A_242 : i32 to index
      %get3A_245 = arith.index_cast %mul3A_237 : i32 to index
      %get3A_246 = tpu.vector_load %arg5[%get3A_243, %get3A_244, %get3A_245] {strides = array<i32>} : memref<7x16x256xf32, #tpu.memory_space<vmem>>, vector<16xf32>,
      %get3A_247 = arith.constant 2 : i32
      %get3A_248 = arith.index_cast %add3A_221 : i32 to index
      %get3A_249 = arith.index_cast %get3A_247 : i32 to index
      %get3A_250 = arith.index_cast %mul3A_237 : i32 to index
      %get3A_251 = tpu.vector_load %arg5[%get3A_248, %get3A_249, %get3A_250] {strides = array<i32>} : memref<7x16x256xf32, #tpu.memory_space<vmem>>, vector<16xf32>,
      %get3A_252 = arith.constant 3 : i32
      %get3A_253 = arith.index_cast %add3A_221 : i32 to index
      %get3A_254 = arith.index_cast %get3A_252 : i32 to index
      %get3A_255 = arith.index_cast %mul3A_237 : i32 to index
      %get3A_256 = tpu.vector_load %arg5[%get3A_253, %get3A_254, %get3A_255] {strides = array<i32>} : memref<7x16x256xf32, #tpu.memory_space<vmem>>, vector<16xf32>,
      %get3A_257 = arith.constant 4 : i32
      %get3A_258 = arith.index_cast %add3A_221 : i32 to index
      %get3A_259 = arith.index_cast %get3A_257 : i32 to index
      %get3A_260 = arith.index_cast %mul3A_237 : i32 to index
      %get3A_261 = tpu.vector_load %arg5[%get3A_258, %get3A_259, %get3A_260] {strides = array<i32>} : memref<7x16x256xf32, #tpu.memory_space<vmem>>, vector<16xf32>,
      %get3A_262 = arith.constant 5 : i32
      %get3A_263 = arith.index_cast %add3A_221 : i32 to index
      %get3A_264 = arith.index_cast %get3A_262 : i32 to index
      %get3A_265 = arith.index_cast %mul3A_237 : i32 to index
      %get3A_266 = tpu.vector_load %arg5[%get3A_263, %get3A_264, %get3A_265] {strides = array<i32>} : memref<7x16x256xf32, #tpu.memory_space<vmem>>, vector<16xf32>,
      %get3A_267 = arith.constant 6 : i32
      %get3A_268 = arith.index_cast %add3A_221 : i32 to index
      %get3A_269 = arith.index_cast %get3A_267 : i32 to index
      %get3A_270 = arith.index_cast %mul3A_237 : i32 to index
      %get3A_271 = tpu.vector_load %arg5[%get3A_268, %get3A_269, %get3A_270] {strides = array<i32>} : memref<7x16x256xf32, #tpu.memory_space<vmem>>, vector<16xf32>,
      %get3A_272 = arith.constant 7 : i32
      %get3A_273 = arith.index_cast %add3A_221 : i32 to index
      %get3A_274 = arith.index_cast %get3A_272 : i32 to index
      %get3A_275 = arith.index_cast %mul3A_237 : i32 to index
      %get3A_276 = tpu.vector_load %arg5[%get3A_273, %get3A_274, %get3A_275] {strides = array<i32>} : memref<7x16x256xf32, #tpu.memory_space<vmem>>, vector<16xf32>,
      %get3A_277 = arith.constant 8 : i32
      %get3A_278 = arith.index_cast %add3A_221 : i32 to index
      %get3A_279 = arith.index_cast %get3A_277 : i32 to index
      %get3A_280 = arith.index_cast %mul3A_237 : i32 to index
      %get3A_281 = tpu.vector_load %arg5[%get3A_278, %get3A_279, %get3A_280] {strides = array<i32>} : memref<7x16x256xf32, #tpu.memory_space<vmem>>, vector<16xf32>,
      %get3A_282 = arith.constant 9 : i32
      %get3A_283 = arith.index_cast %add3A_221 : i32 to index
      %get3A_284 = arith.index_cast %get3A_282 : i32 to index
      %get3A_285 = arith.index_cast %mul3A_237 : i32 to index
      %get3A_286 = tpu.vector_load %arg5[%get3A_283, %get3A_284, %get3A_285] {strides = array<i32>} : memref<7x16x256xf32, #tpu.memory_space<vmem>>, vector<16xf32>,
      %get3A_287 = arith.constant 0 : i32
      %get3A_288 = arith.index_cast %add3A_221 : i32 to index
      %get3A_289 = arith.index_cast %get3A_287 : i32 to index
      %get3A_290 = arith.index_cast %mul3A_237 : i32 to index
      %get3A_291 = tpu.vector_load %arg6[%get3A_288, %get3A_289, %get3A_290] {strides = array<i32>} : memref<7x16x256xf32, #tpu.memory_space<vmem>>, vector<16xf32>,
      %get3A_292 = arith.constant 1 : i32
      %get3A_293 = arith.index_cast %add3A_221 : i32 to index
      %get3A_294 = arith.index_cast %get3A_292 : i32 to index
      %get3A_295 = arith.index_cast %mul3A_237 : i32 to index
      %get3A_296 = tpu.vector_load %arg6[%get3A_293, %get3A_294, %get3A_295] {strides = array<i32>} : memref<7x16x256xf32, #tpu.memory_space<vmem>>, vector<16xf32>,
      %get3A_297 = arith.constant 2 : i32
      %get3A_298 = arith.index_cast %add3A_221 : i32 to index
      %get3A_299 = arith.index_cast %get3A_297 : i32 to index
      %get3A_300 = arith.index_cast %mul3A_237 : i32 to index
      %get3A_301 = tpu.vector_load %arg6[%get3A_298, %get3A_299, %get3A_300] {strides = array<i32>} : memref<7x16x256xf32, #tpu.memory_space<vmem>>, vector<16xf32>,
      %get3A_302 = arith.constant 3 : i32
      %get3A_303 = arith.index_cast %add3A_221 : i32 to index
      %get3A_304 = arith.index_cast %get3A_302 : i32 to index
      %get3A_305 = arith.index_cast %mul3A_237 : i32 to index
      %get3A_306 = tpu.vector_load %arg6[%get3A_303, %get3A_304, %get3A_305] {strides = array<i32>} : memref<7x16x256xf32, #tpu.memory_space<vmem>>, vector<16xf32>,
      %get3A_307 = arith.constant 4 : i32
      %get3A_308 = arith.index_cast %add3A_221 : i32 to index
      %get3A_309 = arith.index_cast %get3A_307 : i32 to index
      %get3A_310 = arith.index_cast %mul3A_237 : i32 to index
      %get3A_311 = tpu.vector_load %arg6[%get3A_308, %get3A_309, %get3A_310] {strides = array<i32>} : memref<7x16x256xf32, #tpu.memory_space<vmem>>, vector<16xf32>,
      %get3A_312 = arith.constant 5 : i32
      %get3A_313 = arith.index_cast %add3A_221 : i32 to index
      %get3A_314 = arith.index_cast %get3A_312 : i32 to index
      %get3A_315 = arith.index_cast %mul3A_237 : i32 to index
      %get3A_316 = tpu.vector_load %arg6[%get3A_313, %get3A_314, %get3A_315] {strides = array<i32>} : memref<7x16x256xf32, #tpu.memory_space<vmem>>, vector<16xf32>,
      %get3A_317 = arith.constant 6 : i32
      %get3A_318 = arith.index_cast %add3A_221 : i32 to index
      %get3A_319 = arith.index_cast %get3A_317 : i32 to index
      %get3A_320 = arith.index_cast %mul3A_237 : i32 to index
      %get3A_321 = tpu.vector_load %arg6[%get3A_318, %get3A_319, %get3A_320] {strides = array<i32>} : memref<7x16x256xf32, #tpu.memory_space<vmem>>, vector<16xf32>,
      %get3A_322 = arith.constant 7 : i32
      %get3A_323 = arith.index_cast %add3A_221 : i32 to index
      %get3A_324 = arith.index_cast %get3A_322 : i32 to index
      %get3A_325 = arith.index_cast %mul3A_237 : i32 to index
      %get3A_326 = tpu.vector_load %arg6[%get3A_323, %get3A_324, %get3A_325] {strides = array<i32>} : memref<7x16x256xf32, #tpu.memory_space<vmem>>, vector<16xf32>,
      %get3A_327 = arith.constant 8 : i32
      %get3A_328 = arith.index_cast %add3A_221 : i32 to index
      %get3A_329 = arith.index_cast %get3A_327 : i32 to index
      %get3A_330 = arith.index_cast %mul3A_237 : i32 to index
      %get3A_331 = tpu.vector_load %arg6[%get3A_328, %get3A_329, %get3A_330] {strides = array<i32>} : memref<7x16x256xf32, #tpu.memory_space<vmem>>, vector<16xf32>,
      %mul3A_332 = arith.constant 0.0714285746 : f32
      %mul3A_333 = vector.broadcast %mul3A_332 : f32 to vector<16xf32>
      %mul3A_334 = arith.mulf %get3A_291, %mul3A_333 : vector<16xf32>
      %mul3A_335 = arith.constant 5.000000e-01 : f32
      %mul3A_336 = vector.broadcast %mul3A_335 : f32 to vector<16xf32>
      %mul3A_337 = arith.mulf %mul3A_336, %get3A_301 : vector<16xf32>
      %sub3A_338 = arith.subf %mul3A_334, %mul3A_337 : vector<16xf32>
      %mul3A_339 = arith.constant 0.0714285746 : f32
      %mul3A_340 = vector.broadcast %mul3A_339 : f32 to vector<16xf32>
      %mul3A_341 = arith.mulf %get3A_291, %mul3A_340 : vector<16xf32>
      %mul3A_342 = arith.constant 5.000000e-01 : f32
      %mul3A_343 = vector.broadcast %mul3A_342 : f32 to vector<16xf32>
      %mul3A_344 = arith.mulf %mul3A_343, %get3A_301 : vector<16xf32>
      %add3A_345 = arith.addf %mul3A_341, %mul3A_344 : vector<16xf32>
      %mul3A_346 = arith.constant 0.0714285746 : f32
      %mul3A_347 = vector.broadcast %mul3A_346 : f32 to vector<16xf32>
      %mul3A_348 = arith.mulf %get3A_296, %mul3A_347 : vector<16xf32>
      %mul3A_349 = arith.constant 5.000000e-01 : f32
      %mul3A_350 = vector.broadcast %mul3A_349 : f32 to vector<16xf32>
      %mul3A_351 = arith.mulf %mul3A_350, %get3A_306 : vector<16xf32>
      %sub3A_352 = arith.subf %mul3A_348, %mul3A_351 : vector<16xf32>
      %mul3A_353 = arith.constant 0.0714285746 : f32
      %mul3A_354 = vector.broadcast %mul3A_353 : f32 to vector<16xf32>
      %mul3A_355 = arith.mulf %get3A_296, %mul3A_354 : vector<16xf32>
      %mul3A_356 = arith.constant 5.000000e-01 : f32
      %mul3A_357 = vector.broadcast %mul3A_356 : f32 to vector<16xf32>
      %mul3A_358 = arith.mulf %mul3A_357, %get3A_306 : vector<16xf32>
      %add3A_359 = arith.addf %mul3A_355, %mul3A_358 : vector<16xf32>
      %mul3A_360 = arith.mulf %get3A_301, %get3A_306 : vector<16xf32>
      %mul3A_361 = arith.constant 0.0714285746 : f32
      %mul3A_362 = vector.broadcast %mul3A_361 : f32 to vector<16xf32>
      %mul3A_363 = arith.mulf %get3A_241, %mul3A_362 : vector<16xf32>
      %mul3A_364 = arith.constant 5.000000e-01 : f32
      %mul3A_365 = vector.broadcast %mul3A_364 : f32 to vector<16xf32>
      %mul3A_366 = arith.mulf %mul3A_365, %get3A_251 : vector<16xf32>
      %sub3A_367 = arith.subf %mul3A_363, %mul3A_366 : vector<16xf32>
      %max3A = arith.maximumf %sub3A_367, %sub3A_338 : vector<16xf32>
      %mul3A_368 = arith.constant 0.0714285746 : f32
      %mul3A_369 = vector.broadcast %mul3A_368 : f32 to vector<16xf32>
      %mul3A_370 = arith.mulf %get3A_241, %mul3A_369 : vector<16xf32>
      %mul3A_371 = arith.constant 5.000000e-01 : f32
      %mul3A_372 = vector.broadcast %mul3A_371 : f32 to vector<16xf32>
      %mul3A_373 = arith.mulf %mul3A_372, %get3A_251 : vector<16xf32>
      %add3A_374 = arith.addf %mul3A_370, %mul3A_373 : vector<16xf32>
      %min3A_375 = arith.minimumf %add3A_374, %add3A_345 : vector<16xf32>
      %mul3A_376 = arith.constant 0.0714285746 : f32
      %mul3A_377 = vector.broadcast %mul3A_376 : f32 to vector<16xf32>
      %mul3A_378 = arith.mulf %get3A_246, %mul3A_377 : vector<16xf32>
      %mul3A_379 = arith.constant 5.000000e-01 : f32
      %mul3A_380 = vector.broadcast %mul3A_379 : f32 to vector<16xf32>
      %mul3A_381 = arith.mulf %mul3A_380, %get3A_256 : vector<16xf32>
      %sub3A_382 = arith.subf %mul3A_378, %mul3A_381 : vector<16xf32>
      %max3A_383 = arith.maximumf %sub3A_382, %sub3A_352 : vector<16xf32>
      %mul3A_384 = arith.constant 0.0714285746 : f32
      %mul3A_385 = vector.broadcast %mul3A_384 : f32 to vector<16xf32>
      %mul3A_386 = arith.mulf %get3A_246, %mul3A_385 : vector<16xf32>
      %mul3A_387 = arith.constant 5.000000e-01 : f32
      %mul3A_388 = vector.broadcast %mul3A_387 : f32 to vector<16xf32>
      %mul3A_389 = arith.mulf %mul3A_388, %get3A_256 : vector<16xf32>
      %add3A_390 = arith.addf %mul3A_386, %mul3A_389 : vector<16xf32>
      %min3A_391 = arith.minimumf %add3A_390, %add3A_359 : vector<16xf32>
      %sub3A_392 = arith.subf %min3A_375, %max3A : vector<16xf32>
      %max3A_393 = arith.constant 0.000000e+00 : f32
      %max3A_394 = vector.broadcast %max3A_393 : f32 to vector<16xf32>
      %max3A_395 = arith.maximumf %sub3A_392, %max3A_394 : vector<16xf32>
      %sub3A_396 = arith.subf %min3A_391, %max3A_383 : vector<16xf32>
      %max3A_397 = arith.constant 0.000000e+00 : f32
      %max3A_398 = vector.broadcast %max3A_397 : f32 to vector<16xf32>
      %max3A_399 = arith.maximumf %sub3A_396, %max3A_398 : vector<16xf32>
      %mul3A_400 = arith.mulf %max3A_395, %max3A_399 : vector<16xf32>
      %mul3A_401 = arith.mulf %get3A_251, %get3A_256 : vector<16xf32>
      %add3A_402 = arith.addf %mul3A_401, %mul3A_360 : vector<16xf32>
      %sub3A_403 = arith.subf %add3A_402, %mul3A_400 : vector<16xf32>
      %div3A_404 = arith.divf %mul3A_400, %sub3A_403 : vector<16xf32>
      %mul3A_405 = arith.constant 0.0714285746 : f32
      %mul3A_406 = vector.broadcast %mul3A_405 : f32 to vector<16xf32>
      %mul3A_407 = arith.mulf %get3A_266, %mul3A_406 : vector<16xf32>
      %mul3A_408 = arith.constant 5.000000e-01 : f32
      %mul3A_409 = vector.broadcast %mul3A_408 : f32 to vector<16xf32>
      %mul3A_410 = arith.mulf %mul3A_409, %get3A_276 : vector<16xf32>
      %sub3A_411 = arith.subf %mul3A_407, %mul3A_410 : vector<16xf32>
      %max3A_412 = arith.maximumf %sub3A_411, %sub3A_338 : vector<16xf32>
      %mul3A_413 = arith.constant 0.0714285746 : f32
      %mul3A_414 = vector.broadcast %mul3A_413 : f32 to vector<16xf32>
      %mul3A_415 = arith.mulf %get3A_266, %mul3A_414 : vector<16xf32>
      %mul3A_416 = arith.constant 5.000000e-01 : f32
      %mul3A_417 = vector.broadcast %mul3A_416 : f32 to vector<16xf32>
      %mul3A_418 = arith.mulf %mul3A_417, %get3A_276 : vector<16xf32>
      %add3A_419 = arith.addf %mul3A_415, %mul3A_418 : vector<16xf32>
      %min3A_420 = arith.minimumf %add3A_419, %add3A_345 : vector<16xf32>
      %mul3A_421 = arith.constant 0.0714285746 : f32
      %mul3A_422 = vector.broadcast %mul3A_421 : f32 to vector<16xf32>
      %mul3A_423 = arith.mulf %get3A_271, %mul3A_422 : vector<16xf32>
      %mul3A_424 = arith.constant 5.000000e-01 : f32
      %mul3A_425 = vector.broadcast %mul3A_424 : f32 to vector<16xf32>
      %mul3A_426 = arith.mulf %mul3A_425, %get3A_281 : vector<16xf32>
      %sub3A_427 = arith.subf %mul3A_423, %mul3A_426 : vector<16xf32>
      %max3A_428 = arith.maximumf %sub3A_427, %sub3A_352 : vector<16xf32>
      %mul3A_429 = arith.constant 0.0714285746 : f32
      %mul3A_430 = vector.broadcast %mul3A_429 : f32 to vector<16xf32>
      %mul3A_431 = arith.mulf %get3A_271, %mul3A_430 : vector<16xf32>
      %mul3A_432 = arith.constant 5.000000e-01 : f32
      %mul3A_433 = vector.broadcast %mul3A_432 : f32 to vector<16xf32>
      %mul3A_434 = arith.mulf %mul3A_433, %get3A_281 : vector<16xf32>
      %add3A_435 = arith.addf %mul3A_431, %mul3A_434 : vector<16xf32>
      %min3A_436 = arith.minimumf %add3A_435, %add3A_359 : vector<16xf32>
      %sub3A_437 = arith.subf %min3A_420, %max3A_412 : vector<16xf32>
      %max3A_438 = arith.constant 0.000000e+00 : f32
      %max3A_439 = vector.broadcast %max3A_438 : f32 to vector<16xf32>
      %max3A_440 = arith.maximumf %sub3A_437, %max3A_439 : vector<16xf32>
      %sub3A_441 = arith.subf %min3A_436, %max3A_428 : vector<16xf32>
      %max3A_442 = arith.constant 0.000000e+00 : f32
      %max3A_443 = vector.broadcast %max3A_442 : f32 to vector<16xf32>
      %max3A_444 = arith.maximumf %sub3A_441, %max3A_443 : vector<16xf32>
      %mul3A_445 = arith.mulf %max3A_440, %max3A_444 : vector<16xf32>
      %mul3A_446 = arith.mulf %get3A_276, %get3A_281 : vector<16xf32>
      %add3A_447 = arith.addf %mul3A_446, %mul3A_360 : vector<16xf32>
      %sub3A_448 = arith.subf %add3A_447, %mul3A_445 : vector<16xf32>
      %div3A_449 = arith.divf %mul3A_445, %sub3A_448 : vector<16xf32>
      %gt3A = arith.cmpf ogt, %div3A_449, %div3A_404 : vector<16xf32>
      %max3A_450 = arith.maximumf %div3A_404, %div3A_449 : vector<16xf32>
      %select_n3A_451 = arith.select %gt3A, %get3A_266, %get3A_241 : vector<16xi1>, vector<16xf32>
      %select_n3A_452 = arith.select %gt3A, %get3A_271, %get3A_246 : vector<16xi1>, vector<16xf32>
      %select_n3A_453 = arith.select %gt3A, %get3A_276, %get3A_251 : vector<16xi1>, vector<16xf32>
      %select_n3A_454 = arith.select %gt3A, %get3A_281, %get3A_256 : vector<16xi1>, vector<16xf32>
      %select_n3A_455 = arith.select %gt3A, %get3A_286, %get3A_261 : vector<16xi1>, vector<16xf32>
      %select_n3A_456 = arith.select %gt3A, %get3A_261, %get3A_286 : vector<16xi1>, vector<16xf32>
      %select_n3A_457 = arith.select %gt3A, %get3A_316, %get3A_291 : vector<16xi1>, vector<16xf32>
      %select_n3A_458 = arith.select %gt3A, %get3A_321, %get3A_296 : vector<16xi1>, vector<16xf32>
      %select_n3A_459 = arith.select %gt3A, %get3A_326, %get3A_301 : vector<16xi1>, vector<16xf32>
      %select_n3A_460 = arith.select %gt3A, %get3A_331, %get3A_306 : vector<16xi1>, vector<16xf32>
      %sub3A_461 = arith.subf %select_n3A_451, %select_n3A_457 : vector<16xf32>
      %sub3A_462 = arith.subf %select_n3A_452, %select_n3A_458 : vector<16xf32>
      %mul3A_463 = arith.mulf %sub3A_461, %sub3A_461 : vector<16xf32>
      %mul3A_464 = arith.mulf %sub3A_462, %sub3A_462 : vector<16xf32>
      %add3A_465 = arith.addf %mul3A_463, %mul3A_464 : vector<16xf32>
      %add3A_466 = arith.addf %select_n3A_453, %select_n3A_459 : vector<16xf32>
      %mul3A_467 = arith.mulf %select_n3A_453, %select_n3A_459 : vector<16xf32>
      %bitcast3A = vector.bitcast %mul3A_467 : vector<16xf32> to vector<16xi32>
      %shift_right_logical3A = arith.constant 1 : i32
      %shift_right_logical3A_468 = vector.broadcast %shift_right_logical3A : i32 to vector<16xi32>
      %shift_right_logical3A_469 = arith.shrui %bitcast3A, %shift_right_logical3A_468 : vector<16xi32>
      %sub3A_470 = arith.constant 1597463007 : i32
      %sub3A_471 = vector.broadcast %sub3A_470 : i32 to vector<16xi32>
      %sub3A_472 = arith.subi %sub3A_471, %shift_right_logical3A_469 : vector<16xi32>
      %bitcast3A_473 = vector.bitcast %sub3A_472 : vector<16xi32> to vector<16xf32>
      %mul3A_474 = arith.constant 5.000000e-01 : f32
      %mul3A_475 = vector.broadcast %mul3A_474 : f32 to vector<16xf32>
      %mul3A_476 = arith.mulf %mul3A_475, %mul3A_467 : vector<16xf32>
      %mul3A_477 = arith.mulf %mul3A_476, %bitcast3A_473 : vector<16xf32>
      %mul3A_478 = arith.mulf %mul3A_477, %bitcast3A_473 : vector<16xf32>
      %sub3A_479 = arith.constant 1.500000e+00 : f32
      %sub3A_480 = vector.broadcast %sub3A_479 : f32 to vector<16xf32>
      %sub3A_481 = arith.subf %sub3A_480, %mul3A_478 : vector<16xf32>
      %mul3A_482 = arith.mulf %bitcast3A_473, %sub3A_481 : vector<16xf32>
      %mul3A_483 = arith.constant 5.000000e-01 : f32
      %mul3A_484 = vector.broadcast %mul3A_483 : f32 to vector<16xf32>
      %mul3A_485 = arith.mulf %mul3A_484, %mul3A_467 : vector<16xf32>
      %mul3A_486 = arith.mulf %mul3A_485, %mul3A_482 : vector<16xf32>
      %mul3A_487 = arith.mulf %mul3A_486, %mul3A_482 : vector<16xf32>
      %sub3A_488 = arith.constant 1.500000e+00 : f32
      %sub3A_489 = vector.broadcast %sub3A_488 : f32 to vector<16xf32>
      %sub3A_490 = arith.subf %sub3A_489, %mul3A_487 : vector<16xf32>
      %mul3A_491 = arith.mulf %mul3A_482, %sub3A_490 : vector<16xf32>
      %mul3A_492 = arith.constant 5.000000e-01 : f32
      %mul3A_493 = vector.broadcast %mul3A_492 : f32 to vector<16xf32>
      %mul3A_494 = arith.mulf %mul3A_493, %mul3A_467 : vector<16xf32>
      %mul3A_495 = arith.mulf %mul3A_494, %mul3A_491 : vector<16xf32>
      %mul3A_496 = arith.mulf %mul3A_495, %mul3A_491 : vector<16xf32>
      %sub3A_497 = arith.constant 1.500000e+00 : f32
      %sub3A_498 = vector.broadcast %sub3A_497 : f32 to vector<16xf32>
      %sub3A_499 = arith.subf %sub3A_498, %mul3A_496 : vector<16xf32>
      %mul3A_500 = arith.mulf %mul3A_491, %sub3A_499 : vector<16xf32>
      %mul3A_501 = arith.mulf %mul3A_467, %mul3A_500 : vector<16xf32>
      %mul3A_502 = arith.constant 2.000000e+00 : f32
      %mul3A_503 = vector.broadcast %mul3A_502 : f32 to vector<16xf32>
      %mul3A_504 = arith.mulf %mul3A_503, %mul3A_501 : vector<16xf32>
      %sub3A_505 = arith.subf %add3A_466, %mul3A_504 : vector<16xf32>
      %add3A_506 = arith.addf %add3A_465, %sub3A_505 : vector<16xf32>
      %add3A_507 = arith.addf %select_n3A_454, %select_n3A_460 : vector<16xf32>
      %mul3A_508 = arith.mulf %select_n3A_454, %select_n3A_460 : vector<16xf32>
      %bitcast3A_509 = vector.bitcast %mul3A_508 : vector<16xf32> to vector<16xi32>
      %shift_right_logical3A_510 = arith.constant 1 : i32
      %shift_right_logical3A_511 = vector.broadcast %shift_right_logical3A_510 : i32 to vector<16xi32>
      %shift_right_logical3A_512 = arith.shrui %bitcast3A_509, %shift_right_logical3A_511 : vector<16xi32>
      %sub3A_513 = arith.constant 1597463007 : i32
      %sub3A_514 = vector.broadcast %sub3A_513 : i32 to vector<16xi32>
      %sub3A_515 = arith.subi %sub3A_514, %shift_right_logical3A_512 : vector<16xi32>
      %bitcast3A_516 = vector.bitcast %sub3A_515 : vector<16xi32> to vector<16xf32>
      %mul3A_517 = arith.constant 5.000000e-01 : f32
      %mul3A_518 = vector.broadcast %mul3A_517 : f32 to vector<16xf32>
      %mul3A_519 = arith.mulf %mul3A_518, %mul3A_508 : vector<16xf32>
      %mul3A_520 = arith.mulf %mul3A_519, %bitcast3A_516 : vector<16xf32>
      %mul3A_521 = arith.mulf %mul3A_520, %bitcast3A_516 : vector<16xf32>
      %sub3A_522 = arith.constant 1.500000e+00 : f32
      %sub3A_523 = vector.broadcast %sub3A_522 : f32 to vector<16xf32>
      %sub3A_524 = arith.subf %sub3A_523, %mul3A_521 : vector<16xf32>
      %mul3A_525 = arith.mulf %bitcast3A_516, %sub3A_524 : vector<16xf32>
      %mul3A_526 = arith.constant 5.000000e-01 : f32
      %mul3A_527 = vector.broadcast %mul3A_526 : f32 to vector<16xf32>
      %mul3A_528 = arith.mulf %mul3A_527, %mul3A_508 : vector<16xf32>
      %mul3A_529 = arith.mulf %mul3A_528, %mul3A_525 : vector<16xf32>
      %mul3A_530 = arith.mulf %mul3A_529, %mul3A_525 : vector<16xf32>
      %sub3A_531 = arith.constant 1.500000e+00 : f32
      %sub3A_532 = vector.broadcast %sub3A_531 : f32 to vector<16xf32>
      %sub3A_533 = arith.subf %sub3A_532, %mul3A_530 : vector<16xf32>
      %mul3A_534 = arith.mulf %mul3A_525, %sub3A_533 : vector<16xf32>
      %mul3A_535 = arith.constant 5.000000e-01 : f32
      %mul3A_536 = vector.broadcast %mul3A_535 : f32 to vector<16xf32>
      %mul3A_537 = arith.mulf %mul3A_536, %mul3A_508 : vector<16xf32>
      %mul3A_538 = arith.mulf %mul3A_537, %mul3A_534 : vector<16xf32>
      %mul3A_539 = arith.mulf %mul3A_538, %mul3A_534 : vector<16xf32>
      %sub3A_540 = arith.constant 1.500000e+00 : f32
      %sub3A_541 = vector.broadcast %sub3A_540 : f32 to vector<16xf32>
      %sub3A_542 = arith.subf %sub3A_541, %mul3A_539 : vector<16xf32>
      %mul3A_543 = arith.mulf %mul3A_534, %sub3A_542 : vector<16xf32>
      %mul3A_544 = arith.mulf %mul3A_508, %mul3A_543 : vector<16xf32>
      %mul3A_545 = arith.constant 2.000000e+00 : f32
      %mul3A_546 = vector.broadcast %mul3A_545 : f32 to vector<16xf32>
      %mul3A_547 = arith.mulf %mul3A_546, %mul3A_544 : vector<16xf32>
      %sub3A_548 = arith.subf %add3A_507, %mul3A_547 : vector<16xf32>
      %add3A_549 = arith.addf %add3A_506, %sub3A_548 : vector<16xf32>
      %sub3A_550 = arith.subf %select_n3A_455, %max3A_450 : vector<16xf32>
      %mul3A_551 = arith.mulf %sub3A_550, %sub3A_550 : vector<16xf32>
      %mul3A_552 = arith.mulf %select_n3A_456, %select_n3A_456 : vector<16xf32>
      %mul3A_553 = arith.mulf %get3A_261, %get3A_261 : vector<16xf32>
      %mul3A_554 = arith.mulf %get3A_286, %get3A_286 : vector<16xf32>
      %add3A_555 = arith.addf %mul3A_553, %mul3A_554 : vector<16xf32>
      %gt3A_556 = arith.constant 0.000000e+00 : f32
      %gt3A_557 = vector.broadcast %gt3A_556 : f32 to vector<16xf32>
      %gt3A_558 = arith.cmpf ogt, %get3A_311, %gt3A_557 : vector<16xf32>
      %jit3A_559 = arith.constant 1.000000e+00 : f32
      %jit3A_560 = arith.constant 0.000000e+00 : f32
      %broadcast_in_dim3A_561 = vector.broadcast %jit3A_559 : f32 to vector<16xf32>
      %broadcast_in_dim3A_562 = vector.broadcast %jit3A_560 : f32 to vector<16xf32>
      %select_n3A_563 = arith.select %gt3A_558, %broadcast_in_dim3A_561, %broadcast_in_dim3A_562 : vector<16xi1>, vector<16xf32>
      %mul3A_564 = arith.constant 5.000000e+00 : f32
      %mul3A_565 = vector.broadcast %mul3A_564 : f32 to vector<16xf32>
      %mul3A_566 = arith.mulf %mul3A_565, %add3A_549 : vector<16xf32>
      %add3A_567 = arith.addf %mul3A_566, %mul3A_551 : vector<16xf32>
      %mul3A_568 = arith.constant 5.000000e-01 : f32
      %mul3A_569 = vector.broadcast %mul3A_568 : f32 to vector<16xf32>
      %mul3A_570 = arith.mulf %mul3A_569, %mul3A_552 : vector<16xf32>
      %add3A_571 = arith.addf %add3A_567, %mul3A_570 : vector<16xf32>
      %mul3A_572 = arith.mulf %select_n3A_563, %add3A_571 : vector<16xf32>
      %sub3A_573 = arith.constant 1.000000e+00 : f32
      %sub3A_574 = vector.broadcast %sub3A_573 : f32 to vector<16xf32>
      %sub3A_575 = arith.subf %sub3A_574, %select_n3A_563 : vector<16xf32>
      %mul3A_576 = arith.constant 5.000000e-01 : f32
      %mul3A_577 = vector.broadcast %mul3A_576 : f32 to vector<16xf32>
      %mul3A_578 = arith.mulf %sub3A_575, %mul3A_577 : vector<16xf32>
      %mul3A_579 = arith.mulf %mul3A_578, %add3A_555 : vector<16xf32>
      %add3A_580 = arith.addf %mul3A_572, %mul3A_579 : vector<16xf32>
      %add3A_581 = arith.addf %while3A_196, %add3A_580 : vector<16xf32>
      scf.yield %add3A_581 : vector<16xf32>
    }
    %while3A_189 = arith.constant 1 : i32
    %while3A_190 = scf.for %while3A_195 = %while3A_186 to %while3A_182 step %while3A_189 iter_args(%while3A_196 = %while3A_188) -> (vector<16xf32>)  : i32 {
      %jit3A_197 = arith.constant 16 : i32
      %div3A_198 = arith.divsi %while3A_195, %jit3A_197 : i32
      %sign3A_199 = arith.constant 0 : i32
      %sign3A_200 = arith.cmpi sgt, %while3A_195, %sign3A_199 : i32
      %sign3A_201 = arith.extui %sign3A_200 : i1 to i32
      %sign3A_202 = arith.constant 0 : i32
      %sign3A_203 = arith.cmpi slt, %while3A_195, %sign3A_202 : i32
      %sign3A_204 = arith.extui %sign3A_203 : i1 to i32
      %sign3A_205 = arith.subi %sign3A_201, %sign3A_204 : i32
      %sign3A_206 = arith.constant 0 : i32
      %sign3A_207 = arith.cmpi sgt, %jit3A_197, %sign3A_206 : i32
      %sign3A_208 = arith.extui %sign3A_207 : i1 to i32
      %sign3A_209 = arith.constant 0 : i32
      %sign3A_210 = arith.cmpi slt, %jit3A_197, %sign3A_209 : i32
      %sign3A_211 = arith.extui %sign3A_210 : i1 to i32
      %sign3A_212 = arith.subi %sign3A_208, %sign3A_211 : i32
      %ne3A_213 = arith.cmpi ne, %sign3A_205, %sign3A_212 : i32
      %rem3A_214 = arith.remsi %while3A_195, %jit3A_197 : i32
      %ne3A_215 = arith.constant 0 : i32
      %ne3A_216 = arith.cmpi ne, %rem3A_214, %ne3A_215 : i32
      %and3A_217 = arith.andi %ne3A_213, %ne3A_216 : i1
      %sub3A_218 = arith.constant 1 : i32
      %sub3A_219 = arith.subi %div3A_198, %sub3A_218 : i32
      %select_n3A_220 = arith.select %and3A_217, %sub3A_219, %div3A_198 : i32
      %add3A_221 = arith.addi %sub3A_48, %select_n3A_220 : i32
      %jit3A_222 = arith.constant 16 : i32
      %eq3A = arith.constant 0 : i32
      %eq3A_223 = arith.cmpi eq, %jit3A_222, %eq3A : i32
      %jit3A_224 = arith.constant 1 : i32
      %select_n3A_225 = arith.select %eq3A_223, %jit3A_224, %jit3A_222 : i32
      %rem3A_226 = arith.remsi %while3A_195, %select_n3A_225 : i32
      %ne3A_227 = arith.constant 0 : i32
      %ne3A_228 = arith.cmpi ne, %rem3A_226, %ne3A_227 : i32
      %lt3A = arith.constant 0 : i32
      %lt3A_229 = arith.cmpi slt, %rem3A_226, %lt3A : i32
      %lt3A_230 = arith.constant 0 : i32
      %lt3A_231 = arith.cmpi slt, %select_n3A_225, %lt3A_230 : i32
      %ne3A_232 = arith.xori %lt3A_229, %lt3A_231 : i1
      %and3A_233 = arith.andi %ne3A_232, %ne3A_228 : i1
      %add3A_234 = arith.addi %rem3A_226, %select_n3A_225 : i32
      %select_n3A_235 = arith.select %and3A_233, %add3A_234, %rem3A_226 : i32
      %mul3A_236 = arith.constant 16 : i32
      %mul3A_237 = arith.muli %select_n3A_235, %mul3A_236 : i32
      %get3A = arith.constant 0 : i32
      %get3A_238 = arith.index_cast %add3A_221 : i32 to index
      %get3A_239 = arith.index_cast %get3A : i32 to index
      %get3A_240 = arith.index_cast %mul3A_237 : i32 to index
      %get3A_241 = tpu.vector_load %arg5[%get3A_238, %get3A_239, %get3A_240] {strides = array<i32>} : memref<7x16x256xf32, #tpu.memory_space<vmem>>, vector<16xf32>,
      %get3A_242 = arith.constant 1 : i32
      %get3A_243 = arith.index_cast %add3A_221 : i32 to index
      %get3A_244 = arith.index_cast %get3A_242 : i32 to index
      %get3A_245 = arith.index_cast %mul3A_237 : i32 to index
      %get3A_246 = tpu.vector_load %arg5[%get3A_243, %get3A_244, %get3A_245] {strides = array<i32>} : memref<7x16x256xf32, #tpu.memory_space<vmem>>, vector<16xf32>,
      %get3A_247 = arith.constant 2 : i32
      %get3A_248 = arith.index_cast %add3A_221 : i32 to index
      %get3A_249 = arith.index_cast %get3A_247 : i32 to index
      %get3A_250 = arith.index_cast %mul3A_237 : i32 to index
      %get3A_251 = tpu.vector_load %arg5[%get3A_248, %get3A_249, %get3A_250] {strides = array<i32>} : memref<7x16x256xf32, #tpu.memory_space<vmem>>, vector<16xf32>,
      %get3A_252 = arith.constant 3 : i32
      %get3A_253 = arith.index_cast %add3A_221 : i32 to index
      %get3A_254 = arith.index_cast %get3A_252 : i32 to index
      %get3A_255 = arith.index_cast %mul3A_237 : i32 to index
      %get3A_256 = tpu.vector_load %arg5[%get3A_253, %get3A_254, %get3A_255] {strides = array<i32>} : memref<7x16x256xf32, #tpu.memory_space<vmem>>, vector<16xf32>,
      %get3A_257 = arith.constant 4 : i32
      %get3A_258 = arith.index_cast %add3A_221 : i32 to index
      %get3A_259 = arith.index_cast %get3A_257 : i32 to index
      %get3A_260 = arith.index_cast %mul3A_237 : i32 to index
      %get3A_261 = tpu.vector_load %arg5[%get3A_258, %get3A_259, %get3A_260] {strides = array<i32>} : memref<7x16x256xf32, #tpu.memory_space<vmem>>, vector<16xf32>,
      %get3A_262 = arith.constant 5 : i32
      %get3A_263 = arith.index_cast %add3A_221 : i32 to index
      %get3A_264 = arith.index_cast %get3A_262 : i32 to index
      %get3A_265 = arith.index_cast %mul3A_237 : i32 to index
      %get3A_266 = tpu.vector_load %arg5[%get3A_263, %get3A_264, %get3A_265] {strides = array<i32>} : memref<7x16x256xf32, #tpu.memory_space<vmem>>, vector<16xf32>,
      %get3A_267 = arith.constant 6 : i32
      %get3A_268 = arith.index_cast %add3A_221 : i32 to index
      %get3A_269 = arith.index_cast %get3A_267 : i32 to index
      %get3A_270 = arith.index_cast %mul3A_237 : i32 to index
      %get3A_271 = tpu.vector_load %arg5[%get3A_268, %get3A_269, %get3A_270] {strides = array<i32>} : memref<7x16x256xf32, #tpu.memory_space<vmem>>, vector<16xf32>,
      %get3A_272 = arith.constant 7 : i32
      %get3A_273 = arith.index_cast %add3A_221 : i32 to index
      %get3A_274 = arith.index_cast %get3A_272 : i32 to index
      %get3A_275 = arith.index_cast %mul3A_237 : i32 to index
      %get3A_276 = tpu.vector_load %arg5[%get3A_273, %get3A_274, %get3A_275] {strides = array<i32>} : memref<7x16x256xf32, #tpu.memory_space<vmem>>, vector<16xf32>,
      %get3A_277 = arith.constant 8 : i32
      %get3A_278 = arith.index_cast %add3A_221 : i32 to index
      %get3A_279 = arith.index_cast %get3A_277 : i32 to index
      %get3A_280 = arith.index_cast %mul3A_237 : i32 to index
      %get3A_281 = tpu.vector_load %arg5[%get3A_278, %get3A_279, %get3A_280] {strides = array<i32>} : memref<7x16x256xf32, #tpu.memory_space<vmem>>, vector<16xf32>,
      %get3A_282 = arith.constant 9 : i32
      %get3A_283 = arith.index_cast %add3A_221 : i32 to index
      %get3A_284 = arith.index_cast %get3A_282 : i32 to index
      %get3A_285 = arith.index_cast %mul3A_237 : i32 to index
      %get3A_286 = tpu.vector_load %arg5[%get3A_283, %get3A_284, %get3A_285] {strides = array<i32>} : memref<7x16x256xf32, #tpu.memory_space<vmem>>, vector<16xf32>,
      %get3A_287 = arith.constant 0 : i32
      %get3A_288 = arith.index_cast %add3A_221 : i32 to index
      %get3A_289 = arith.index_cast %get3A_287 : i32 to index
      %get3A_290 = arith.index_cast %mul3A_237 : i32 to index
      %get3A_291 = tpu.vector_load %arg6[%get3A_288, %get3A_289, %get3A_290] {strides = array<i32>} : memref<7x16x256xf32, #tpu.memory_space<vmem>>, vector<16xf32>,
      %get3A_292 = arith.constant 1 : i32
      %get3A_293 = arith.index_cast %add3A_221 : i32 to index
      %get3A_294 = arith.index_cast %get3A_292 : i32 to index
      %get3A_295 = arith.index_cast %mul3A_237 : i32 to index
      %get3A_296 = tpu.vector_load %arg6[%get3A_293, %get3A_294, %get3A_295] {strides = array<i32>} : memref<7x16x256xf32, #tpu.memory_space<vmem>>, vector<16xf32>,
      %get3A_297 = arith.constant 2 : i32
      %get3A_298 = arith.index_cast %add3A_221 : i32 to index
      %get3A_299 = arith.index_cast %get3A_297 : i32 to index
      %get3A_300 = arith.index_cast %mul3A_237 : i32 to index
      %get3A_301 = tpu.vector_load %arg6[%get3A_298, %get3A_299, %get3A_300] {strides = array<i32>} : memref<7x16x256xf32, #tpu.memory_space<vmem>>, vector<16xf32>,
      %get3A_302 = arith.constant 3 : i32
      %get3A_303 = arith.index_cast %add3A_221 : i32 to index
      %get3A_304 = arith.index_cast %get3A_302 : i32 to index
      %get3A_305 = arith.index_cast %mul3A_237 : i32 to index
      %get3A_306 = tpu.vector_load %arg6[%get3A_303, %get3A_304, %get3A_305] {strides = array<i32>} : memref<7x16x256xf32, #tpu.memory_space<vmem>>, vector<16xf32>,
      %get3A_307 = arith.constant 4 : i32
      %get3A_308 = arith.index_cast %add3A_221 : i32 to index
      %get3A_309 = arith.index_cast %get3A_307 : i32 to index
      %get3A_310 = arith.index_cast %mul3A_237 : i32 to index
      %get3A_311 = tpu.vector_load %arg6[%get3A_308, %get3A_309, %get3A_310] {strides = array<i32>} : memref<7x16x256xf32, #tpu.memory_space<vmem>>, vector<16xf32>,
      %get3A_312 = arith.constant 5 : i32
      %get3A_313 = arith.index_cast %add3A_221 : i32 to index
      %get3A_314 = arith.index_cast %get3A_312 : i32 to index
      %get3A_315 = arith.index_cast %mul3A_237 : i32 to index
      %get3A_316 = tpu.vector_load %arg6[%get3A_313, %get3A_314, %get3A_315] {strides = array<i32>} : memref<7x16x256xf32, #tpu.memory_space<vmem>>, vector<16xf32>,
      %get3A_317 = arith.constant 6 : i32
      %get3A_318 = arith.index_cast %add3A_221 : i32 to index
      %get3A_319 = arith.index_cast %get3A_317 : i32 to index
      %get3A_320 = arith.index_cast %mul3A_237 : i32 to index
      %get3A_321 = tpu.vector_load %arg6[%get3A_318, %get3A_319, %get3A_320] {strides = array<i32>} : memref<7x16x256xf32, #tpu.memory_space<vmem>>, vector<16xf32>,
      %get3A_322 = arith.constant 7 : i32
      %get3A_323 = arith.index_cast %add3A_221 : i32 to index
      %get3A_324 = arith.index_cast %get3A_322 : i32 to index
      %get3A_325 = arith.index_cast %mul3A_237 : i32 to index
      %get3A_326 = tpu.vector_load %arg6[%get3A_323, %get3A_324, %get3A_325] {strides = array<i32>} : memref<7x16x256xf32, #tpu.memory_space<vmem>>, vector<16xf32>,
      %get3A_327 = arith.constant 8 : i32
      %get3A_328 = arith.index_cast %add3A_221 : i32 to index
      %get3A_329 = arith.index_cast %get3A_327 : i32 to index
      %get3A_330 = arith.index_cast %mul3A_237 : i32 to index
      %get3A_331 = tpu.vector_load %arg6[%get3A_328, %get3A_329, %get3A_330] {strides = array<i32>} : memref<7x16x256xf32, #tpu.memory_space<vmem>>, vector<16xf32>,
      %mul3A_332 = arith.constant 0.0714285746 : f32
      %mul3A_333 = vector.broadcast %mul3A_332 : f32 to vector<16xf32>
      %mul3A_334 = arith.mulf %get3A_291, %mul3A_333 : vector<16xf32>
      %mul3A_335 = arith.constant 5.000000e-01 : f32
      %mul3A_336 = vector.broadcast %mul3A_335 : f32 to vector<16xf32>
      %mul3A_337 = arith.mulf %mul3A_336, %get3A_301 : vector<16xf32>
      %sub3A_338 = arith.subf %mul3A_334, %mul3A_337 : vector<16xf32>
      %mul3A_339 = arith.constant 0.0714285746 : f32
      %mul3A_340 = vector.broadcast %mul3A_339 : f32 to vector<16xf32>
      %mul3A_341 = arith.mulf %get3A_291, %mul3A_340 : vector<16xf32>
      %mul3A_342 = arith.constant 5.000000e-01 : f32
      %mul3A_343 = vector.broadcast %mul3A_342 : f32 to vector<16xf32>
      %mul3A_344 = arith.mulf %mul3A_343, %get3A_301 : vector<16xf32>
      %add3A_345 = arith.addf %mul3A_341, %mul3A_344 : vector<16xf32>
      %mul3A_346 = arith.constant 0.0714285746 : f32
      %mul3A_347 = vector.broadcast %mul3A_346 : f32 to vector<16xf32>
      %mul3A_348 = arith.mulf %get3A_296, %mul3A_347 : vector<16xf32>
      %mul3A_349 = arith.constant 5.000000e-01 : f32
      %mul3A_350 = vector.broadcast %mul3A_349 : f32 to vector<16xf32>
      %mul3A_351 = arith.mulf %mul3A_350, %get3A_306 : vector<16xf32>
      %sub3A_352 = arith.subf %mul3A_348, %mul3A_351 : vector<16xf32>
      %mul3A_353 = arith.constant 0.0714285746 : f32
      %mul3A_354 = vector.broadcast %mul3A_353 : f32 to vector<16xf32>
      %mul3A_355 = arith.mulf %get3A_296, %mul3A_354 : vector<16xf32>
      %mul3A_356 = arith.constant 5.000000e-01 : f32
      %mul3A_357 = vector.broadcast %mul3A_356 : f32 to vector<16xf32>
      %mul3A_358 = arith.mulf %mul3A_357, %get3A_306 : vector<16xf32>
      %add3A_359 = arith.addf %mul3A_355, %mul3A_358 : vector<16xf32>
      %mul3A_360 = arith.mulf %get3A_301, %get3A_306 : vector<16xf32>
      %mul3A_361 = arith.constant 0.0714285746 : f32
      %mul3A_362 = vector.broadcast %mul3A_361 : f32 to vector<16xf32>
      %mul3A_363 = arith.mulf %get3A_241, %mul3A_362 : vector<16xf32>
      %mul3A_364 = arith.constant 5.000000e-01 : f32
      %mul3A_365 = vector.broadcast %mul3A_364 : f32 to vector<16xf32>
      %mul3A_366 = arith.mulf %mul3A_365, %get3A_251 : vector<16xf32>
      %sub3A_367 = arith.subf %mul3A_363, %mul3A_366 : vector<16xf32>
      %max3A = arith.maximumf %sub3A_367, %sub3A_338 : vector<16xf32>
      %mul3A_368 = arith.constant 0.0714285746 : f32
      %mul3A_369 = vector.broadcast %mul3A_368 : f32 to vector<16xf32>
      %mul3A_370 = arith.mulf %get3A_241, %mul3A_369 : vector<16xf32>
      %mul3A_371 = arith.constant 5.000000e-01 : f32
      %mul3A_372 = vector.broadcast %mul3A_371 : f32 to vector<16xf32>
      %mul3A_373 = arith.mulf %mul3A_372, %get3A_251 : vector<16xf32>
      %add3A_374 = arith.addf %mul3A_370, %mul3A_373 : vector<16xf32>
      %min3A_375 = arith.minimumf %add3A_374, %add3A_345 : vector<16xf32>
      %mul3A_376 = arith.constant 0.0714285746 : f32
      %mul3A_377 = vector.broadcast %mul3A_376 : f32 to vector<16xf32>
      %mul3A_378 = arith.mulf %get3A_246, %mul3A_377 : vector<16xf32>
      %mul3A_379 = arith.constant 5.000000e-01 : f32
      %mul3A_380 = vector.broadcast %mul3A_379 : f32 to vector<16xf32>
      %mul3A_381 = arith.mulf %mul3A_380, %get3A_256 : vector<16xf32>
      %sub3A_382 = arith.subf %mul3A_378, %mul3A_381 : vector<16xf32>
      %max3A_383 = arith.maximumf %sub3A_382, %sub3A_352 : vector<16xf32>
      %mul3A_384 = arith.constant 0.0714285746 : f32
      %mul3A_385 = vector.broadcast %mul3A_384 : f32 to vector<16xf32>
      %mul3A_386 = arith.mulf %get3A_246, %mul3A_385 : vector<16xf32>
      %mul3A_387 = arith.constant 5.000000e-01 : f32
      %mul3A_388 = vector.broadcast %mul3A_387 : f32 to vector<16xf32>
      %mul3A_389 = arith.mulf %mul3A_388, %get3A_256 : vector<16xf32>
      %add3A_390 = arith.addf %mul3A_386, %mul3A_389 : vector<16xf32>
      %min3A_391 = arith.minimumf %add3A_390, %add3A_359 : vector<16xf32>
      %sub3A_392 = arith.subf %min3A_375, %max3A : vector<16xf32>
      %max3A_393 = arith.constant 0.000000e+00 : f32
      %max3A_394 = vector.broadcast %max3A_393 : f32 to vector<16xf32>
      %max3A_395 = arith.maximumf %sub3A_392, %max3A_394 : vector<16xf32>
      %sub3A_396 = arith.subf %min3A_391, %max3A_383 : vector<16xf32>
      %max3A_397 = arith.constant 0.000000e+00 : f32
      %max3A_398 = vector.broadcast %max3A_397 : f32 to vector<16xf32>
      %max3A_399 = arith.maximumf %sub3A_396, %max3A_398 : vector<16xf32>
      %mul3A_400 = arith.mulf %max3A_395, %max3A_399 : vector<16xf32>
      %mul3A_401 = arith.mulf %get3A_251, %get3A_256 : vector<16xf32>
      %add3A_402 = arith.addf %mul3A_401, %mul3A_360 : vector<16xf32>
      %sub3A_403 = arith.subf %add3A_402, %mul3A_400 : vector<16xf32>
      %div3A_404 = arith.divf %mul3A_400, %sub3A_403 : vector<16xf32>
      %mul3A_405 = arith.constant 0.0714285746 : f32
      %mul3A_406 = vector.broadcast %mul3A_405 : f32 to vector<16xf32>
      %mul3A_407 = arith.mulf %get3A_266, %mul3A_406 : vector<16xf32>
      %mul3A_408 = arith.constant 5.000000e-01 : f32
      %mul3A_409 = vector.broadcast %mul3A_408 : f32 to vector<16xf32>
      %mul3A_410 = arith.mulf %mul3A_409, %get3A_276 : vector<16xf32>
      %sub3A_411 = arith.subf %mul3A_407, %mul3A_410 : vector<16xf32>
      %max3A_412 = arith.maximumf %sub3A_411, %sub3A_338 : vector<16xf32>
      %mul3A_413 = arith.constant 0.0714285746 : f32
      %mul3A_414 = vector.broadcast %mul3A_413 : f32 to vector<16xf32>
      %mul3A_415 = arith.mulf %get3A_266, %mul3A_414 : vector<16xf32>
      %mul3A_416 = arith.constant 5.000000e-01 : f32
      %mul3A_417 = vector.broadcast %mul3A_416 : f32 to vector<16xf32>
      %mul3A_418 = arith.mulf %mul3A_417, %get3A_276 : vector<16xf32>
      %add3A_419 = arith.addf %mul3A_415, %mul3A_418 : vector<16xf32>
      %min3A_420 = arith.minimumf %add3A_419, %add3A_345 : vector<16xf32>
      %mul3A_421 = arith.constant 0.0714285746 : f32
      %mul3A_422 = vector.broadcast %mul3A_421 : f32 to vector<16xf32>
      %mul3A_423 = arith.mulf %get3A_271, %mul3A_422 : vector<16xf32>
      %mul3A_424 = arith.constant 5.000000e-01 : f32
      %mul3A_425 = vector.broadcast %mul3A_424 : f32 to vector<16xf32>
      %mul3A_426 = arith.mulf %mul3A_425, %get3A_281 : vector<16xf32>
      %sub3A_427 = arith.subf %mul3A_423, %mul3A_426 : vector<16xf32>
      %max3A_428 = arith.maximumf %sub3A_427, %sub3A_352 : vector<16xf32>
      %mul3A_429 = arith.constant 0.0714285746 : f32
      %mul3A_430 = vector.broadcast %mul3A_429 : f32 to vector<16xf32>
      %mul3A_431 = arith.mulf %get3A_271, %mul3A_430 : vector<16xf32>
      %mul3A_432 = arith.constant 5.000000e-01 : f32
      %mul3A_433 = vector.broadcast %mul3A_432 : f32 to vector<16xf32>
      %mul3A_434 = arith.mulf %mul3A_433, %get3A_281 : vector<16xf32>
      %add3A_435 = arith.addf %mul3A_431, %mul3A_434 : vector<16xf32>
      %min3A_436 = arith.minimumf %add3A_435, %add3A_359 : vector<16xf32>
      %sub3A_437 = arith.subf %min3A_420, %max3A_412 : vector<16xf32>
      %max3A_438 = arith.constant 0.000000e+00 : f32
      %max3A_439 = vector.broadcast %max3A_438 : f32 to vector<16xf32>
      %max3A_440 = arith.maximumf %sub3A_437, %max3A_439 : vector<16xf32>
      %sub3A_441 = arith.subf %min3A_436, %max3A_428 : vector<16xf32>
      %max3A_442 = arith.constant 0.000000e+00 : f32
      %max3A_443 = vector.broadcast %max3A_442 : f32 to vector<16xf32>
      %max3A_444 = arith.maximumf %sub3A_441, %max3A_443 : vector<16xf32>
      %mul3A_445 = arith.mulf %max3A_440, %max3A_444 : vector<16xf32>
      %mul3A_446 = arith.mulf %get3A_276, %get3A_281 : vector<16xf32>
      %add3A_447 = arith.addf %mul3A_446, %mul3A_360 : vector<16xf32>
      %sub3A_448 = arith.subf %add3A_447, %mul3A_445 : vector<16xf32>
      %div3A_449 = arith.divf %mul3A_445, %sub3A_448 : vector<16xf32>
      %gt3A = arith.cmpf ogt, %div3A_449, %div3A_404 : vector<16xf32>
      %max3A_450 = arith.maximumf %div3A_404, %div3A_449 : vector<16xf32>
      %select_n3A_451 = arith.select %gt3A, %get3A_266, %get3A_241 : vector<16xi1>, vector<16xf32>
      %select_n3A_452 = arith.select %gt3A, %get3A_271, %get3A_246 : vector<16xi1>, vector<16xf32>
      %select_n3A_453 = arith.select %gt3A, %get3A_276, %get3A_251 : vector<16xi1>, vector<16xf32>
      %select_n3A_454 = arith.select %gt3A, %get3A_281, %get3A_256 : vector<16xi1>, vector<16xf32>
      %select_n3A_455 = arith.select %gt3A, %get3A_286, %get3A_261 : vector<16xi1>, vector<16xf32>
      %select_n3A_456 = arith.select %gt3A, %get3A_261, %get3A_286 : vector<16xi1>, vector<16xf32>
      %select_n3A_457 = arith.select %gt3A, %get3A_316, %get3A_291 : vector<16xi1>, vector<16xf32>
      %select_n3A_458 = arith.select %gt3A, %get3A_321, %get3A_296 : vector<16xi1>, vector<16xf32>
      %select_n3A_459 = arith.select %gt3A, %get3A_326, %get3A_301 : vector<16xi1>, vector<16xf32>
      %select_n3A_460 = arith.select %gt3A, %get3A_331, %get3A_306 : vector<16xi1>, vector<16xf32>
      %sub3A_461 = arith.subf %select_n3A_451, %select_n3A_457 : vector<16xf32>
      %sub3A_462 = arith.subf %select_n3A_452, %select_n3A_458 : vector<16xf32>
      %mul3A_463 = arith.mulf %sub3A_461, %sub3A_461 : vector<16xf32>
      %mul3A_464 = arith.mulf %sub3A_462, %sub3A_462 : vector<16xf32>
      %add3A_465 = arith.addf %mul3A_463, %mul3A_464 : vector<16xf32>
      %add3A_466 = arith.addf %select_n3A_453, %select_n3A_459 : vector<16xf32>
      %mul3A_467 = arith.mulf %select_n3A_453, %select_n3A_459 : vector<16xf32>
      %bitcast3A = vector.bitcast %mul3A_467 : vector<16xf32> to vector<16xi32>
      %shift_right_logical3A = arith.constant 1 : i32
      %shift_right_logical3A_468 = vector.broadcast %shift_right_logical3A : i32 to vector<16xi32>
      %shift_right_logical3A_469 = arith.shrui %bitcast3A, %shift_right_logical3A_468 : vector<16xi32>
      %sub3A_470 = arith.constant 1597463007 : i32
      %sub3A_471 = vector.broadcast %sub3A_470 : i32 to vector<16xi32>
      %sub3A_472 = arith.subi %sub3A_471, %shift_right_logical3A_469 : vector<16xi32>
      %bitcast3A_473 = vector.bitcast %sub3A_472 : vector<16xi32> to vector<16xf32>
      %mul3A_474 = arith.constant 5.000000e-01 : f32
      %mul3A_475 = vector.broadcast %mul3A_474 : f32 to vector<16xf32>
      %mul3A_476 = arith.mulf %mul3A_475, %mul3A_467 : vector<16xf32>
      %mul3A_477 = arith.mulf %mul3A_476, %bitcast3A_473 : vector<16xf32>
      %mul3A_478 = arith.mulf %mul3A_477, %bitcast3A_473 : vector<16xf32>
      %sub3A_479 = arith.constant 1.500000e+00 : f32
      %sub3A_480 = vector.broadcast %sub3A_479 : f32 to vector<16xf32>
      %sub3A_481 = arith.subf %sub3A_480, %mul3A_478 : vector<16xf32>
      %mul3A_482 = arith.mulf %bitcast3A_473, %sub3A_481 : vector<16xf32>
      %mul3A_483 = arith.constant 5.000000e-01 : f32
      %mul3A_484 = vector.broadcast %mul3A_483 : f32 to vector<16xf32>
      %mul3A_485 = arith.mulf %mul3A_484, %mul3A_467 : vector<16xf32>
      %mul3A_486 = arith.mulf %mul3A_485, %mul3A_482 : vector<16xf32>
      %mul3A_487 = arith.mulf %mul3A_486, %mul3A_482 : vector<16xf32>
      %sub3A_488 = arith.constant 1.500000e+00 : f32
      %sub3A_489 = vector.broadcast %sub3A_488 : f32 to vector<16xf32>
      %sub3A_490 = arith.subf %sub3A_489, %mul3A_487 : vector<16xf32>
      %mul3A_491 = arith.mulf %mul3A_482, %sub3A_490 : vector<16xf32>
      %mul3A_492 = arith.constant 5.000000e-01 : f32
      %mul3A_493 = vector.broadcast %mul3A_492 : f32 to vector<16xf32>
      %mul3A_494 = arith.mulf %mul3A_493, %mul3A_467 : vector<16xf32>
      %mul3A_495 = arith.mulf %mul3A_494, %mul3A_491 : vector<16xf32>
      %mul3A_496 = arith.mulf %mul3A_495, %mul3A_491 : vector<16xf32>
      %sub3A_497 = arith.constant 1.500000e+00 : f32
      %sub3A_498 = vector.broadcast %sub3A_497 : f32 to vector<16xf32>
      %sub3A_499 = arith.subf %sub3A_498, %mul3A_496 : vector<16xf32>
      %mul3A_500 = arith.mulf %mul3A_491, %sub3A_499 : vector<16xf32>
      %mul3A_501 = arith.mulf %mul3A_467, %mul3A_500 : vector<16xf32>
      %mul3A_502 = arith.constant 2.000000e+00 : f32
      %mul3A_503 = vector.broadcast %mul3A_502 : f32 to vector<16xf32>
      %mul3A_504 = arith.mulf %mul3A_503, %mul3A_501 : vector<16xf32>
      %sub3A_505 = arith.subf %add3A_466, %mul3A_504 : vector<16xf32>
      %add3A_506 = arith.addf %add3A_465, %sub3A_505 : vector<16xf32>
      %add3A_507 = arith.addf %select_n3A_454, %select_n3A_460 : vector<16xf32>
      %mul3A_508 = arith.mulf %select_n3A_454, %select_n3A_460 : vector<16xf32>
      %bitcast3A_509 = vector.bitcast %mul3A_508 : vector<16xf32> to vector<16xi32>
      %shift_right_logical3A_510 = arith.constant 1 : i32
      %shift_right_logical3A_511 = vector.broadcast %shift_right_logical3A_510 : i32 to vector<16xi32>
      %shift_right_logical3A_512 = arith.shrui %bitcast3A_509, %shift_right_logical3A_511 : vector<16xi32>
      %sub3A_513 = arith.constant 1597463007 : i32
      %sub3A_514 = vector.broadcast %sub3A_513 : i32 to vector<16xi32>
      %sub3A_515 = arith.subi %sub3A_514, %shift_right_logical3A_512 : vector<16xi32>
      %bitcast3A_516 = vector.bitcast %sub3A_515 : vector<16xi32> to vector<16xf32>
      %mul3A_517 = arith.constant 5.000000e-01 : f32
      %mul3A_518 = vector.broadcast %mul3A_517 : f32 to vector<16xf32>
      %mul3A_519 = arith.mulf %mul3A_518, %mul3A_508 : vector<16xf32>
      %mul3A_520 = arith.mulf %mul3A_519, %bitcast3A_516 : vector<16xf32>
      %mul3A_521 = arith.mulf %mul3A_520, %bitcast3A_516 : vector<16xf32>
      %sub3A_522 = arith.constant 1.500000e+00 : f32
      %sub3A_523 = vector.broadcast %sub3A_522 : f32 to vector<16xf32>
      %sub3A_524 = arith.subf %sub3A_523, %mul3A_521 : vector<16xf32>
      %mul3A_525 = arith.mulf %bitcast3A_516, %sub3A_524 : vector<16xf32>
      %mul3A_526 = arith.constant 5.000000e-01 : f32
      %mul3A_527 = vector.broadcast %mul3A_526 : f32 to vector<16xf32>
      %mul3A_528 = arith.mulf %mul3A_527, %mul3A_508 : vector<16xf32>
      %mul3A_529 = arith.mulf %mul3A_528, %mul3A_525 : vector<16xf32>
      %mul3A_530 = arith.mulf %mul3A_529, %mul3A_525 : vector<16xf32>
      %sub3A_531 = arith.constant 1.500000e+00 : f32
      %sub3A_532 = vector.broadcast %sub3A_531 : f32 to vector<16xf32>
      %sub3A_533 = arith.subf %sub3A_532, %mul3A_530 : vector<16xf32>
      %mul3A_534 = arith.mulf %mul3A_525, %sub3A_533 : vector<16xf32>
      %mul3A_535 = arith.constant 5.000000e-01 : f32
      %mul3A_536 = vector.broadcast %mul3A_535 : f32 to vector<16xf32>
      %mul3A_537 = arith.mulf %mul3A_536, %mul3A_508 : vector<16xf32>
      %mul3A_538 = arith.mulf %mul3A_537, %mul3A_534 : vector<16xf32>
      %mul3A_539 = arith.mulf %mul3A_538, %mul3A_534 : vector<16xf32>
      %sub3A_540 = arith.constant 1.500000e+00 : f32
      %sub3A_541 = vector.broadcast %sub3A_540 : f32 to vector<16xf32>
      %sub3A_542 = arith.subf %sub3A_541, %mul3A_539 : vector<16xf32>
      %mul3A_543 = arith.mulf %mul3A_534, %sub3A_542 : vector<16xf32>
      %mul3A_544 = arith.mulf %mul3A_508, %mul3A_543 : vector<16xf32>
      %mul3A_545 = arith.constant 2.000000e+00 : f32
      %mul3A_546 = vector.broadcast %mul3A_545 : f32 to vector<16xf32>
      %mul3A_547 = arith.mulf %mul3A_546, %mul3A_544 : vector<16xf32>
      %sub3A_548 = arith.subf %add3A_507, %mul3A_547 : vector<16xf32>
      %add3A_549 = arith.addf %add3A_506, %sub3A_548 : vector<16xf32>
      %sub3A_550 = arith.subf %select_n3A_455, %max3A_450 : vector<16xf32>
      %mul3A_551 = arith.mulf %sub3A_550, %sub3A_550 : vector<16xf32>
      %mul3A_552 = arith.mulf %select_n3A_456, %select_n3A_456 : vector<16xf32>
      %mul3A_553 = arith.mulf %get3A_261, %get3A_261 : vector<16xf32>
      %mul3A_554 = arith.mulf %get3A_286, %get3A_286 : vector<16xf32>
      %add3A_555 = arith.addf %mul3A_553, %mul3A_554 : vector<16xf32>
      %gt3A_556 = arith.constant 0.000000e+00 : f32
      %gt3A_557 = vector.broadcast %gt3A_556 : f32 to vector<16xf32>
      %gt3A_558 = arith.cmpf ogt, %get3A_311, %gt3A_557 : vector<16xf32>
      %jit3A_559 = arith.constant 1.000000e+00 : f32
      %jit3A_560 = arith.constant 0.000000e+00 : f32
      %broadcast_in_dim3A_561 = vector.broadcast %jit3A_559 : f32 to vector<16xf32>
      %broadcast_in_dim3A_562 = vector.broadcast %jit3A_560 : f32 to vector<16xf32>
      %select_n3A_563 = arith.select %gt3A_558, %broadcast_in_dim3A_561, %broadcast_in_dim3A_562 : vector<16xi1>, vector<16xf32>
      %mul3A_564 = arith.constant 5.000000e+00 : f32
      %mul3A_565 = vector.broadcast %mul3A_564 : f32 to vector<16xf32>
      %mul3A_566 = arith.mulf %mul3A_565, %add3A_549 : vector<16xf32>
      %add3A_567 = arith.addf %mul3A_566, %mul3A_551 : vector<16xf32>
      %mul3A_568 = arith.constant 5.000000e-01 : f32
      %mul3A_569 = vector.broadcast %mul3A_568 : f32 to vector<16xf32>
      %mul3A_570 = arith.mulf %mul3A_569, %mul3A_552 : vector<16xf32>
      %add3A_571 = arith.addf %add3A_567, %mul3A_570 : vector<16xf32>
      %mul3A_572 = arith.mulf %select_n3A_563, %add3A_571 : vector<16xf32>
      %sub3A_573 = arith.constant 1.000000e+00 : f32
      %sub3A_574 = vector.broadcast %sub3A_573 : f32 to vector<16xf32>
      %sub3A_575 = arith.subf %sub3A_574, %select_n3A_563 : vector<16xf32>
      %mul3A_576 = arith.constant 5.000000e-01 : f32
      %mul3A_577 = vector.broadcast %mul3A_576 : f32 to vector<16xf32>
      %mul3A_578 = arith.mulf %sub3A_575, %mul3A_577 : vector<16xf32>
      %mul3A_579 = arith.mulf %mul3A_578, %add3A_555 : vector<16xf32>
      %add3A_580 = arith.addf %mul3A_572, %mul3A_579 : vector<16xf32>
      %add3A_581 = arith.addf %while3A_196, %add3A_580 : vector<16xf32>
      scf.yield %add3A_581 : vector<16xf32>
    }
    %mul3A_191 = arith.constant 3.906250e-03 : f32
    %mul3A_192 = vector.broadcast %mul3A_191 : f32 to vector<16xf32>
    %mul3A_193 = arith.mulf %while3A_190, %mul3A_192 : vector<16xf32>
    %swap3A = arith.constant 0 : index
    %swap3A_194 = tpu.vector_load %arg7[%swap3A] {strides = array<i32>} : memref<16xf32, #tpu.memory_space<vmem>>, vector<16xf32>,
    tpu.vector_store %arg7[%swap3A], %mul3A_193 {strides = array<i32>} : memref<16xf32, #tpu.memory_space<vmem>>, vector<16xf32>,
    "tpu.region"() ({
      %run_scoped3A = tpu.sem_alloc : memref<!tpu.dma_semaphore, #tpu.memory_space<semaphore_mem>>
      %dma_start3A_195 = arith.constant 0 : i32
      %dma_start3A_196 = tpu.memref_slice %arg4[%add3A, %dma_start3A_195] : memref<32x16xf32, #tpu.memory_space<hbm>> -> memref<1x16xf32, #tpu.memory_space<hbm>>
      %dma_start3A_197 = tpu.memref_squeeze %dma_start3A_196 : memref<1x16xf32, #tpu.memory_space<hbm>> -> memref<16xf32, #tpu.memory_space<hbm>>
      %dma_start3A_198 = arith.constant 0 : i32
      %dma_start3A_199 = tpu.memref_slice %arg4[%add3A, %dma_start3A_198] : memref<32x16xf32, #tpu.memory_space<hbm>> -> memref<1x16xf32, #tpu.memory_space<hbm>>
      %dma_start3A_200 = tpu.memref_squeeze %dma_start3A_199 : memref<1x16xf32, #tpu.memory_space<hbm>> -> memref<16xf32, #tpu.memory_space<hbm>>
      tpu.enqueue_dma source(%arg7 : memref<16xf32, #tpu.memory_space<vmem>>) target(%dma_start3A_200 : memref<16xf32, #tpu.memory_space<hbm>>) target_semaphore(%run_scoped3A : memref<!tpu.dma_semaphore, #tpu.memory_space<semaphore_mem>>)
      %dma_wait3A_201 = arith.constant 0 : i32
      %dma_wait3A_202 = tpu.memref_slice %arg4[%add3A, %dma_wait3A_201] : memref<32x16xf32, #tpu.memory_space<hbm>> -> memref<1x16xf32, #tpu.memory_space<hbm>>
      %dma_wait3A_203 = tpu.memref_squeeze %dma_wait3A_202 : memref<1x16xf32, #tpu.memory_space<hbm>> -> memref<16xf32, #tpu.memory_space<hbm>>
      %dma_wait3A_204 = arith.constant 0 : i32
      %dma_wait3A_205 = tpu.memref_slice %arg4[%add3A, %dma_wait3A_204] : memref<32x16xf32, #tpu.memory_space<hbm>> -> memref<1x16xf32, #tpu.memory_space<hbm>>
      %dma_wait3A_206 = tpu.memref_squeeze %dma_wait3A_205 : memref<1x16xf32, #tpu.memory_space<hbm>> -> memref<16xf32, #tpu.memory_space<hbm>>
      tpu.wait_dma2 semaphore(%run_scoped3A : memref<!tpu.dma_semaphore, #tpu.memory_space<semaphore_mem>>) src(%arg7 : memref<16xf32, #tpu.memory_space<vmem>>) dst(%dma_wait3A_206 : memref<16xf32, #tpu.memory_space<hbm>>)
      tpu.yield
    }) : () -> ()
    return
  }
}

module attributes {stable_mosaic.version = 14 : i64} {
  func.func @_cls_body(%arg0: i32, %arg1: memref<28x30x256xf32, #tpu.memory_space<vmem>>, %arg2: memref<28x30x256xf32, #tpu.memory_space<vmem>>, %arg3: memref<1x256xf32, #tpu.memory_space<vmem>>) attributes {dimension_semantics = [#tpu.dimension_semantics<arbitrary>], iteration_bounds = array<i64: 7>, scalar_prefetch = 0 : i64, scratch_operands = 0 : i64, tpu.core_type = #tpu.core_type<tc>, window_params = [{transform_indices = @transform_0, window_bounds = array<i64: 28, 30, 256>}, {transform_indices = @transform_1, window_bounds = array<i64: 28, 30, 256>}, {pipeline_mode = #tpu.pipeline_mode<synchronous>, transform_indices = @transform_2, window_bounds = array<i64: 1, 256>}]} {
    %get3A = arith.constant 0 : index
    %get3A_0 = arith.constant 4 : index
    %get3A_1 = arith.constant 0 : index
    %get3A_2 = vector.load %arg2[%get3A, %get3A_0, %get3A_1] : memref<28x30x256xf32, #tpu.memory_space<vmem>>, vector<28x1x256xf32>
    %get3A_3 = vector.shape_cast %get3A_2 : vector<28x1x256xf32> to vector<28x256xf32>
    %gt3A = arith.constant 0.000000e+00 : f32
    %gt3A_4 = vector.broadcast %gt3A : f32 to vector<28x256xf32>
    %gt3A_5 = arith.cmpf ogt, %get3A_3, %gt3A_4 : vector<28x256xf32>
    %convert_element_type3A = arith.extui %gt3A_5 : vector<28x256xi1> to vector<28x256xi32>
    %convert_element_type3A_6 = arith.sitofp %convert_element_type3A : vector<28x256xi32> to vector<28x256xf32>
    %get3A_7 = arith.constant 0 : index
    %get3A_8 = arith.constant 10 : index
    %get3A_9 = arith.constant 0 : index
    %get3A_10 = vector.load %arg1[%get3A_7, %get3A_8, %get3A_9] : memref<28x30x256xf32, #tpu.memory_space<vmem>>, vector<28x20x256xf32>
    %get3A_11 = arith.constant 0 : index
    %get3A_12 = arith.constant 10 : index
    %get3A_13 = arith.constant 0 : index
    %get3A_14 = vector.load %arg2[%get3A_11, %get3A_12, %get3A_13] : memref<28x30x256xf32, #tpu.memory_space<vmem>>, vector<28x20x256xf32>
    %sub3A = arith.subf %get3A_10, %get3A_14 : vector<28x20x256xf32>
    %mul3A = arith.mulf %sub3A, %sub3A : vector<28x20x256xf32>
    %reduce_sum3A = arith.constant dense<0.000000e+00> : vector<28x256xf32>
    %reduce_sum3A_15 = vector.multi_reduction <add>, %mul3A, %reduce_sum3A [1] : vector<28x20x256xf32> to vector<28x256xf32>
    %mul3A_16 = arith.mulf %reduce_sum3A_15, %convert_element_type3A_6 : vector<28x256xf32>
    %reduce_sum3A_17 = arith.constant dense<0.000000e+00> : vector<256xf32>
    %reduce_sum3A_18 = vector.multi_reduction <add>, %mul3A_16, %reduce_sum3A_17 [0] : vector<28x256xf32> to vector<256xf32>
    %broadcast_in_dim3A = vector.shape_cast %reduce_sum3A_18 : vector<256xf32> to vector<1x256xf32>
    %eq3A = arith.constant 0 : i32
    %eq3A_19 = arith.cmpi eq, %arg0, %eq3A : i32
    %convert_element_type3A_20 = arith.extui %eq3A_19 : i1 to i32
    %cond3A = arith.constant 0 : i32
    %cond3A_21 = arith.cmpi ne, %convert_element_type3A_20, %cond3A : i32
    scf.if %cond3A_21 {
      %swap3A = arith.constant 0 : index
      %swap3A_26 = arith.constant 0 : index
      %swap3A_27 = vector.load %arg3[%swap3A, %swap3A_26] : memref<1x256xf32, #tpu.memory_space<vmem>>, vector<1x256xf32>
      tpu.vector_store %arg3[%swap3A, %swap3A_26], %broadcast_in_dim3A {strides = array<i32>} : memref<1x256xf32, #tpu.memory_space<vmem>>, vector<1x256xf32>,
    } else {
    }
    %ne3A = arith.constant 0 : i32
    %ne3A_22 = arith.cmpi ne, %arg0, %ne3A : i32
    %convert_element_type3A_23 = arith.extui %ne3A_22 : i1 to i32
    %cond3A_24 = arith.constant 0 : i32
    %cond3A_25 = arith.cmpi ne, %convert_element_type3A_23, %cond3A_24 : i32
    scf.if %cond3A_25 {
      %get3A_26 = arith.constant 0 : index
      %get3A_27 = arith.constant 0 : index
      %get3A_28 = vector.load %arg3[%get3A_26, %get3A_27] : memref<1x256xf32, #tpu.memory_space<vmem>>, vector<1x256xf32>
      %add3A = arith.addf %get3A_28, %broadcast_in_dim3A : vector<1x256xf32>
      %swap3A = arith.constant 0 : index
      %swap3A_29 = arith.constant 0 : index
      %swap3A_30 = vector.load %arg3[%swap3A, %swap3A_29] : memref<1x256xf32, #tpu.memory_space<vmem>>, vector<1x256xf32>
      tpu.vector_store %arg3[%swap3A, %swap3A_29], %add3A {strides = array<i32>} : memref<1x256xf32, #tpu.memory_space<vmem>>, vector<1x256xf32>,
    } else {
    }
    return
  }
  func.func @transform_0(%arg0: i32) -> (i32, i32, i32) {
    %c0_i32 = arith.constant 0 : i32
    %c0_i32_0 = arith.constant 0 : i32
    %c0_i32_1 = arith.constant 0 : i32
    return %arg0, %c0_i32, %c0_i32_0 : i32, i32, i32
  }
  func.func @transform_1(%arg0: i32) -> (i32, i32, i32) {
    %c0_i32 = arith.constant 0 : i32
    %c0_i32_0 = arith.constant 0 : i32
    %c0_i32_1 = arith.constant 0 : i32
    return %arg0, %c0_i32, %c0_i32_0 : i32, i32, i32
  }
  func.func @transform_2(%arg0: i32) -> (i32, i32) {
    %c0_i32 = arith.constant 0 : i32
    %c0_i32_0 = arith.constant 0 : i32
    %c0_i32_1 = arith.constant 0 : i32
    return %c0_i32, %c0_i32_0 : i32, i32
  }
}

</mosaic_0001>

<sc_bundles>
// kernel: kernel.4.cloned.1.call-start
scs
__scs_entry_jumppad:
0x0: {  	(pc) =	sbr.rel $0x88, $3  }
0x1: {  	(tag) =	ssettag $0x0;
	lr =	simm.s32 $0x1  }
0x2: {  	[smem:$0x3F9F] =	sst lr;
	_ =	strace $0xD0000000  }
0x3: {  	_ = 	snop  }
0x4: {  	_ = 	snop  }
0x5: {  	_ = 	snop  }
0x6: {  	_ = 	snop  }
0x7: {  	_ = 	snop  }
__scs_overlays_trampoline_lowered:
0x8: {  	[smem:$0x3FAE] =	sst s0  }
0x9: {  	[smem:$0x3FAF] =	sst s1  }
0xa: {  	[smem:$0x3FB0] =	sst s2  }
0xb: {  	[smem:$0x3FB1] =	sst s3  }
0xc: {  	[smem:$0x3FB2] =	sst s4  }
0xd: {  	[smem:$0x3FB3] =	sst s5  }
0xe: {  	[smem:$0x3FB4] =	sst s6  }
0xf: {  	[smem:$0x3FB5] =	sst s7  }
0x10: {  	[smem:$0x3FB6] =	sst s8  }
0x11: {  	[smem:$0x3FB7] =	sst s9;
	s0 =	simm.s32 @!p0 $0x0  }
0x12: {  	s1 =	sld [smem:$0x3F9D];
	s0 =	simm.s32 @p0 $0x1  }
0x13: {  	[smem:$0x3FB8] =	sst s0;
	s0 =	simm.s32 @!p1 $0x0  }
0x14: {  	s2 =	sld [smem:$0x3F9C];
	s0 =	simm.s32 @p1 $0x1  }
0x15: {  	[smem:$0x3FB9] =	sst s0;
	s0 =	simm.s32 @!p2 $0x0  }
0x16: {  	s3 =	sld [smem:$0x3FDB];
	s0 =	simm.s32 @p2 $0x1  }
0x17: {  	s4 =	simm.s32 $0x1BF5;
	[smem:$0x3FBB] =	sst s0  }
0x18: {  	s0 =	sld [smem:$0x3F9E];
	_ =	swait.ge [sflag:s4], $0x0  }
0x19: {  	s7 =	sld [smem:$0x3F9F]  }
0x1a: {  	s8 =	sadd.s32 $0xFFFFE003, lr  }
0x1b: {  	s9 =	sadd.s32 $0xFFFFFEF7, lr;
	s5 =	simm.s32 $0xFFFFFFFF;
	p2 =	slt.u32 s8, $0xFFFFF086  }
0x1c: {  	p1 =	slt.u32 s9, $0xF7A;
	s5 =	simm.s32 @!p2 $0x0  }
0x1d: {  	s5 =	simm.s32 @p1 $0x1;
	p0 =	seq.s32 s7, s2  }
0x1e: {  	s7 =	smul.u32 @!p0 $0xF7A, s2;
	p2 =	seq.s32 @!p0 s5, $0x0  }
0x1f: {  	s9 =	smul.u32 $0xF7A, s1;
	s8 =	simm.s32 @!p0 $0x1BF5;
	p2 =	por !p2, p0  }
0x20: {  	[sflag:s8] =	ssyncset.s32 @!p0 $0xFFFFF086;
	s6 =	sadd.s32 @!p0 s3, s7;
	s7 =	simm.s32 @!p0 $0x108  }
0x21: {  	s3 =	sadd.s32 s3, s9;
	s6 =	sadd.s32 @!p0 $0x88, s6;
	s7 =	simm.s32 @p2 $0x1082  }
0x22: {  	[simem:s7], [sflag:s8] =	dma.local @!p0 [hbm:s6], $0xF7A  }
0x23: {  	s9 =	sor.u32 $0xD0000000, s2;
	s6 =	simm.s32 $0x108;
	_ =	swait.ge @!p0 [sflag:s8], $0x0  }
0x24: {  	s3 =	sadd.s32 $0x88, s3;
	s6 =	simm.s32 @!p1 $0x1082;
	[sflag:s4] =	ssyncset.s32 $0xFFFFF086  }
0x25: {  	[simem:s6], [sflag:s4] =	dma.local [hbm:s3], $0xF7A  }
0x26: {  	[smem:$0x3F9F] =	sst s1;
	(tag) =	ssettag s2;
	_ =	strace s9  }
0x27: {  	s1 =	sld [smem:$0x3FAF]  }
0x28: {  	s2 =	sld [smem:$0x3FB0]  }
0x29: {  	s4 =	sld [smem:$0x3FB2]  }
0x2a: {  	p0 =	seq.s32 s5, $0x0;
	s5 =	sld [smem:$0x3FB3]  }
0x2b: {  	s6 =	sld [smem:$0x3FB4]  }
0x2c: {  	s7 =	sld [smem:$0x3FB5]  }
0x2d: {  	s3 =	simm.s32 $0x108;
	s8 =	sld [smem:$0x3FB6]  }
0x2e: {  	s3 =	simm.s32 @!p0 $0x1082;
	s9 =	sld [smem:$0x3FB7]  }
0x2f: {  	lr =	sadd.s32 s0, s3;
	s0 =	sld [smem:$0x3FAE]  }
0x30: {  	s3 =	sld [smem:$0x3FB1]  }
0x31: {  	[smem:$0x3FBA] =	sst s10  }
0x32: {  	s10 =	sld [smem:$0x3FB8];
	_ =	sdelay $0x3  }
0x33: {  	p0 =	seq.s32 s10, $0x1;
	s10 =	sld [smem:$0x3FBA];
	_ =	sdelay $0x3  }
0x34: {  	[smem:$0x3FBA] =	sst s10  }
0x35: {  	s10 =	sld [smem:$0x3FB9];
	_ =	sdelay $0x3  }
0x36: {  	p1 =	seq.s32 s10, $0x1;
	s10 =	sld [smem:$0x3FBA];
	_ =	sdelay $0x3  }
0x37: {  	[smem:$0x3FBA] =	sst s10  }
0x38: {  	s10 =	sld [smem:$0x3FBB]  }
0x39: {  	_ = 	snop;
	(pc) =	sbr.ind lr, $3  }
0x3a: {  	_ = 	snop  }
0x3b: {  	_ = 	snop  }
0x3c: {  	p2 =	seq.s32 s10, $0x1;
	s10 =	sld [smem:$0x3FBA]  }
0x3d: {  	_ =	shalt  }
0x3e: {  	_ =	shalt  }
0x3f: {  	_ =	shalt  }
0x40: {  	_ =	shalt  }
0x41: {  	_ =	shalt  }
0x42: {  	_ =	shalt  }
0x43: {  	_ =	shalt  }
0x44: {  	_ =	shalt  }
0x45: {  	_ =	shalt  }
0x46: {  	_ =	shalt  }
0x47: {  	_ =	shalt  }
0x48: {  	_ =	shalt  }
0x49: {  	_ =	shalt  }
0x4a: {  	_ =	shalt  }
0x4b: {  	_ =	shalt  }
0x4c: {  	_ =	shalt  }
0x4d: {  	_ =	shalt  }
0x4e: {  	_ =	shalt  }
0x4f: {  	_ =	shalt  }
0x50: {  	_ =	shalt  }
0x51: {  	_ =	shalt  }
0x52: {  	_ =	shalt  }
0x53: {  	_ =	shalt  }
0x54: {  	_ =	shalt  }
0x55: {  	_ =	shalt  }
0x56: {  	_ =	shalt  }
0x57: {  	_ =	shalt  }
0x58: {  	_ =	shalt  }
0x59: {  	_ =	shalt  }
0x5a: {  	_ =	shalt  }
0x5b: {  	_ =	shalt  }
0x5c: {  	_ =	shalt  }
0x5d: {  	_ =	shalt  }
0x5e: {  	_ =	shalt  }
0x5f: {  	_ =	shalt  }
0x60: {  	_ =	shalt  }
0x61: {  	_ =	shalt  }
0x62: {  	_ =	shalt  }
0x63: {  	_ =	shalt  }
0x64: {  	_ =	shalt  }
0x65: {  	_ =	shalt  }
0x66: {  	_ =	shalt  }
0x67: {  	_ =	shalt  }
0x68: {  	_ =	shalt  }
0x69: {  	_ =	shalt  }
0x6a: {  	_ =	shalt  }
0x6b: {  	_ =	shalt  }
0x6c: {  	_ =	shalt  }
0x6d: {  	_ =	shalt  }
0x6e: {  	_ =	shalt  }
0x6f: {  	_ =	shalt  }
0x70: {  	_ =	shalt  }
0x71: {  	_ =	shalt  }
0x72: {  	_ =	shalt  }
0x73: {  	_ =	shalt  }
0x74: {  	_ =	shalt  }
0x75: {  	_ =	shalt  }
0x76: {  	_ =	shalt  }
0x77: {  	_ =	shalt  }
0x78: {  	_ =	shalt  }
0x79: {  	_ =	shalt  }
0x7a: {  	_ =	shalt  }
0x7b: {  	_ =	shalt  }
0x7c: {  	_ =	shalt  }
0x7d: {  	_ =	shalt  }
0x7e: {  	_ =	shalt  }
0x7f: {  	_ =	shalt  }
0x80: {  	_ =	shalt  }
0x81: {  	_ =	shalt  }
0x82: {  	_ =	shalt  }
0x83: {  	_ =	shalt  }
0x84: {  	_ =	shalt  }
0x85: {  	_ =	shalt  }
0x86: {  	_ =	shalt  }
0x87: {  	_ =	shalt  }
.Lfunc_end0:
.L_simem_size_0:
called_computation_lowered:
.L_overlay_start_0:
0x88: {  	s2 =	sld [smem:$0x3FD9]  }
0x89: {  	s3 =	sld [smem:$0x3FFE];
	_ =	sdelay $0x1  }
0x8a: {  	s1 =	srdreg.scid  }
0x8b: {  	s0 =	sand.u32 $0x1, s1  }
0x8c: {  	s17 =	sshll.u32 s0, $0xA;
	s2 =	sadd.s32 s3, s2  }
0x8d: {  	s2 =	sadd.s32 s2, s17  }
0x8e: {  	[smem:$0x3FC6] =	sst s2  }
0x8f: {  	_ = 	snop  }
0x90: {  	s2 =	sld [smem:$0x3FC9]  }
0x91: {  	s18 =	sld [smem:$0x3FC8];
	(tm) =	ssettm $0x1  }
0x92: {  	s4 =	sld [smem:$0x3FFB];
	_ =	sdelay $0x3  }
0x93: {  	_ =	strace s4  }
0x94: {  	s4 =	sld [smem:$0x3FFC];
	_ =	sdelay $0x3  }
0x95: {  	_ =	strace s4  }
0x96: {  	s4 =	sld [smem:$0x3FFD];
	_ =	sdelay $0x3  }
0x97: {  	_ =	strace s4  }
0x98: {  	_ =	strace $0x8FFFFFFF  }
0x99: {  	s19 =	sld [smem:$0x3FDB];
	_ =	sdelay $0x1  }
0x9a: {  	s5 =	simm.s32 $_scs_section_size  }
0x9b: {  	s6 =	simm.s32 $_size__tile_overlayer_lowered;
	s7 =	simm.s32 $_tile_overlayer_lowered  }
0x9c: {  	s22 =	simm.s32 $0x1BFF;
	s21 =	sshll.u32 s7, $0x1;
	s4 =	sadd.s32 s5, s19  }
0x9d: {  	s8 =	simm.s32 $0x0;
	s20 =	sshll.u32 s6, $0x1;
	s6 =	sadd.s32 s21, s4  }
0x9e: {  	[timem:s8], [sflag:s22] =	dma.local [hbm:s6], s20  }
0x9f: {  	_ =	swait.ge [sflag:s22], s20  }
0xa0: {  	s5 =	ssub.s32 $0x0, s20;
	[sflag:s22] =	ssyncset.done $0x0  }
0xa1: {  	[sflag:s22] =	ssyncadd.s32 s5;
	_ =	sdelay $0x1  }
0xa2: {  	s23 =	simm.s32 $0x1B8B  }
0xa3: {  	_ =	swait.ge [sflag:s23], $0x1  }
0xa4: {  	[sflag:s23] =	ssyncset.done $0x0  }
0xa5: {  	s25 =	simm.s32 $0x1B8E;
	s24 =	sld [smem:$0x3FFE];
	[sflag:s23] =	ssyncadd.s32 $0xFFFFFFFF  }
0xa6: {  	s26 =	simm.s32 $execute0_lowered;
	[smem:$0x3FD2] =	sst s25  }
0xa7: {  	s6 =	sshll.u32 s26, $0x1;
	_ =	strace $0x80000046;
	[dreg:$0x1] =	wrdreg $0xFFFFFFFF  }
0xa8: {  	s28 =	simm.s32 $_size_execute0_lowered;
	s4 =	sadd.s32 s4, s6;
	[dreg:$0x0] =	wrdreg $0x0  }
0xa9: {  	s6 =	sshll.u32 s28, $0x1;
	[dreg:$0x2] =	wrdreg s4  }
0xaa: {  	[dreg:$0x3] =	wrdreg s6  }
0xab: {  	[dreg:$0x4] =	wrdreg $0xC0  }
0xac: {  	_ =	task [dreg:s8], $0x5FFFF  }
0xad: {  	[dreg:$0x1] =	wrdreg $0xFFFFFFFF  }
0xae: {  	[dreg:$0x0] =	wrdreg $0x60  }
0xaf: {  	[dreg:$0x2] =	wrdreg s2  }
0xb0: {  	[dreg:$0x3] =	wrdreg s18  }
0xb1: {  	[dreg:$0x4] =	wrdreg s24  }
0xb2: {  	[dreg:$0x5] =	wrdreg $0x9  }
0xb3: {  	_ =	task.clear_ibuf [dreg:s8], $0x6FFFF;
	_ =	strace $0x90000046  }
0xb4: {  	s29 =	simm.s32 $0x9;
	_ =	strace $0x80000048  }
0xb5: {  	_ =	swait.ge [sflag:s29], $0x1  }
0xb6: {  	[sflag:s29] =	ssyncadd.s32 $0xFFFFFFFF  }
0xb7: {  	_ =	strace $0x90000048  }
0xb8: {  	_ =	sfence  }
0xb9: {  	s30 =	sld [smem:$0x0];
	_ =	sdelay $0x2  }
0xba: {  	s31 =	sshll.u32 s1, $0xD;
	s1 =	sshrl.u32 s1, $0x2  }
0xbb: {  	s3 =	sand.u32 $0x4000, s31;
	s1 =	sadd.s32 s1, s30  }
0xbc: {  	s0 =	sor.u32 s3, s0;
	s1 =	sshll.u32 s1, $0x11  }
0xbd: {  	s0 =	sor.u32 s1, s0  }
0xbe: {  	s0 =	sadd.s32 $0x8F2B, s0  }
0xbf: {  	[sflag:s0] =	ssyncadd.remote.s32 $0x1  }
0xc0: {  	_ =	sfence.sel $0xFFFF  }
0xc1: {  	[dreg:$0x0] =	wrdreg $0xFFFFFFFF;
	(pc) =	sbr.abs _section_cstart, $3  }
0xc2: {  	[dreg:$0x1] =	wrdreg $0xFFFFFFFF  }
0xc3: {  	_ =	task.clear_ibuf [dreg:s8], $0x2FFFF;
	_ =	strace $0x9FFFFFFF  }
0xc4: {  	(tm) =	ssettm $0x7FFFFFFF  }
0xc5: {  	_ =	shalt  }
tec
execute0_lowered:
.L_overlay_start_1:
0x0: {  	(tag) =	ssettag $0x1  }
0x1: {  	s5 =	rddreg [dreg:$0x0]  }
0x2: {  	s6 =	rddreg [dreg:$0x1];
	s1 =	srdreg.scid  }
0x3: {  	s0 =	stileid.u32;
	s8 =	rddreg [dreg:$0x2];
	s2 =	simm.s32 $0x0  }
0x4: {  	s13 =	simm.s32 $0x3000;
	s14 =	simm.s32 $0xA000;
	s15 =	simm.s32 $0x1  }
0x5: {  	s17 =	simm.s32 $0xE000;
	s18 =	simm.s32 $0x3;
	s19 =	simm.s32 $0x0  }
0x6: {  	s3 =	sand.u32 $0x1, s1;
	s4 =	sshll.u32 s0, $0x1;
	s1 =	rddreg [dreg:$0x3]  }
0x7: {  	[smem:$0x7FF] =	sst s2;
	s7 =	sor.u32 s3, s4;
	s3 =	ssub.s32 $0x2, s3  }
0x8: {  	s4 =	smul.u32 $0xC4, s7;
	s9 =	sshrl.u32 s3, $0x1;
	s31 =	sshll.u32 s7, $0x4  }
0x9: {  	_ =	strace $0x80000047;
	s9 =	ssub.s32 s3, s9;
	s8 =	sadd.s32 s8, s31  }
0xa: {  	s10 =	sshrl.u32 s4, $0x5;
	s4 =	sadd.s32 $0xC4, s4;
	s9 =	smax.u32 s9, $0x1  }
.Ltmp0:
0xb: {  	s11 =	sshrl.u32 s4, $0x5;
	s12 =	sshll.u32 s10, $0xA;
	(pc) =	sbr.rel .LBB2_1-.Ltmp0, $4  }
0xc: {  	s3 =	sadd.s32 s5, s12;
	s4 =	sadd.s32 s6, s12;
	s12 =	sadd.s32 $0xC00, s12  }
0xd: {  	s16 =	ssub.s32 s11, s10;
	s10 =	simm.s32 $0x1000;
	s11 =	simm.s32 $0x2000  }
0xe: {  	s5 =	sadd.s32 s5, s12;
	s6 =	sadd.s32 s6, s12;
	s7 =	sshll.u32 s16, $0x4  }
0xf: {  	v50 =	vimm.f32 $0.0e+00;
	s12 =	simm.s32 $0x7000;
	p0 =	slt.s32 s16, $0x4;
	s16 =	simm.s32 $0x2  }
.LBB2_5:
0x10: {  	[tilespmem:$0x1FFB0] =	vst v60  }
0x11: {  	[tilespmem:$0x1FFC0] =	vst v61  }
0x12: {  	[tilespmem:$0x1FFD0] =	vst v59  }
0x13: {  	v7 =	vmovc v3;
	v12 =	vmov v10;
	v54 =	vmov v10;
	[tilespmem:$0x1FFE0] =	vst v37;
	v28 =	vmov v0  }
.LBB2_12:
0x14: {  	v2 =	vmul.f32 @p2 v48, v48  }
0x15: {  	v0 =	vpop @p1 (erf);
	(erf) = vrcp.f32 v14;
	v39 =	vmul.f32 v54, v12  }
0x16: {  	v16 =	vadd.f32 @p2 v55, v55;
	vm1 =	vmmov @p1 vm1;
	v0 =	vmul.f32 @p1 v0, v61  }
0x17: {  	v25 =	vmul.f32 @p2 $5.000000000e-01, v53;
	v27 =	vsub.f32 @p2 v50, v52;
	vm0 =	vmmov vm0  }
0x18: {  	v2 =	vadd.f32 @p2 v49, v2;
	v16 =	vsub.f32 @p2 v30, v16;
	vm2 =	vgt.f32 @p1 v0, v44  }
0x19: {  	v3 =	vsel @p1 vm2, v33, v35;
	v13 =	vsel @p1 vm2, v57, v32;
	v14 =	vsel @p1 vm2, v62, v63  }
0x1a: {  	v1 =	vsel @p1 vm2, v56, v1;
	v2 =	vadd.f32 @p2 v16, v2;
	v15 =	vmul.f32 @p1 v13, v3  }
0x1b: {  	v29 =	vmul.f32 @p2 v51, v51;
	v20 =	vsel @p1 vm2, v20, v37;
	v17 =	vmul.f32 @p1 v1, v14  }
0x1c: {  	v2 =	vadd.f32 @p2 v2, v27;
	v18 =	vshrl.u32 @p1 v15, $0x1;
	v19 =	vmul.f32 @p1 $5.000000000e-01, v15  }
0x1d: {  	v21 =	vshrl.u32 @p1 v17, $0x1;
	v23 =	vmul.f32 @p1 $5.000000000e-01, v17;
	v18 =	vsub.s32 @p1 $0x5F3759DF, v18  }
0x1e: {  	v35 =	vld [tilespmem:s20+$0x7380];
	v49 =	vpop (erf);
	v21 =	vsub.s32 @p1 $0x5F3759DF, v21;
	v2 =	vmul.f32 @p2 $5.000000000e+00, v2;
	v24 =	vmul.f32 @p1 v18, v19  }
0x1f: {  	v31 =	vld [tilespmem:s20+$0x7800];
	v8 =	vmul.f32 v49, v8;
	v1 =	vadd.f32 @p1 v1, v14;
	v26 =	vmul.f32 @p1 v21, v23;
	v50 =	vpop (erf)  }
0x20: {  	v27 =	vmul.f32 v50, v45;
	v2 =	vadd.f32 @p2 v2, v29;
	v16 =	vmul.f32 @p1 v18, v24  }
0x21: {  	v3 =	vadd.f32 @p1 v13, v3;
	v50 =	vimm.f32 $0.0e+00;
	v26 =	vmul.f32 @p1 v21, v26  }
0x22: {  	vm15 =	vgt.f32 v27, v8;
	v2 =	vadd.f32 @p2 v2, v25;
	v16 =	vsub.f32 @p1 $1.500000000e+00, v16  }
0x23: {  	v26 =	vsub.f32 @p1 $1.500000000e+00, v26;
	v4 =	vsel vm15, v34, v4;
	v9 =	vsel vm15, v35, v42  }
0x24: {  	v5 =	vsel vm15, v36, v6;
	v6 =	vsel vm15, v31, v7;
	v7 =	vmul.f32 v9, v4  }
0x25: {  	v14 =	vsel @p1 vm1, $0x3F800000, v50;
	v30 =	vmul.f32 v6, v5;
	v2 =	vmul.f32 @p2 v2, v22  }
0x26: {  	v24 =	vsel @p1 vm2, v59, v60;
	v16 =	vmul.f32 @p1 v18, v16;
	v18 =	vmul.f32 @p1 v21, v26  }
0x27: {  	v51 =	vshrl.u32 v7, $0x1;
	v52 =	vmul.f32 $5.000000000e-01, v7;
	v53 =	vshrl.u32 v30, $0x1  }
0x28: {  	v54 =	vmul.f32 $5.000000000e-01, v30;
	v21 =	vmul.f32 @p1 v16, v19;
	v31 =	vsub.s32 $0x5F3759DF, v51  }
0x29: {  	v26 =	vmul.f32 @p1 v18, v23;
	v33 =	vsub.s32 $0x5F3759DF, v53;
	v55 =	vmul.f32 v31, v52  }
0x2a: {  	v20 =	vsub.f32 @p1 v24, v20;
	v56 =	vmul.f32 v33, v54;
	v21 =	vmul.f32 @p1 v21, v16  }
0x2b: {  	v25 =	vld @p1 [tilespmem:s22+$0x7300];
	v36 =	vsub.f32 @p1 $1.000000000e+00, v14;
	v26 =	vmul.f32 @p1 v26, v18;
	v35 =	vmul.f32 v31, v55  }
0x2c: {  	v22 =	vld [tilespmem:$0x1FF80];
	v4 =	vadd.f32 v9, v4;
	v57 =	vmul.f32 v33, v56;
	v21 =	vsub.f32 @p1 $1.500000000e+00, v21  }
0x2d: {  	v0 =	vmax.f32 @p1 v44, v0;
	v26 =	vsub.f32 @p1 $1.500000000e+00, v26;
	v59 =	vsub.f32 $1.500000000e+00, v35  }
0x2e: {  	v44 =	vld [tilespmem:$0x1FFE0];
	v29 =	vmul.f32 @p1 $5.000000000e-01, v36;
	v16 =	vmul.f32 @p1 v21, v16;
	v21 =	vsub.f32 $1.500000000e+00, v57  }
0x2f: {  	v42 =	vld [tilespmem:$0x1FFC0];
	v5 =	vadd.f32 v6, v5;
	v18 =	vmul.f32 @p1 v26, v18;
	v26 =	vmul.f32 v31, v59  }
0x30: {  	v25 =	vsel @p1 vm2, v25, v41;
	v19 =	vmul.f32 @p1 v16, v19;
	v21 =	vmul.f32 v33, v21  }
0x31: {  	v35 =	vsel @p1 vm2, v22, v40;
	v23 =	vmul.f32 @p1 v18, v23;
	v60 =	vmul.f32 v26, v52  }
0x32: {  	v25 =	vsub.f32 @p1 v35, v25;
	v35 =	vld [tilespmem:s20+$0x7300];
	v19 =	vmul.f32 @p1 v19, v16;
	v61 =	vmul.f32 v21, v54  }
0x33: {  	v2 =	vadd.f32 @p2 v2, v10;
	v10 =	vld [tilespmem:$0x1FFA0];
	v22 =	vmul.f32 @p1 v23, v18;
	v23 =	vmul.f32 v60, v26  }
0x34: {  	v45 =	vsel vm15, v42, v44;
	v19 =	vsub.f32 @p1 $1.500000000e+00, v19;
	v62 =	vmul.f32 v61, v21  }
0x35: {  	v57 =	vmax.f32 v8, v27;
	v22 =	vsub.f32 @p1 $1.500000000e+00, v22;
	v63 =	vsub.f32 $1.500000000e+00, v23  }
0x36: {  	v24 =	vmul.f32 @p1 v25, v25;
	v16 =	vmul.f32 @p1 v19, v16;
	v25 =	vsub.f32 $1.500000000e+00, v62  }
0x37: {  	v51 =	vsel vm15, v35, v38;
	v18 =	vmul.f32 @p1 v22, v18;
	v31 =	vmul.f32 v63, v26  }
0x38: {  	v48 =	vld [tilespmem:$0x1FFD0];
	v13 =	vmul.f32 @p1 v16, v15;
	v16 =	vsel @p1 vm2, v11, v10;
	v15 =	vmul.f32 v25, v21  }
0x39: {  	v33 =	vld [tilespmem:s20+$0x7280];
	v17 =	vmul.f32 @p1 v18, v17;
	v0 =	vsub.f32 @p1 v16, v0;
	v32 =	vmul.f32 v31, v52  }
0x3a: {  	v41 =	vld [tilespmem:$0x1FFB0];
	v52 =	vsub.f32 v45, v51;
	v13 =	vadd.f32 @p1 v13, v13;
	v34 =	vmul.f32 v15, v54  }
0x3b: {  	v16 =	vpsel p1, v20, v0;
	v17 =	vpsel p1, v17, v0;
	v19 =	vmul.f32 v32, v31  }
0x3c: {  	v21 =	vpsel p1, v24, v0;
	v16 =	vmul.f32 @p1 v16, v16;
	v17 =	vadd.f32 @p1 v17, v17  }
0x3d: {  	v1 =	vpsel p1, v1, v0;
	v36 =	vmul.f32 v34, v15;
	v37 =	vsub.f32 $1.500000000e+00, v19  }
0x3e: {  	v49 =	vsel vm15, v33, v48;
	v16 =	vadd.f32 @p1 v21, v16;
	v1 =	vsub.f32 @p1 v1, v17  }
0x3f: {  	v40 =	vsub.f32 $1.500000000e+00, v36;
	v21 =	vsel vm15, v58, v41;
	v17 =	vmul.f32 v37, v31  }
0x40: {  	v3 =	vpsel p1, v3, v0;
	v13 =	vpsel p1, v13, v0;
	v18 =	vsub.f32 v21, v49  }
0x41: {  	v3 =	vsub.f32 @p1 v3, v13;
	v13 =	vmul.f32 v40, v15;
	v7 =	vmul.f32 v17, v7  }
0x42: {  	v54 =	vmul.f32 v52, v52;
	v1 =	vadd.f32 @p1 v1, v16;
	v55 =	vmul.f32 v18, v18  }
0x43: {  	v19 =	vsel @p1 vm2, v10, v11;
	v53 =	vmul.f32 v13, v30;
	v7 =	vadd.f32 v7, v7  }
0x44: {  	v16 =	vmul.f32 @p1 v19, v19;
	v1 =	vadd.f32 @p1 v1, v3;
	v13 =	vadd.f32 v54, v55  }
0x45: {  	v58 =	vsel vm15, v12, v46;
	v56 =	vadd.f32 v53, v53;
	v4 =	vsub.f32 v4, v7  }
0x46: {  	v1 =	vmul.f32 @p1 $5.000000000e+00, v1;
	v7 =	vpsel p1, v16, v0;
	v0 =	vpsel p1, v0, v0  }
0x47: {  	v0 =	vmul.f32 @p1 v0, v0;
	v3 =	vsub.f32 v5, v56;
	v4 =	vadd.f32 v4, v13  }
0x48: {  	vm0 =	vmmov vm0;
	v59 =	vsel vm15, v46, v12;
	v5 =	vsub.f32 v58, v57  }
0x49: {  	v0 =	vadd.f32 @p1 v1, v0;
	v3 =	vadd.f32 v4, v3;
	v4 =	vmul.f32 @p1 $5.000000000e-01, v7  }
0x4a: {  	v6 =	vmovc @p1 v14;
	v60 =	vsel vm0, $0x3F800000, v50;
	v1 =	vmul.f32 v59, v59;
	v5 =	vmul.f32 v5, v5  }
0x4b: {  	v6 =	vpsel p1, v6, v0;
	v3 =	vmul.f32 $5.000000000e+00, v3;
	v0 =	vadd.f32 @p1 v0, v4  }
0x4c: {  	v43 =	vmul.f32 v46, v46;
	v9 =	vmul.f32 @p1 v29, v47;
	v61 =	vsub.f32 $1.000000000e+00, v60;
	v63 =	vld [tilespmem:$0x1FFF0]  }
0x4d: {  	v1 =	vmul.f32 $5.000000000e-01, v1;
	v3 =	vadd.f32 v3, v5;
	v0 =	vmul.f32 @p1 v0, v6  }
0x4e: {  	v2 =	vadd.f32 @p2 v2, v28;
	v8 =	vmov @p1 v9;
	v62 =	vadd.f32 v39, v43  }
0x4f: {  	v4 =	vmul.f32 $5.000000000e-01, v61;
	v6 =	vpsel p1, v8, v0;
	v1 =	vadd.f32 v3, v1  }
0x50: {  	v0 =	vadd.f32 @p1 v0, v6  }
0x51: {  	v2 =	vpsel p2, v2, v63;
	v3 =	vmul.f32 v4, v62;
	v1 =	vmul.f32 v1, v60  }
0x52: {  	v0 =	vadd.f32 @p1 v0, v2  }
0x53: {  	v1 =	vadd.f32 v1, v3  }
0x54: {  	v0 =	vpsel p1, v0, v63  }
0x55: {  	v0 =	vadd.f32 v1, v0  }
.LBB2_13:
0x56: {  	_ = 	snop  }
0x57: {  	s19 =	sadd.s32 $0x1, s19;
	v0 =	vmul.f32 $3.906250000e-03, v0  }
0x58: {  	p1 =	sne.s32 s19, s9  }
.Ltmp1:
0x59: {  	[tilespmem:$0xE000] =	vst v0;
	(pc) =	sbr.rel @!p1 .LBB2_14-.Ltmp1, $4  }
0x5a: {  	[hbm4b:s8+s2] =	stream.linear.scatter [tilespmem:s17], [sflag:$0x3], $0x80, $0x38;
	[tilespmem:$0xE080] =	vst v63  }
0x5b: {  	_ =	swait.ge [sflag:s18], $0x80  }
0x5c: {  	[sflag:s18] =	ssyncset.done $0x0  }
0x5d: {  	[sflag:s18] =	ssyncadd.s32 $0xFFFFFF80  }
.LBB2_1:
0x5e: {  	[tilespmem:s2], [sflag:$0x1] =	stream.strided.gather [hbm4b:s3+s10], $0x3000, s11, s10, $0x38;
	[tilespmem:$0xE080] =	vst v63  }
0x5f: {  	_ = 	snop  }
0x60: {  	[tilespmem:s12], [sflag:$0x1] =	stream.strided.gather [hbm4b:s4+s10], $0x3000, s11, s10, $0x38;
	[tilespmem:$0xE080] =	vst v63  }
0x61: {  	_ = 	snop  }
0x62: {  	[tilespmem:s13], [sflag:$0x2] =	stream.strided.gather [hbm4b:s5+s10], $0x4000, s11, s10, $0x38;
	[tilespmem:$0xE080] =	vst v63  }
0x63: {  	_ = 	snop  }
0x64: {  	[tilespmem:s14], [sflag:$0x2] =	stream.strided.gather [hbm4b:s6+s10], $0x4000, s11, s10, $0x38;
	[tilespmem:$0xE080] =	vst v63  }
0x65: {  	_ =	swait.ge [sflag:s15], $0x3000  }
0x66: {  	[sflag:s15] =	ssyncset.done $0x0  }
0x67: {  	s20 =	simm.s32 $0x0;
	s21 =	simm.s32 $0x0;
	[sflag:s15] =	ssyncadd.s32 $0xFFFFD000  }
0x68: {  	s22 =	sand.u32 $0xFFFFF000, s2;
	s20 =	sand.u32 $0x400, s20;
	_ =	swait.ge [sflag:s15], $0x3000  }
0x69: {  	s23 =	sand.u32 $0x70, s21;
	s22 =	sor.u32 s20, s22;
	[sflag:s15] =	ssyncset.done $0x0  }
0x6a: {  	s20 =	sor.u32 s23, s22;
	[sflag:s15] =	ssyncadd.s32 $0xFFFFD000  }
0x6b: {  	v1 =	vld [tilespmem:s20+$0x7000]  }
0x6c: {  	v5 =	vld [tilespmem:s20+$0x7100]  }
0x6d: {  	v2 =	vld [tilespmem:s20+$0x0]  }
0x6e: {  	s21 =	sand.u32 $0xF0, s21;
	v20 =	vld [tilespmem:s20+$0x100]  }
0x6f: {  	s21 =	sor.u32 s21, s22;
	v3 =	vld [tilespmem:s20+$0x300]  }
0x70: {  	s22 =	sor.u32 $0x180, s21;
	v23 =	vld [tilespmem:s20+$0x800]  }
0x71: {  	v24 =	vld [tilespmem:s22+$0x7000]  }
0x72: {  	s28 =	sor.u32 $0x80, s21;
	v25 =	vld [tilespmem:s22+$0x0]  }
0x73: {  	v4 =	vld [tilespmem:s28+$0x7000]  }
0x74: {  	v6 =	vld [tilespmem:s28+$0x0];
	v8 =	vmul.f32 $7.142857460e-02, v1;
	v9 =	vmul.f32 $5.000000000e-01, v5  }
0x75: {  	s22 =	sor.u32 $0x280, s21;
	v10 =	vmul.f32 $7.142857460e-02, v2;
	v11 =	vmul.f32 $5.000000000e-01, v20  }
0x76: {  	s29 =	sor.u32 $0x380, s21;
	v7 =	vld [tilespmem:s22+$0x0];
	v12 =	vmul.f32 $7.142857460e-02, v3;
	v13 =	vmul.f32 v24, v5  }
0x77: {  	v21 =	vld [tilespmem:s29+$0x0];
	v14 =	vmul.f32 $5.000000000e-01, v23;
	v15 =	vmul.f32 v25, v20  }
0x78: {  	v16 =	vmul.f32 $7.142857460e-02, v4;
	v17 =	vmul.f32 $5.000000000e-01, v24  }
0x79: {  	v18 =	vmul.f32 $7.142857460e-02, v6;
	v19 =	vsub.f32 v8, v9;
	v8 =	vadd.f32 v9, v8  }
0x7a: {  	v22 =	vmul.f32 $5.000000000e-01, v25;
	v9 =	vsub.f32 v10, v11;
	v10 =	vadd.f32 v11, v10  }
0x7b: {  	v11 =	vmul.f32 $7.142857460e-02, v7;
	v26 =	vsub.f32 v12, v14;
	v12 =	vadd.f32 v14, v12  }
0x7c: {  	v14 =	vsub.f32 v16, v17;
	v16 =	vadd.f32 v17, v16;
	v17 =	vmul.f32 $5.000000000e-01, v21  }
0x7d: {  	v27 =	vsub.f32 v18, v22;
	v18 =	vadd.f32 v22, v18;
	v9 =	vmax.f32 v9, v19  }
0x7e: {  	v22 =	vsub.f32 v11, v17;
	v11 =	vadd.f32 v17, v11;
	v10 =	vmin.f32 v10, v8  }
0x7f: {  	v17 =	vmax.f32 v27, v14;
	v18 =	vmin.f32 v18, v16;
	v9 =	vsub.f32 v10, v9  }
0x80: {  	v14 =	vmax.f32 v26, v14;
	v8 =	vmin.f32 v11, v8;
	v11 =	vsub.f32 v18, v17  }
0x81: {  	v12 =	vmin.f32 v12, v16;
	v10 =	vmax.f32 v22, v19;
	v9 =	vmax.f32 v9, $0.0e+00  }
0x82: {  	v8 =	vsub.f32 v8, v10;
	v10 =	vsub.f32 v12, v14;
	v11 =	vmax.f32 v11, $0.0e+00  }
0x83: {  	v12 =	vmul.f32 v23, v21;
	v11 =	vmul.f32 v11, v9  }
0x84: {  	v9 =	vadd.f32 v13, v15;
	v8 =	vmax.f32 v8, $0.0e+00;
	v10 =	vmax.f32 v10, $0.0e+00  }
0x85: {  	v18 =	vmul.f32 v10, v8;
	v8 =	vadd.f32 v13, v12  }
0x86: {  	s30 =	simm.s32 $0x100;
	s24 =	simm.s32 $0x80;
	v9 =	vsub.f32 v9, v11  }
0x87: {  	s25 =	simm.s32 $0x10;
	s24 =	sand.u32 $0x400, s24;
	s21 =	sand.u32 $0xFFFFF000, s30;
	v8 =	vsub.f32 v8, v18  }
0x88: {  	s26 =	sand.u32 $0x70, s25;
	s25 =	sand.u32 $0xF0, s25;
	s24 =	sor.u32 s24, s21;
	(erf) = vrcp.f32 v9  }
0x89: {  	s21 =	sor.u32 s26, s24;
	s24 =	sor.u32 s25, s24;
	(erf) = vrcp.f32 v8  }
0x8a: {  	s25 =	sor.u32 $0x180, s24  }
0x8b: {  	v16 =	vld [tilespmem:s25+$0x7000]  }
0x8c: {  	v26 =	vld [tilespmem:s20+$0x7800]  }
0x8d: {  	v17 =	vld [tilespmem:s25+$0x0]  }
0x8e: {  	v15 =	vld [tilespmem:s21+$0x100]  }
0x8f: {  	v13 =	vld [tilespmem:s21+$0x7100]  }
0x90: {  	v10 =	vld [tilespmem:s21+$0x300]  }
0x91: {  	v22 =	vld [tilespmem:s29+$0x7000];
	v12 =	vpop (erf)  }
0x92: {  	v43 =	vmul.f32 $5.000000000e-01, v16;
	v46 =	vmul.f32 $5.000000000e-01, v17;
	v9 =	vld [tilespmem:s21+$0x0];
	v19 =	vpop (erf)  }
0x93: {  	v8 =	vld [tilespmem:s21+$0x7000];
	v11 =	vmul.f32 v12, v11;
	v12 =	vmul.f32 v19, v18  }
0x94: {  	v40 =	vmul.f32 $5.000000000e-01, v15;
	v31 =	vmul.f32 v17, v15  }
0x95: {  	v38 =	vmul.f32 $5.000000000e-01, v13;
	v48 =	vmul.f32 $7.142857460e-02, v10;
	vm0 =	vgt.f32 v12, v11  }
0x96: {  	v28 =	vmul.f32 v16, v13;
	v21 =	vsel vm0, v21, v20;
	v22 =	vsel vm0, v22, v5  }
0x97: {  	s23 =	sor.u32 $0x380, s24;
	v14 =	vld [tilespmem:s21+$0x800];
	v39 =	vmul.f32 $7.142857460e-02, v9;
	v27 =	vmul.f32 v22, v21  }
0x98: {  	s31 =	sor.u32 $0x80, s24;
	v36 =	vmul.f32 $7.142857460e-02, v8;
	v19 =	vld [tilespmem:s23+$0x0];
	v23 =	vsel vm0, v23, v25;
	v24 =	vsel vm0, v26, v24  }
0x99: {  	v18 =	vld [tilespmem:s31+$0x7000];
	v25 =	vmul.f32 v24, v23;
	v26 =	vshrl.u32 v27, $0x1;
	v29 =	vmul.f32 $5.000000000e-01, v27  }
0x9a: {  	s26 =	sor.u32 $0x280, s24;
	v44 =	vsub.f32 v39, v40;
	v45 =	vadd.f32 v40, v39;
	v20 =	vld [tilespmem:s31+$0x0];
	v33 =	vsub.s32 $0x5F3759DF, v26  }
0x9b: {  	v34 =	vshrl.u32 v25, $0x1;
	v30 =	vmul.f32 $5.000000000e-01, v25;
	v26 =	vld [tilespmem:s26+$0x0];
	v42 =	vmul.f32 v33, v29  }
0x9c: {  	v35 =	vsub.f32 v36, v38;
	v5 =	vmul.f32 $5.000000000e-01, v14;
	v34 =	vsub.s32 $0x5F3759DF, v34  }
0x9d: {  	v36 =	vadd.f32 v38, v36;
	v47 =	vmul.f32 v34, v30;
	v42 =	vmul.f32 v33, v42  }
0x9e: {  	v32 =	vmul.f32 v14, v19;
	v37 =	vmul.f32 $7.142857460e-02, v18;
	v38 =	vsub.f32 v48, v5  }
0x9f: {  	v39 =	vadd.f32 v5, v48;
	v40 =	vmul.f32 v34, v47;
	v42 =	vsub.f32 $1.500000000e+00, v42  }
0xa0: {  	s24 =	simm.s32 $0x1;
	s25 =	simm.s32 $0x200;
	v5 =	vimm.f32 $0.0e+00;
	v41 =	vmul.f32 $7.142857460e-02, v20;
	v47 =	vmul.f32 $7.142857460e-02, v26  }
.LBB2_2:
0xa1: {  	p1 =	sne.s32 s25, $0x2F00;
	v48 =	vsub.f32 v37, v43;
	v33 =	vmul.f32 v33, v42;
	v40 =	vsub.f32 $1.500000000e+00, v40  }
0xa2: {  	v37 =	vadd.f32 v43, v37;
	v42 =	vsub.f32 v41, v46;
	v43 =	vmul.f32 $5.000000000e-01, v19  }
0xa3: {  	v41 =	vadd.f32 v46, v41;
	v46 =	vmul.f32 v33, v29;
	v34 =	vmul.f32 v34, v40  }
0xa4: {  	v40 =	vmax.f32 v44, v35;
	v44 =	vsub.f32 v47, v43;
	v43 =	vadd.f32 v43, v47  }
0xa5: {  	v45 =	vmin.f32 v45, v36;
	v46 =	vmul.f32 v46, v33;
	v47 =	vmul.f32 v34, v30  }
0xa6: {  	v42 =	vmax.f32 v42, v48;
	v41 =	vmin.f32 v41, v37;
	v40 =	vsub.f32 v45, v40  }
0xa7: {  	v35 =	vmax.f32 v44, v35;
	v44 =	vsub.f32 $1.500000000e+00, v46;
	v45 =	vmul.f32 v47, v34  }
0xa8: {  	v38 =	vmax.f32 v38, v48;
	v37 =	vmin.f32 v39, v37;
	v36 =	vmin.f32 v43, v36  }
0xa9: {  	v39 =	vsub.f32 v41, v42;
	v33 =	vmul.f32 v44, v33;
	v41 =	vsub.f32 $1.500000000e+00, v45  }
0xaa: {  	v40 =	vmax.f32 v40, $0.0e+00;
	v35 =	vsub.f32 v36, v35;
	v36 =	vsub.f32 v37, v38  }
0xab: {  	v37 =	vmax.f32 v39, $0.0e+00;
	v38 =	vld [tilespmem:s22+$0x7000];
	v29 =	vmul.f32 v33, v29;
	v34 =	vmul.f32 v41, v34;
	s22 =	smov.u32 s26  }
0xac: {  	v31 =	vadd.f32 v28, v31;
	v37 =	vmul.f32 v37, v40;
	v35 =	vmax.f32 v35, $0.0e+00;
	v39 =	vld [tilespmem:s20+$0x7300]  }
0xad: {  	v36 =	vmax.f32 v36, $0.0e+00;
	v29 =	vmul.f32 v29, v33;
	v30 =	vmul.f32 v34, v30  }
0xae: {  	v28 =	vadd.f32 v28, v32;
	v35 =	vmul.f32 v36, v35  }
0xaf: {  	s24 =	sadd.s32 $0x1, s24;
	v31 =	vsub.f32 v31, v37;
	v29 =	vsub.f32 $1.500000000e+00, v29;
	v30 =	vmul.f32 v30, v34  }
0xb0: {  	v7 =	vsel vm0, v7, v2;
	v40 =	vsel vm0, v3, v6;
	s26 =	sshll.u32 s24, $0x7;
	v32 =	vsel vm0, v38, v1;
	v1 =	vmovc v8  }
0xb1: {  	s29 =	sand.u32 $0xFFFFF000, s25;
	v2 =	vmovc v9;
	s28 =	sshll.u32 s24, $0x4;
	v3 =	vmovc v10;
	s26 =	sand.u32 $0x400, s26;
	v36 =	vld [tilespmem:s20+$0x7200];
	v0 =	vsel vm0, v39, v4;
	v8 =	vmul.f32 v29, v33;
	v29 =	vsub.f32 $1.500000000e+00, v30  }
0xb2: {  	s30 =	sand.u32 $0x70, s28;
	v6 =	vmovc v20;
	s26 =	sor.u32 s26, s29;
	v9 =	vsub.f32 v7, v32;
	v4 =	vmovc v18;
	(erf) = vrcp.f32 v31;
	v30 =	vld [tilespmem:s20+$0x200];
	v10 =	vsub.f32 v40, v0  }
0xb3: {  	v7 =	vmov v26;
	v18 =	vld [tilespmem:s20+$0x880];
	v20 =	vmul.f32 v8, v27;
	v27 =	vmul.f32 v29, v34;
	s20 =	smov.u32 s21;
	s21 =	sor.u32 s30, s26  }
0xb4: {  	v26 =	vsub.f32 v28, v35;
	v9 =	vmul.f32 v9, v9;
	v8 =	vld [tilespmem:s21+$0x7000];
	v10 =	vmul.f32 v10, v10  }
0xb5: {  	v21 =	vadd.f32 v22, v21;
	v29 =	vld [tilespmem:s21+$0x7100];
	v20 =	vadd.f32 v20, v20;
	v22 =	vmul.f32 v27, v25  }
0xb6: {  	v23 =	vadd.f32 v24, v23;
	(erf) = vrcp.f32 v26;
	v25 =	vadd.f32 v10, v9  }
0xb7: {  	v9 =	vld [tilespmem:s21+$0x0];
	v20 =	vsub.f32 v21, v20;
	v21 =	vadd.f32 v22, v22  }
0xb8: {  	vm1 =	vgt.f32 v36, $0.0e+00;
	v22 =	vmul.f32 v30, v30;
	v24 =	vld [tilespmem:s21+$0x100];
	v26 =	vmul.f32 v18, v18  }
0xb9: {  	s28 =	sand.u32 $0xF0, s28;
	v10 =	vld [tilespmem:s21+$0x300];
	v36 =	vmul.f32 $7.142857460e-02, v8;
	v20 =	vadd.f32 v20, v25;
	v21 =	vsub.f32 v23, v21  }
0xba: {  	v11 =	vmax.f32 v11, v12;
	s26 =	sor.u32 s28, s26;
	v12 =	vsel vm0, v18, v30;
	v38 =	vmul.f32 $5.000000000e-01, v29  }
0xbb: {  	s28 =	sor.u32 $0x180, s26;
	v18 =	vsel vm0, v30, v18;
	v11 =	vsub.f32 v12, v11;
	v25 =	vld [tilespmem:s21+$0x800];
	v23 =	vpop (erf);
	v20 =	vadd.f32 v20, v21  }
0xbc: {  	v27 =	vsel vm1, $0x3F800000, v50;
	v12 =	vmul.f32 v18, v18;
	v30 =	vld [tilespmem:s28+$0x7000];
	v39 =	vmul.f32 $7.142857460e-02, v9  }
0xbd: {  	v11 =	vmul.f32 v11, v11;
	v33 =	vld [tilespmem:s28+$0x0];
	v18 =	vmul.f32 $5.000000000e+00, v20;
	v20 =	vsub.f32 $1.000000000e+00, v27  }
0xbe: {  	v40 =	vmul.f32 $5.000000000e-01, v24;
	v48 =	vmul.f32 $7.142857460e-02, v10;
	v32 =	vld [tilespmem:s23+$0x7000];
	s23 =	sor.u32 $0x380, s26  }
0xbf: {  	v31 =	vmul.f32 $5.000000000e-01, v12;
	v34 =	vld [tilespmem:s23+$0x0];
	v21 =	vpop (erf);
	v18 =	vadd.f32 v18, v11;
	v20 =	vmul.f32 $5.000000000e-01, v20  }
0xc0: {  	v11 =	vmul.f32 v23, v37;
	v41 =	vld [tilespmem:s20+$0x7800];
	v12 =	vmul.f32 v21, v35;
	v21 =	vadd.f32 v26, v22  }
0xc1: {  	s28 =	sor.u32 $0x80, s26;
	v49 =	vmul.f32 $5.000000000e-01, v25;
	v28 =	vmul.f32 v30, v29;
	v23 =	vadd.f32 v18, v31  }
0xc2: {  	v18 =	vld [tilespmem:s28+$0x7000];
	v31 =	vmul.f32 v33, v24;
	vm0 =	vgt.f32 v12, v11;
	v26 =	vmul.f32 v20, v21  }
0xc3: {  	v21 =	vsel vm0, v19, v15;
	v22 =	vsel vm0, v32, v13;
	v35 =	vmul.f32 v23, v27;
	v13 =	vmovc v29  }
0xc4: {  	v15 =	vmovc v24;
	v20 =	vld [tilespmem:s28+$0x0];
	v32 =	vmul.f32 v25, v34;
	v27 =	vmul.f32 v22, v21;
	v19 =	vmov v34  }
0xc5: {  	v23 =	vsel vm0, v14, v17;
	v14 =	vmovc v25;
	v24 =	vsel vm0, v41, v16;
	v26 =	vadd.f32 v35, v26  }
0xc6: {  	v17 =	vmovc v33;
	v16 =	vmovc v30;
	v34 =	vshrl.u32 v27, $0x1;
	v29 =	vmul.f32 $5.000000000e-01, v27;
	v25 =	vmul.f32 v24, v23  }
0xc7: {  	s26 =	sor.u32 $0x280, s26;
	v37 =	vmul.f32 $7.142857460e-02, v18;
	v33 =	vsub.s32 $0x5F3759DF, v34;
	v5 =	vadd.f32 v26, v5  }
0xc8: {  	v26 =	vld [tilespmem:s26+$0x0];
	v42 =	vmul.f32 v33, v29;
	v34 =	vshrl.u32 v25, $0x1;
	v30 =	vmul.f32 $5.000000000e-01, v25  }
.Ltmp2:
0xc9: {  	v43 =	vmul.f32 $5.000000000e-01, v16;
	v41 =	vmul.f32 $7.142857460e-02, v20;
	v34 =	vsub.s32 $0x5F3759DF, v34;
	(pc) =	sbr.rel @p1 .LBB2_2-.Ltmp2, $4  }
0xca: {  	v35 =	vsub.f32 v36, v38;
	v42 =	vmul.f32 v33, v42;
	v47 =	vmul.f32 v34, v30  }
0xcb: {  	v44 =	vsub.f32 v39, v40;
	v46 =	vmul.f32 $5.000000000e-01, v17;
	v36 =	vadd.f32 v38, v36  }
0xcc: {  	v45 =	vadd.f32 v40, v39;
	v42 =	vsub.f32 $1.500000000e+00, v42;
	v40 =	vmul.f32 v34, v47  }
0xcd: {  	s25 =	sadd.s32 $0x100, s25;
	v39 =	vadd.f32 v49, v48;
	v38 =	vsub.f32 v48, v49;
	v47 =	vmul.f32 $7.142857460e-02, v26  }
0xce: {  	v48 =	vsub.f32 v37, v43;
	v49 =	vmul.f32 $5.000000000e-01, v19;
	v59 =	vadd.f32 v43, v37  }
0xcf: {  	v60 =	vsub.f32 v41, v46;
	v44 =	vmax.f32 v44, v35;
	v45 =	vmin.f32 v45, v36  }
0xd0: {  	v61 =	vadd.f32 v46, v41;
	v44 =	vsub.f32 v45, v44  }
0xd1: {  	v62 =	vsub.f32 v47, v49;
	v63 =	vadd.f32 v49, v47;
	v43 =	vmax.f32 v60, v48  }
0xd2: {  	v41 =	vmin.f32 v61, v59;
	v38 =	vmax.f32 v38, v48;
	v37 =	vmin.f32 v39, v59  }
0xd3: {  	v41 =	vsub.f32 v41, v43;
	v45 =	vmax.f32 v62, v35;
	v46 =	vmin.f32 v63, v36  }
0xd4: {  	v48 =	vsub.f32 v37, v38;
	v35 =	vsub.f32 v46, v45  }
0xd5: {  	v31 =	vadd.f32 v28, v31;
	v47 =	vmax.f32 v44, $0.0e+00;
	v49 =	vmax.f32 v41, $0.0e+00  }
0xd6: {  	v36 =	vmax.f32 v48, $0.0e+00;
	v37 =	vmul.f32 v49, v47;
	v35 =	vmax.f32 v35, $0.0e+00  }
0xd7: {  	v51 =	vadd.f32 v28, v32;
	v35 =	vmul.f32 v36, v35  }
0xd8: {  	v31 =	vsub.f32 v31, v37  }
0xd9: {  	v28 =	vsub.f32 v51, v35  }
0xda: {  	(erf) = vrcp.f32 v31  }
0xdb: {  	(erf) = vrcp.f32 v28;
	_ =	sdelay $0x7  }
0xdc: {  	v53 =	vld [tilespmem:s23+$0x7000];
	v31 =	vpop (erf)  }
0xdd: {  	v56 =	vpop (erf)  }
0xde: {  	v57 =	vld [tilespmem:s21+$0x7800];
	v31 =	vmul.f32 v31, v37;
	v35 =	vmul.f32 v56, v35;
	_ =	sdelay $0x1  }
0xdf: {  	v52 =	vmul.f32 v33, v42;
	vm1 =	vgt.f32 v35, v31  }
0xe0: {  	v54 =	vsub.f32 $1.500000000e+00, v40;
	v15 =	vsel vm1, v19, v15;
	v13 =	vsel vm1, v53, v13  }
0xe1: {  	v55 =	vmul.f32 v52, v29;
	v32 =	vmul.f32 v13, v15  }
0xe2: {  	v33 =	vmul.f32 v34, v54;
	v14 =	vsel vm1, v14, v17;
	v16 =	vsel vm1, v57, v16  }
0xe3: {  	v37 =	vmul.f32 v16, v14;
	v62 =	vshrl.u32 v32, $0x1;
	v36 =	vmul.f32 $5.000000000e-01, v32  }
0xe4: {  	v58 =	vmul.f32 v55, v52;
	v59 =	vmul.f32 v33, v30;
	v17 =	vsub.s32 $0x5F3759DF, v62  }
0xe5: {  	v43 =	vshrl.u32 v37, $0x1;
	v39 =	vmul.f32 $5.000000000e-01, v37;
	v42 =	vmul.f32 v17, v36  }
0xe6: {  	v60 =	vsub.f32 $1.500000000e+00, v58;
	v61 =	vmul.f32 v59, v33;
	v45 =	vsub.s32 $0x5F3759DF, v43  }
0xe7: {  	v46 =	vld [tilespmem:s22+$0x7000];
	v47 =	vmul.f32 v45, v39;
	v34 =	vmul.f32 v17, v42  }
0xe8: {  	v48 =	vld [tilespmem:s20+$0x7300];
	v63 =	vsub.f32 $1.500000000e+00, v61;
	v19 =	vmul.f32 v60, v52  }
0xe9: {  	v2 =	vsel vm0, v7, v2;
	v40 =	vmul.f32 v45, v47;
	v34 =	vsub.f32 $1.500000000e+00, v34  }
0xea: {  	v3 =	vsel vm0, v3, v6;
	v28 =	vmul.f32 v63, v33;
	v44 =	vmul.f32 v19, v29  }
0xeb: {  	v21 =	vadd.f32 v22, v21;
	v52 =	vsub.f32 $1.500000000e+00, v40;
	v51 =	vmul.f32 v17, v34  }
0xec: {  	v1 =	vsel vm0, v46, v1;
	v49 =	vmul.f32 v28, v30;
	v29 =	vmul.f32 v44, v19  }
0xed: {  	v4 =	vsel vm0, v48, v4;
	v17 =	vmul.f32 v45, v52;
	v54 =	vmul.f32 v51, v36  }
0xee: {  	v1 =	vsub.f32 v2, v1;
	v3 =	vsub.f32 v3, v4;
	v30 =	vmul.f32 v49, v28  }
0xef: {  	v29 =	vsub.f32 $1.500000000e+00, v29;
	v57 =	vmul.f32 v17, v39;
	v56 =	vmul.f32 v54, v51  }
0xf0: {  	v59 =	vld [tilespmem:s20+$0x200];
	v1 =	vmul.f32 v1, v1;
	v3 =	vmul.f32 v3, v3;
	v55 =	vsub.f32 $1.500000000e+00, v30  }
0xf1: {  	v60 =	vld [tilespmem:s20+$0x880];
	v53 =	vmul.f32 v29, v19;
	v6 =	vmul.f32 v57, v17;
	v4 =	vsub.f32 $1.500000000e+00, v56  }
0xf2: {  	v1 =	vadd.f32 v3, v1;
	v58 =	vmul.f32 v55, v28;
	v62 =	vadd.f32 v24, v23  }
0xf3: {  	v24 =	vld [tilespmem:s26+$0x7000];
	v2 =	vmul.f32 v53, v27;
	v61 =	vsub.f32 $1.500000000e+00, v6;
	v3 =	vmul.f32 v4, v51  }
0xf4: {  	v9 =	vsel vm1, v26, v9;
	v10 =	vsel vm1, v10, v20;
	v19 =	vmul.f32 v58, v25  }
0xf5: {  	v2 =	vadd.f32 v2, v2;
	v4 =	vmul.f32 v61, v17;
	v25 =	vmul.f32 v3, v36  }
0xf6: {  	v30 =	vld [tilespmem:s21+$0x7300];
	v46 =	vadd.f32 v16, v14;
	v38 =	vsel vm0, v59, v60;
	v48 =	vmul.f32 v60, v60  }
0xf7: {  	v2 =	vsub.f32 v21, v2;
	v34 =	vmul.f32 v4, v39;
	v21 =	vmul.f32 v25, v3  }
0xf8: {  	v7 =	vmul.f32 v38, v38;
	v29 =	vmul.f32 v59, v59;
	v8 =	vsel vm1, v24, v8  }
0xf9: {  	v63 =	vadd.f32 v19, v19;
	v40 =	vmul.f32 v34, v4;
	v39 =	vsub.f32 $1.500000000e+00, v21  }
0xfa: {  	v8 =	vsub.f32 v9, v8;
	v1 =	vadd.f32 v2, v1;
	v2 =	vmax.f32 v11, v12  }
0xfb: {  	v11 =	vsel vm1, v30, v18;
	v41 =	vsub.f32 $1.500000000e+00, v40;
	v3 =	vmul.f32 v39, v3  }
0xfc: {  	v43 =	vld [tilespmem:s21+$0x200];
	v8 =	vmul.f32 v8, v8;
	v6 =	vsub.f32 v62, v63;
	v42 =	vsub.f32 v10, v11  }
0xfd: {  	v44 =	vld [tilespmem:s21+$0x880];
	v33 =	vsel vm0, v60, v59;
	v4 =	vmul.f32 v41, v4;
	v3 =	vmul.f32 v3, v32  }
0xfe: {  	v2 =	vsub.f32 v33, v2;
	v1 =	vadd.f32 v1, v6;
	v9 =	vmul.f32 v42, v42  }
0xff: {  	v45 =	vadd.f32 v13, v15;
	v36 =	vld [tilespmem:s20+$0x7200];
	v4 =	vmul.f32 v4, v37;
	v3 =	vadd.f32 v3, v3  }
0x100: {  	v2 =	vmul.f32 v2, v2;
	v1 =	vmul.f32 $5.000000000e+00, v1;
	v8 =	vadd.f32 v9, v8  }
0x101: {  	v7 =	vmul.f32 $5.000000000e-01, v7;
	v4 =	vadd.f32 v4, v4;
	v3 =	vsub.f32 v45, v3  }
0x102: {  	v58 =	vmul.f32 v43, v43;
	v53 =	vsel vm1, v44, v43;
	v1 =	vadd.f32 v1, v2;
	v2 =	vld [tilespmem:s21+$0x7200]  }
0x103: {  	v52 =	vmax.f32 v31, v35;
	v4 =	vsub.f32 v46, v4;
	v3 =	vadd.f32 v3, v8  }
0x104: {  	v59 =	vmul.f32 v44, v44;
	v55 =	vsub.f32 v53, v52;
	vm14 =	vgt.f32 v36, $0.0e+00  }
0x105: {  	v54 =	vsel vm1, v43, v44;
	v47 =	vsel vm14, $0x3F800000, v50;
	v3 =	vadd.f32 v3, v4  }
0x106: {  	v57 =	vmul.f32 v54, v54;
	v56 =	vadd.f32 v48, v29;
	v49 =	vsub.f32 $1.000000000e+00, v47  }
0x107: {  	vm15 =	vgt.f32 v2, $0.0e+00;
	v2 =	vmul.f32 v55, v55;
	v3 =	vmul.f32 $5.000000000e+00, v3  }
0x108: {  	v1 =	vadd.f32 v1, v7;
	v60 =	vsel vm15, $0x3F800000, v50;
	v51 =	vmul.f32 $5.000000000e-01, v49  }
0x109: {  	v61 =	vsub.f32 $1.000000000e+00, v60;
	v2 =	vadd.f32 v3, v2;
	v3 =	vmul.f32 $5.000000000e-01, v57  }
0x10a: {  	v1 =	vmul.f32 v1, v47;
	v62 =	vmul.f32 v51, v56  }
0x10b: {  	v63 =	vmul.f32 $5.000000000e-01, v61;
	v4 =	vadd.f32 v59, v58;
	v2 =	vadd.f32 v2, v3  }
0x10c: {  	_ =	swait.ge [sflag:s16], $0x4000  }
.Ltmp3:
0x10d: {  	[sflag:s16] =	ssyncset.done $0x0;
	v1 =	vadd.f32 v1, v62;
	v3 =	vmul.f32 v63, v4;
	v2 =	vmul.f32 v2, v60;
	(pc) =	sbr.rel @p0 .LBB2_13-.Ltmp3, $4  }
0x10e: {  	[sflag:s16] =	ssyncadd.s32 $0xFFFFC000  }
0x10f: {  	_ =	swait.ge [sflag:s16], $0x4000;
	v1 =	vadd.f32 v1, v5;
	v2 =	vadd.f32 v2, v3  }
0x110: {  	[sflag:s16] =	ssyncset.done $0x0  }
0x111: {  	[sflag:s16] =	ssyncadd.s32 $0xFFFFC000;
	v0 =	vadd.f32 v2, v1  }
0x112: {  	s20 =	simm.s32 $0x3000;
	s21 =	simm.s32 $0x1800  }
0x113: {  	s22 =	simm.s32 $0x300;
	s20 =	sand.u32 $0xFFFFF000, s20;
	s21 =	sand.u32 $0x400, s21  }
0x114: {  	s22 =	sand.u32 $0x70, s22;
	s20 =	sor.u32 s21, s20  }
0x115: {  	s20 =	sor.u32 s22, s20  }
0x116: {  	v42 =	vld [tilespmem:s20+$0x7100]  }
0x117: {  	v37 =	vld [tilespmem:s20+$0x80]  }
0x118: {  	v34 =	vld [tilespmem:s20+$0x380]  }
0x119: {  	v38 =	vld [tilespmem:s20+$0x7080]  }
0x11a: {  	v58 =	vld [tilespmem:s20+$0x280]  }
0x11b: {  	v61 =	vld [tilespmem:s20+$0x300]  }
0x11c: {  	v59 =	vld [tilespmem:s20+$0x7000]  }
0x11d: {  	v36 =	vld [tilespmem:s20+$0x800]  }
0x11e: {  	v60 =	vld [tilespmem:s20+$0x0]  }
0x11f: {  	v6 =	vld [tilespmem:s20+$0x180];
	v1 =	vmul.f32 $7.142857460e-02, v37  }
0x120: {  	v4 =	vld [tilespmem:s20+$0x100];
	v8 =	vmul.f32 $5.000000000e-01, v42;
	v10 =	vmul.f32 $7.142857460e-02, v38  }
0x121: {  	v3 =	vld [tilespmem:s20+$0x7180];
	v11 =	vmul.f32 $7.142857460e-02, v58;
	v12 =	vmul.f32 $5.000000000e-01, v34  }
0x122: {  	v13 =	vmul.f32 $7.142857460e-02, v61;
	v15 =	vmul.f32 $5.000000000e-01, v36  }
0x123: {  	v14 =	vmul.f32 $7.142857460e-02, v59;
	v17 =	vmul.f32 $7.142857460e-02, v60;
	v16 =	vsub.f32 v11, v12  }
0x124: {  	v20 =	vmul.f32 $5.000000000e-01, v6;
	v11 =	vadd.f32 v12, v11;
	v18 =	vadd.f32 v15, v13  }
0x125: {  	v12 =	vmul.f32 $5.000000000e-01, v4;
	v19 =	vsub.f32 v14, v8;
	v8 =	vadd.f32 v8, v14  }
0x126: {  	v14 =	vmul.f32 $5.000000000e-01, v3;
	v22 =	vsub.f32 v1, v20;
	v1 =	vadd.f32 v20, v1  }
0x127: {  	v63 =	vmul.f32 v3, v42;
	v21 =	vsub.f32 v17, v12;
	v12 =	vadd.f32 v12, v17  }
0x128: {  	v24 =	vmul.f32 v6, v4;
	v23 =	vsub.f32 v10, v14;
	v10 =	vadd.f32 v14, v10  }
0x129: {  	v13 =	vsub.f32 v13, v15;
	v11 =	vmin.f32 v11, v8;
	v8 =	vmin.f32 v12, v8  }
0x12a: {  	v12 =	vmax.f32 v21, v19;
	v14 =	vmax.f32 v22, v23;
	v1 =	vmin.f32 v1, v10  }
0x12b: {  	v15 =	vmax.f32 v16, v19;
	v8 =	vsub.f32 v8, v12;
	v1 =	vsub.f32 v1, v14  }
0x12c: {  	v11 =	vsub.f32 v11, v15;
	v10 =	vmin.f32 v18, v10;
	v12 =	vmax.f32 v13, v23  }
0x12d: {  	p3 =	sgt.s32 s7, $0x31;
	v13 =	vld [tilespmem:s20+$0x7200];
	v10 =	vsub.f32 v10, v12;
	v8 =	vmax.f32 v8, $0.0e+00;
	v1 =	vmax.f32 v1, $0.0e+00  }
.Ltmp4:
0x12e: {  	v14 =	vadd.f32 v63, v24;
	v12 =	vmul.f32 v36, v34;
	v8 =	vmul.f32 v1, v8;
	(pc) =	sbr.rel @!p3 .LBB2_5-.Ltmp4, $4  }
0x12f: {  	v1 =	vmax.f32 v11, $0.0e+00;
	v10 =	vmax.f32 v10, $0.0e+00  }
0x130: {  	v45 =	vmul.f32 v10, v1;
	v1 =	vadd.f32 v63, v12;
	v11 =	vsub.f32 v14, v8  }
0x131: {  	v10 =	vld [tilespmem:s20+$0x880]  }
0x132: {  	p1 =	por $0x0, $0x0;
	p2 =	por $0x0, $0x0;
	[tilespmem:$0x1FFF0] =	vst v0;
	v46 =	vld [tilespmem:s20+$0x200];
	vm0 =	vgt.f32 v13, $0.0e+00;
	v14 =	vsub.f32 v1, v45;
	(erf) = vrcp.f32 v11  }
0x133: {  	s21 =	simm.s32 $0x1880;
	s22 =	simm.s32 $0x3100  }
0x134: {  	s23 =	simm.s32 $0x310;
	s22 =	sand.u32 $0xFFFFF000, s22;
	s21 =	sand.u32 $0x400, s21  }
0x135: {  	s23 =	sand.u32 $0x70, s23;
	s21 =	sor.u32 s21, s22  }
0x136: {  	s21 =	sor.u32 s23, s21  }
0x137: {  	v21 =	vld [tilespmem:s21+$0x7100]  }
0x138: {  	v2 =	vld [tilespmem:s21+$0x80]  }
0x139: {  	v23 =	vld [tilespmem:s21+$0x380]  }
0x13a: {  	v11 =	vld [tilespmem:s21+$0x7080]  }
0x13b: {  	v15 =	vld [tilespmem:s21+$0x280]  }
0x13c: {  	v16 =	vld [tilespmem:s21+$0x300]  }
0x13d: {  	v13 =	vld [tilespmem:s21+$0x7000]  }
0x13e: {  	v26 =	vld [tilespmem:s21+$0x800]  }
0x13f: {  	v5 =	vld [tilespmem:s21+$0x0]  }
0x140: {  	(erf) = vrcp.f32 v14;
	v25 =	vld [tilespmem:s21+$0x180]  }
0x141: {  	v9 =	vld [tilespmem:s21+$0x7180];
	v12 =	vmul.f32 $7.142857460e-02, v2;
	v19 =	vmul.f32 $5.000000000e-01, v21  }
0x142: {  	v20 =	vmul.f32 $7.142857460e-02, v11;
	v22 =	vmul.f32 $7.142857460e-02, v15  }
0x143: {  	v24 =	vld [tilespmem:s21+$0x100];
	v27 =	vmul.f32 $5.000000000e-01, v23;
	v28 =	vmul.f32 $7.142857460e-02, v16  }
0x144: {  	v29 =	vmul.f32 $7.142857460e-02, v13;
	v30 =	vmul.f32 $5.000000000e-01, v26  }
0x145: {  	v32 =	vmul.f32 $7.142857460e-02, v5;
	v48 =	vmul.f32 $5.000000000e-01, v25  }
0x146: {  	v49 =	vmul.f32 $5.000000000e-01, v9;
	v31 =	vsub.f32 v22, v27;
	v22 =	vadd.f32 v27, v22  }
0x147: {  	v39 =	vmul.f32 v9, v21;
	v33 =	vadd.f32 v30, v28;
	v35 =	vsub.f32 v29, v19  }
0x148: {  	v55 =	vmul.f32 v25, v24;
	v19 =	vadd.f32 v19, v29;
	v51 =	vsub.f32 v12, v48  }
0x149: {  	v54 =	vpop (erf);
	v27 =	vmul.f32 $5.000000000e-01, v24;
	v41 =	vsub.f32 v20, v49;
	v20 =	vadd.f32 v49, v20  }
0x14a: {  	v44 =	vmul.f32 v54, v8;
	v12 =	vadd.f32 v48, v12;
	v28 =	vsub.f32 v28, v30  }
0x14b: {  	v40 =	vsub.f32 v32, v27;
	v27 =	vadd.f32 v27, v32;
	v22 =	vmin.f32 v22, v19  }
0x14c: {  	v52 =	vmax.f32 v31, v35;
	v53 =	vmax.f32 v51, v41;
	v12 =	vmin.f32 v12, v20  }
0x14d: {  	v12 =	vsub.f32 v12, v53;
	v19 =	vmin.f32 v27, v19;
	v27 =	vmax.f32 v40, v35  }
0x14e: {  	v20 =	vmin.f32 v33, v20;
	v8 =	vmax.f32 v28, v41;
	v19 =	vsub.f32 v19, v27  }
0x14f: {  	v62 =	vld [tilespmem:s21+$0x7200];
	v22 =	vsub.f32 v22, v52;
	v20 =	vsub.f32 v20, v8;
	v8 =	vmax.f32 v12, $0.0e+00  }
0x150: {  	p3 =	sgt.s32 s7, $0x32;
	v12 =	vmul.f32 v26, v23;
	v27 =	vadd.f32 v39, v55;
	v19 =	vmax.f32 v19, $0.0e+00  }
.Ltmp5:
0x151: {  	v57 =	vld [tilespmem:s20+$0x7800];
	v22 =	vmax.f32 v22, $0.0e+00;
	v63 =	vmax.f32 v20, $0.0e+00;
	v8 =	vmul.f32 v8, v19;
	(pc) =	sbr.rel @!p3 .LBB2_7-.Ltmp5, $4  }
0x152: {  	v1 =	vmul.f32 v46, v46;
	v54 =	vld [tilespmem:s21+$0x880];
	v40 =	vmul.f32 v63, v22  }
0x153: {  	v56 =	vld [tilespmem:s20+$0x7380];
	v12 =	vadd.f32 v39, v12;
	v19 =	vmul.f32 v10, v10;
	v22 =	vsub.f32 v27, v8  }
0x154: {  	[tilespmem:$0x1FF90] =	vst v38;
	vm1 =	vmmov vm0;
	v43 =	vld [tilespmem:s21+$0x200];
	vm0 =	vgt.f32 v62, $0.0e+00  }
0x155: {  	p1 =	por $0x1, $0x1;
	v17 =	vmovc v10;
	[tilespmem:$0x1FFA0] =	vst v46;
	v20 =	vld [tilespmem:s20+$0x7280];
	v14 =	vsub.f32 v12, v40;
	v47 =	vadd.f32 v19, v1;
	(erf) = vrcp.f32 v22  }
0x156: {  	s23 =	simm.s32 $0x1900;
	s22 =	simm.s32 $0x3200  }
0x157: {  	v1 =	vpop (erf);
	s24 =	simm.s32 $0x320;
	s25 =	sand.u32 $0xFFFFF000, s22;
	s23 =	sand.u32 $0x400, s23  }
0x158: {  	v1 =	vmul.f32 v1, v45;
	s31 =	sand.u32 $0x70, s24;
	s23 =	sor.u32 s23, s25  }
0x159: {  	v12 =	vld [tilespmem:s20+$0x7300];
	s20 =	sor.u32 s31, s23  }
0x15a: {  	vm2 =	vgt.f32 v1, v44;
	v28 =	vld [tilespmem:s20+$0x7200]  }
0x15b: {  	v30 =	vsel vm2, v56, v42;
	v42 =	vld [tilespmem:s20+$0x7100]  }
0x15c: {  	v22 =	vmul.f32 v54, v54;
	v19 =	vmul.f32 v43, v43;
	v38 =	vld [tilespmem:s20+$0x80]  }
0x15d: {  	vm3 =	vmmov vm1;
	v10 =	vsel vm2, v34, v4;
	v34 =	vld [tilespmem:s20+$0x380]  }
0x15e: {  	vm1 =	vmmov vm0;
	(erf) = vrcp.f32 v14;
	v18 =	vld [tilespmem:s20+$0x280];
	v4 =	vadd.f32 v22, v19  }
0x15f: {  	v41 =	vmovc v5;
	v1 =	vmax.f32 v44, v1;
	v5 =	vld [tilespmem:s20+$0x300];
	v35 =	vmul.f32 v30, v10;
	v22 =	vsel vm3, $0x3F800000, v50  }
0x160: {  	v29 =	vmovc v0;
	v33 =	vsel vm2, v57, v3;
	v31 =	vld [tilespmem:s20+$0x800];
	[tilespmem:$0x1FF30] =	vst v4;
	v4 =	vsel vm2, v36, v6;
	v6 =	vsub.f32 $1.000000000e+00, v22  }
0x161: {  	v0 =	vmovc v17;
	v48 =	vsel vm2, v58, v60;
	v17 =	vld [tilespmem:s20+$0x0];
	[tilespmem:$0x1FF60] =	vst v4;
	v46 =	vmul.f32 v33, v4;
	v4 =	vshrl.u32 v35, $0x1  }
0x162: {  	v39 =	vld [tilespmem:s20+$0x100];
	v45 =	vmul.f32 $5.000000000e-01, v35;
	v63 =	vsub.s32 $0x5F3759DF, v4;
	v4 =	vmul.f32 $5.000000000e-01, v6  }
0x163: {  	v19 =	vld [tilespmem:s20+$0x7080];
	v44 =	vmul.f32 $7.142857460e-02, v38;
	vm0 =	vgt.f32 v28, $0.0e+00;
	v28 =	vmul.f32 $5.000000000e-01, v42  }
0x164: {  	v53 =	vmul.f32 $7.142857460e-02, v18;
	v6 =	vld [tilespmem:s20+$0x180];
	v3 =	vshrl.u32 v46, $0x1;
	v49 =	vmul.f32 $5.000000000e-01, v46  }
0x165: {  	[tilespmem:$0x1FF70] =	vst v1;
	v7 =	vmul.f32 v63, v45;
	v51 =	vsub.s32 $0x5F3759DF, v3;
	v3 =	vld [tilespmem:s20+$0x7000];
	v1 =	vmul.f32 v4, v47  }
0x166: {  	[tilespmem:$0x1FF20] =	vst v54;
	v37 =	vsel vm2, v61, v37;
	v54 =	vmul.f32 $5.000000000e-01, v34;
	v56 =	vmul.f32 $7.142857460e-02, v5  }
0x167: {  	v32 =	vsel vm2, v20, v59;
	v52 =	vmul.f32 v51, v49;
	[tilespmem:$0x1FF40] =	vst v1;
	v1 =	vmul.f32 v63, v7;
	v7 =	vld [tilespmem:s20+$0x7180]  }
0x168: {  	v30 =	vadd.f32 v30, v10;
	v58 =	vmul.f32 $5.000000000e-01, v31;
	v59 =	vmul.f32 $7.142857460e-02, v17  }
0x169: {  	v47 =	vmul.f32 $7.142857460e-02, v19;
	v52 =	vmul.f32 v51, v52;
	v55 =	vsub.f32 $1.500000000e+00, v1  }
0x16a: {  	v48 =	vsub.f32 v48, v32;
	v20 =	vmul.f32 v6, v39;
	v1 =	vld [tilespmem:$0x1FF90];
	v57 =	vmul.f32 $7.142857460e-02, v3  }
0x16b: {  	v52 =	vsub.f32 $1.500000000e+00, v52;
	v50 =	vmul.f32 v63, v55;
	v55 =	vsub.f32 v53, v54  }
0x16c: {  	v53 =	vadd.f32 v54, v53;
	v63 =	vmul.f32 $5.000000000e-01, v6;
	v61 =	vmul.f32 v7, v42  }
0x16d: {  	v54 =	vadd.f32 v58, v56;
	v51 =	vmul.f32 v51, v52;
	v52 =	vmul.f32 $5.000000000e-01, v39  }
0x16e: {  	v62 =	vsub.f32 v57, v28;
	v28 =	vadd.f32 v28, v57;
	v57 =	vmul.f32 $5.000000000e-01, v7  }
0x16f: {  	v36 =	vmul.f32 v50, v45;
	v12 =	vsel vm2, v12, v1;
	v1 =	vmul.f32 v51, v49  }
0x170: {  	v53 =	vmin.f32 v53, v28;
	v20 =	vadd.f32 v61, v20;
	v12 =	vsub.f32 v37, v12  }
0x171: {  	v60 =	vmul.f32 v36, v50;
	v37 =	vsub.f32 v59, v52;
	v52 =	vadd.f32 v52, v59  }
0x172: {  	v27 =	vmovc v3;
	v59 =	vsub.f32 v44, v63;
	v44 =	vadd.f32 v63, v44;
	v3 =	vmul.f32 v1, v51  }
0x173: {  	v55 =	vmax.f32 v55, v62;
	v1 =	vsub.f32 v47, v57;
	v47 =	vadd.f32 v57, v47  }
0x174: {  	v4 =	vld [tilespmem:$0x1FF60];
	v36 =	vmul.f32 v31, v34;
	v57 =	vsub.f32 $1.500000000e+00, v60;
	v3 =	vsub.f32 $1.500000000e+00, v3  }
0x175: {  	v28 =	vmin.f32 v52, v28;
	v52 =	vsub.f32 v53, v55;
	v55 =	vmax.f32 v37, v62  }
0x176: {  	v62 =	vsub.f32 v56, v58;
	v37 =	vmin.f32 v54, v47;
	v3 =	vmul.f32 v3, v51  }
0x177: {  	v59 =	vmax.f32 v59, v1;
	v28 =	vsub.f32 v28, v55;
	v63 =	vmul.f32 v57, v50  }
0x178: {  	v47 =	vmin.f32 v44, v47;
	v60 =	vpop (erf);
	v1 =	vmax.f32 v62, v1;
	v57 =	vmul.f32 v3, v49  }
0x179: {  	v50 =	vadd.f32 v33, v4;
	v44 =	vmul.f32 v60, v8;
	v8 =	vmul.f32 v63, v45  }
0x17a: {  	v4 =	vld [tilespmem:$0x1FFA0];
	v1 =	vsub.f32 v37, v1;
	v49 =	vmul.f32 v12, v12;
	v12 =	vmul.f32 v57, v3  }
0x17b: {  	v58 =	vsub.f32 v47, v59;
	v28 =	vmax.f32 v28, $0.0e+00;
	v60 =	vmax.f32 v52, $0.0e+00  }
0x17c: {  	[tilespmem:$0x1FF50] =	vst v5;
	v5 =	vld [tilespmem:$0x1FF70];
	v1 =	vmax.f32 v1, $0.0e+00;
	v10 =	vmul.f32 v8, v63;
	v59 =	vsub.f32 $1.500000000e+00, v12  }
0x17d: {  	p3 =	sgt.s32 s7, $0x33;
	v8 =	vmax.f32 v58, $0.0e+00;
	v45 =	vmul.f32 v1, v60;
	v1 =	vadd.f32 v61, v36;
	v12 =	vld [tilespmem:s20+$0x880]  }
.Ltmp6:
0x17e: {  	v8 =	vmul.f32 v8, v28;
	v10 =	vsub.f32 $1.500000000e+00, v10;
	v3 =	vmul.f32 v59, v3;
	(pc) =	sbr.rel @!p3 .LBB2_9-.Ltmp6, $4  }
0x17f: {  	v32 =	vld [tilespmem:s21+$0x7800];
	v28 =	vsel vm2, v0, v4;
	v14 =	vsub.f32 v1, v45;
	v1 =	vsel vm2, v4, v0  }
0x180: {  	v33 =	vld [tilespmem:s21+$0x7380];
	v62 =	vmul.f32 v10, v63;
	v63 =	vsub.f32 v20, v8;
	v3 =	vmul.f32 v3, v46  }
0x181: {  	v51 =	vsub.f32 v28, v5;
	v53 =	vmul.f32 v1, v1;
	v20 =	vld [tilespmem:s21+$0x7280]  }
0x182: {  	p2 =	por $0x1, $0x1;
	s23 =	simm.s32 $0x33;
	v28 =	vmovc v29;
	v55 =	vmul.f32 v62, v35;
	(erf) = vrcp.f32 v63;
	v46 =	vld [tilespmem:s20+$0x200];
	v54 =	vmovc v12;
	v52 =	vadd.f32 v3, v3  }
.LBB2_10:
0x183: {  	s24 =	sshll.u32 s23, $0x7;
	s22 =	sadd.s32 $0x100, s22;
	s25 =	smov.u32 s23  }
0x184: {  	v35 =	vmul.f32 v54, v12;
	v54 =	vld [tilespmem:s21+$0x7300];
	v0 =	vmov v45;
	s25 =	sshll.u32 s25, $0x4;
	s26 =	sand.u32 $0xFFFFF000, s22;
	s24 =	sand.u32 $0x400, s24  }
0x185: {  	[tilespmem:$0x1FF00] =	vst v12;
	vm3 =	vmmov vm1;
	v47 =	vld [tilespmem:s20+$0x7800];
	v37 =	vmul.f32 v48, v48;
	v57 =	vadd.f32 v55, v55;
	s25 =	sand.u32 $0x70, s25;
	s24 =	sor.u32 s24, s26  }
0x186: {  	vm1 =	vmmov vm0;
	v36 =	vpop (erf);
	s21 =	smov.u32 s20;
	v48 =	vmul.f32 $5.000000000e-01, v53;
	[tilespmem:$0x1FED0] =	vst v0;
	v53 =	vld [tilespmem:s20+$0x7380];
	v61 =	vsub.f32 v50, v52;
	s20 =	sor.u32 s25, s24  }
0x187: {  	v59 =	vadd.f32 v49, v37;
	v30 =	vsub.f32 v30, v57;
	v0 =	vmovc v42;
	v58 =	vmul.f32 v36, v40;
	v60 =	vld [tilespmem:s20+$0x7200]  }
0x188: {  	v49 =	vmul.f32 v51, v51;
	v1 =	vmul.f32 v46, v46;
	[tilespmem:$0x1FEF0] =	vst v0;
	v42 =	vld [tilespmem:s20+$0x7100];
	v0 =	vimm.f32 $0.0e+00  }
0x189: {  	v3 =	vmovc v46;
	v52 =	vld [tilespmem:s20+$0x80];
	v40 =	vmovc v6;
	v62 =	vadd.f32 v30, v59;
	v55 =	vsel vm3, $0x3F800000, v0;
	vm2 =	vgt.f32 v58, v44  }
0x18a: {  	v6 =	vld [tilespmem:s20+$0x180];
	[tilespmem:$0x1FF10] =	vst v3;
	v1 =	vadd.f32 v35, v1;
	v3 =	vmax.f32 v44, v58;
	v24 =	vsel vm2, v23, v24  }
0x18b: {  	v12 =	vmovc v34;
	v34 =	vld [tilespmem:s20+$0x380];
	v33 =	vsel vm2, v33, v21;
	v45 =	vsel vm2, v26, v25;
	v23 =	vadd.f32 v62, v61  }
0x18c: {  	v50 =	vld [tilespmem:s20+$0x100];
	v46 =	vsel vm2, v32, v9;
	v26 =	vsub.f32 $1.000000000e+00, v55;
	v36 =	vmul.f32 v33, v24  }
0x18d: {  	v56 =	vld [tilespmem:s20+$0x7080];
	v30 =	vmovc v18;
	v54 =	vsel vm2, v54, v11;
	v37 =	vmul.f32 v46, v45;
	v63 =	vmul.f32 $5.000000000e+00, v23  }
0x18e: {  	v18 =	vld [tilespmem:s20+$0x280];
	v44 =	vpop (erf);
	vm0 =	vgt.f32 v60, $0.0e+00;
	v59 =	vmul.f32 $5.000000000e-01, v26;
	v60 =	vmul.f32 $7.142857460e-02, v52  }
0x18f: {  	v51 =	vld [tilespmem:s20+$0x300];
	v11 =	vmul.f32 $5.000000000e-01, v6;
	v44 =	vmul.f32 v44, v8;
	v25 =	vshrl.u32 v36, $0x1  }
0x190: {  	v29 =	vmovc v31;
	v31 =	vld [tilespmem:s20+$0x800];
	v32 =	vmovc v47;
	v47 =	vmul.f32 $5.000000000e-01, v36;
	v0 =	vshrl.u32 v37, $0x1;
	v57 =	vmul.f32 $5.000000000e-01, v37  }
0x191: {  	v4 =	vmovc v39;
	v58 =	vsub.s32 $0x5F3759DF, v25;
	v49 =	vadd.f32 v63, v49;
	v61 =	vsub.s32 $0x5F3759DF, v0;
	v0 =	vld [tilespmem:$0x1FF30]  }
0x192: {  	[tilespmem:$0x1FEE0] =	vst v3;
	v62 =	vld [tilespmem:s20+$0x7000];
	v35 =	vadd.f32 v33, v24;
	v3 =	vmul.f32 v58, v47;
	v63 =	vmul.f32 v61, v57  }
0x193: {  	v9 =	vmovc v7;
	v39 =	vmovc v50;
	v50 =	vmul.f32 $7.142857460e-02, v18;
	v7 =	vadd.f32 v49, v48;
	v48 =	vsel vm2, v16, v2;
	v2 =	vld [tilespmem:$0x1FF50]  }
0x194: {  	v5 =	vmovc v52;
	v52 =	vsel vm2, v20, v13;
	v49 =	vmul.f32 $7.142857460e-02, v56;
	v16 =	vmul.f32 v58, v3;
	v3 =	vld [tilespmem:$0x1FF40]  }
0x195: {  	v33 =	vmovc v53;
	v53 =	vsel vm2, v15, v41;
	v25 =	vmovc v55;
	v55 =	vmul.f32 $5.000000000e-01, v34;
	v20 =	vmul.f32 v7, v22;
	v7 =	vld [tilespmem:s20+$0x7180]  }
0x196: {  	v63 =	vmul.f32 v61, v63;
	v54 =	vsub.f32 v48, v54;
	v59 =	vmul.f32 v59, v0;
	v0 =	vmovc v1  }
0x197: {  	v13 =	vmovc v51;
	v41 =	vmovc v17;
	v1 =	vmul.f32 $5.000000000e-01, v42;
	[tilespmem:$0x1FF30] =	vst v0;
	v0 =	vsub.f32 $1.500000000e+00, v16;
	v16 =	vmul.f32 v6, v39  }
0x198: {  	v17 =	vld [tilespmem:s20+$0x0];
	v24 =	vmovc v2;
	v2 =	vmul.f32 $7.142857460e-02, v51;
	v10 =	vmovc v59;
	v51 =	vmul.f32 $7.142857460e-02, v62;
	v59 =	vsub.f32 v50, v55  }
0x199: {  	v23 =	vmovc v27;
	v27 =	vmovc v62;
	v62 =	vsub.f32 $1.500000000e+00, v63;
	v50 =	vadd.f32 v55, v50;
	v0 =	vmul.f32 v58, v0  }
0x19a: {  	v21 =	vmovc v38;
	v38 =	vmovc v56;
	v3 =	vadd.f32 v20, v3;
	v58 =	vmul.f32 $5.000000000e-01, v31;
	v56 =	vmul.f32 v7, v42  }
0x19b: {  	[tilespmem:$0x1FF40] =	vst v10;
	v55 =	vmul.f32 v61, v62;
	v61 =	vmul.f32 $5.000000000e-01, v39;
	v10 =	vsub.f32 v51, v1  }
0x19c: {  	v1 =	vadd.f32 v1, v51;
	v51 =	vmul.f32 $5.000000000e-01, v7;
	v28 =	vadd.f32 v3, v28  }
0x19d: {  	[tilespmem:$0x1FF50] =	vst v13;
	v3 =	vmul.f32 $7.142857460e-02, v17;
	v63 =	vmul.f32 v0, v47;
	v62 =	vadd.f32 v58, v2  }
0x19e: {  	v22 =	vmovc v19;
	v2 =	vsub.f32 v2, v58;
	v13 =	vmul.f32 v55, v57;
	v19 =	vsub.f32 v49, v51  }
0x19f: {  	v48 =	vmin.f32 v50, v1;
	v49 =	vadd.f32 v51, v49;
	v50 =	vmax.f32 v59, v10  }
0x1a0: {  	v20 =	vmovc v14;
	v63 =	vmul.f32 v63, v0;
	v14 =	vsub.f32 v3, v61;
	v3 =	vadd.f32 v61, v3  }
0x1a1: {  	v61 =	vsub.f32 v60, v11;
	v11 =	vadd.f32 v11, v60;
	v13 =	vmul.f32 v13, v55  }
0x1a2: {  	v2 =	vmax.f32 v2, v19;
	v59 =	vsub.f32 $1.500000000e+00, v63;
	v1 =	vmin.f32 v3, v1  }
0x1a3: {  	v26 =	vld [tilespmem:s21+$0x7280];
	v10 =	vmax.f32 v14, v10;
	v14 =	vmin.f32 v62, v49;
	v62 =	vmax.f32 v61, v19  }
0x1a4: {  	v11 =	vmin.f32 v11, v49;
	v19 =	vmovc v38;
	v38 =	vmov v5;
	v5 =	vld [tilespmem:$0x1FF20];
	v0 =	vmul.f32 v59, v0  }
0x1a5: {  	v2 =	vsub.f32 v14, v2;
	v14 =	vadd.f32 v56, v16;
	v16 =	vmovc v24;
	v24 =	vmov v4;
	v4 =	vld [tilespmem:$0x1FEE0]  }
0x1a6: {  	v1 =	vsub.f32 v1, v10;
	v11 =	vsub.f32 v11, v62;
	v8 =	vmul.f32 v0, v47  }
0x1a7: {  	(erf) = vrcp.f32 v20;
	v13 =	vsub.f32 $1.500000000e+00, v13  }
0x1a8: {  	v20 =	vmovc v26;
	v26 =	vmovc v29;
	v1 =	vmax.f32 v1, $0.0e+00;
	v29 =	vmul.f32 v8, v0;
	v8 =	vmax.f32 v11, $0.0e+00  }
0x1a9: {  	v13 =	vmul.f32 v13, v55;
	v8 =	vmul.f32 v8, v1;
	v1 =	vsel vm2, v5, v43  }
0x1aa: {  	v51 =	vsub.f32 v1, v4;
	v4 =	vld [tilespmem:$0x1FF00]  }
0x1ab: {  	v10 =	vmul.f32 v13, v57;
	_ =	sdelay $0x1  }
0x1ac: {  	v10 =	vmul.f32 v10, v13;
	v29 =	vsub.f32 $1.500000000e+00, v29  }
0x1ad: {  	v15 =	vmul.f32 v31, v34;
	v3 =	vsub.f32 v48, v50;
	v48 =	vsub.f32 v53, v52  }
0x1ae: {  	s23 =	sadd.s32 $0x1, s23;
	v49 =	vmul.f32 v54, v54;
	v54 =	vld [tilespmem:s20+$0x880];
	v10 =	vsub.f32 $1.500000000e+00, v10;
	v29 =	vmul.f32 v29, v0;
	v0 =	vmovc v4  }
0x1af: {  	p3 =	slt.s32 s23, s7;
	v50 =	vadd.f32 v46, v45;
	v63 =	vadd.f32 v56, v15;
	[tilespmem:$0x1FF20] =	vst v0;
	v0 =	vld [tilespmem:$0x1FF10]  }
.Ltmp7:
0x1b0: {  	v3 =	vmax.f32 v3, $0.0e+00;
	v2 =	vmax.f32 v2, $0.0e+00;
	v10 =	vmul.f32 v10, v13;
	(pc) =	sbr.rel @p3 .LBB2_10-.Ltmp7, $4  }
0x1b1: {  	v15 =	vmovc v30;
	v30 =	vmovc v35;
	v45 =	vmul.f32 v2, v3;
	v11 =	vmov v22;
	v22 =	vmov v25  }
0x1b2: {  	v46 =	vld [tilespmem:s20+$0x200];
	v25 =	vmovc v40;
	v1 =	vsel vm2, v43, v5;
	v3 =	vsub.f32 v14, v8;
	v10 =	vmul.f32 v10, v37  }
0x1b3: {  	v40 =	vld [tilespmem:$0x1FED0];
	v2 =	vmovc v21;
	v14 =	vsub.f32 v63, v45;
	v53 =	vmul.f32 v1, v1;
	v13 =	vmovc v23;
	v23 =	vmov v12  }
0x1b4: {  	v21 =	vld [tilespmem:$0x1FEF0];
	(erf) = vrcp.f32 v3;
	v12 =	vmovc v54;
	v55 =	vmul.f32 v29, v36;
	v52 =	vadd.f32 v10, v10;
	v43 =	vmovc v0  }
0x1b5: {  	[tilespmem:$0x1FFB0] =	vst v17;
	v0 =	vld [tilespmem:$0x1FF50]  }
.Ltmp8:
0x1b6: {  	[tilespmem:$0x1FF80] =	vst v16;
	(pc) =	sbr.rel .LBB2_12-.Ltmp8, $4  }
0x1b7: {  	v62 =	vmov v23;
	v63 =	vmov v24;
	v56 =	vmov v33;
	[tilespmem:$0x1FFE0] =	vst v38  }
0x1b8: {  	v33 =	vmovc v26;
	v35 =	vmovc v25;
	v57 =	vmov v32;
	v32 =	vmov v9;
	v59 =	vmov v15;
	v47 =	vld [tilespmem:$0x1FF30];
	[tilespmem:$0x1FFD0] =	vst v27  }
0x1b9: {  	v60 =	vmovc v41;
	v37 =	vmovc v13;
	v41 =	vmov v11;
	v38 =	vmov v19;
	v11 =	vld [tilespmem:$0x1FF20];
	[tilespmem:$0x1FFA0] =	vst v43;
	v58 =	vmov v18  }
0x1ba: {  	s22 =	smov.u32 s21;
	v36 =	vmovc v31;
	v10 =	vld [tilespmem:$0x1FF40];
	v4 =	vmovc v39;
	v61 =	vmov v40;
	v40 =	vmov v2;
	v1 =	vmov v21;
	[tilespmem:$0x1FFC0] =	vst v0  }
.LBB2_7:
.Ltmp9:
0x1bb: {  	v7 =	vmovc v61;
	v61 =	vmovc v45;
	v62 =	vmov v34;
	v63 =	vmov v4;
	v1 =	vmov v42;
	[tilespmem:$0x1FFB0] =	vst v5;
	(pc) =	sbr.rel .LBB2_12-.Ltmp9, $4  }
0x1bc: {  	v33 =	vmovc v36;
	v35 =	vmovc v6;
	v32 =	vmov v3;
	v3 =	vmov v59;
	v59 =	vmov v58;
	[tilespmem:$0x1FFE0] =	vst v2  }
0x1bd: {  	v45 =	vmovc v40;
	v40 =	vmovc v37;
	v42 =	vmov v21;
	v34 =	vmov v23;
	v4 =	vmov v24;
	[tilespmem:$0x1FFC0] =	vst v16  }
0x1be: {  	v6 =	vmovc v25;
	v58 =	vmovc v15;
	v36 =	vmov v26;
	[tilespmem:$0x1FFD0] =	vst v13;
	v28 =	vmov v0;
	v38 =	vmov v11  }
0x1bf: {  	s22 =	smov.u32 s20;
	v41 =	vld [tilespmem:$0x1FF90];
	s20 =	smov.u32 s21;
	v11 =	vmovc v17;
	[tilespmem:$0x1FF80] =	vst v7;
	v37 =	vmovc v3;
	v12 =	vmov v54;
	v46 =	vmov v43;
	v7 =	vmov v9  }
.LBB2_9:
0x1c0: {  	[tilespmem:$0x1FFB0] =	vst v17;
	v0 =	vld [tilespmem:$0x1FF50]  }
.Ltmp10:
0x1c1: {  	[tilespmem:$0x1FF80] =	vst v16;
	(pc) =	sbr.rel .LBB2_12-.Ltmp10, $4  }
0x1c2: {  	v54 =	vmovc v12;
	v61 =	vmov v40;
	v62 =	vmov v23;
	v63 =	vmov v24;
	v47 =	vld [tilespmem:$0x1FF30];
	[tilespmem:$0x1FFE0] =	vst v38  }
0x1c3: {  	v1 =	vmovc v21;
	v35 =	vmovc v25;
	v59 =	vmov v15;
	v60 =	vmov v41;
	v40 =	vmov v2;
	[tilespmem:$0x1FFD0] =	vst v27;
	v28 =	vld [tilespmem:$0x1FFF0]  }
0x1c4: {  	v37 =	vmovc v13;
	v41 =	vmovc v11;
	v38 =	vmov v19;
	v11 =	vld [tilespmem:$0x1FF20];
	[tilespmem:$0x1FFA0] =	vst v43;
	v58 =	vmov v18;
	v36 =	vmov v31  }
0x1c5: {  	s22 =	smov.u32 s21;
	v10 =	vld [tilespmem:$0x1FF40];
	v4 =	vmovc v39;
	v57 =	vmovc v32;
	v32 =	vmov v9;
	v56 =	vmov v33;
	v33 =	vmov v26;
	[tilespmem:$0x1FFC0] =	vst v0  }
.LBB2_14:
0x1c6: {  	_ =	sfence.sel $0x180000  }
0x1c7: {  	[bflag:$0x0] =	sbarrier.arrive $0xFFFF  }
0x1c8: {  	p0 =	sne.s32 s0, $0x0;
	_ =	strace $0x90000047  }
0x1c9: {  	s0 =	sadd.s32 @!p0 $0x100000, s1;
	[bflag:$0x2] =	sbarrier.arrive $0xFFFF  }
0x1ca: {  	[sflag:s0] =	ssyncadd.tile.s32 @!p0 $0x1;
	_ =	shalt  }
.Lfunc_end2:
_tile_overlayer_lowered:
.L_overlay_start_2:
0x1cb: {  	(tag) =	ssettag $0x2  }
0x1cc: {  	s0 =	rddreg [dreg:$0x0];
	s2 =	stileid.u32  }
0x1cd: {  	s1 =	rddreg [dreg:$0x1];
	p0 =	sne.s32 s2, $0x0  }
0x1ce: {  	s3 =	rddreg [dreg:$0x2];
	[bflag:$0x3] =	sbarrier.arrive $0xFFFF;
	s2 =	simm.s32 @!p0 $0x1C03  }
0x1cf: {  	[timem:s3], [sflag:s2] =	dma.local @!p0 [hbm:s0], s1  }
0x1d0: {  	s0 =	simm.s32 @!p0 $0x3  }
0x1d1: {  	_ =	swait.ge @!p0 [sflag:s0], s1  }
0x1d2: {  	s1 =	ssub.s32 @!p0 $0x0, s1;
	[sflag:s0] =	ssyncset.done @!p0 $0x0  }
0x1d3: {  	[sflag:s0] =	ssyncadd.s32 @!p0 s1  }
0x1d4: {  	[bflag:$0x3] =	sbarrier.arrive $0xFFFF  }
0x1d5: {  	_ =	shalt  }

</sc_bundles>
